<compile_context>
chip_gen: v7x
topology: tpu7x:2x2x1
jax: 0.10.2.dev20260603
libtpu: 0.0.44.dev20260713+nightly
codegen_flags: <defaults>
</compile_context>

<pallas_src>
import functools

import jax
import jax.numpy as jnp
from jax import lax
from jax.experimental import pallas as pl
from jax.experimental.pallas import tpu as pltpu
from jax.experimental.pallas import tpu_sc as plsc

_N = 10000
_E = 320000
_LAT = 64
_EPS = 1e-5

_NC, _NS = 2, 16
_NW = _NC * _NS
_EPW = _E // _NW
_CH = 80
_NCH = _EPW // _CH
_NP = 10240
_NPT = _NP // _NS

_BN = 2048
_GN = 5
_BE = 4000



_STG = 320


def _sc_gather(tbl, dst3, src3):
    mesh = plsc.VectorSubcoreMesh(core_axis_name="c", subcore_axis_name="s")

    @functools.partial(
        pl.kernel, mesh=mesh,
        out_type=jax.ShapeDtypeStruct((_E, _LAT), jnp.float32),
        scratch_types=[pltpu.VMEM((_NCH, _CH), jnp.int32),
                       pltpu.VMEM((_NCH, _CH), jnp.int32),
                       pltpu.VMEM((_CH, 2 * _LAT), jnp.float32),
                       pltpu.VMEM((_CH, 2 * _LAT), jnp.float32),
                       pltpu.VMEM((_CH, 2 * _LAT), jnp.float32),
                       pltpu.VMEM((_CH, 2 * _LAT), jnp.float32),
                       pltpu.VMEM((_CH, _LAT), jnp.float32),
                       pltpu.VMEM((_CH, _LAT), jnp.float32),
                       pltpu.SemaphoreType.DMA,
                       pltpu.SemaphoreType.DMA,
                       pltpu.SemaphoreType.DMA,
                       pltpu.SemaphoreType.DMA,
                       pltpu.SemaphoreType.DMA],
    )
    def k(t_h, d_h, s_h, g_h, di_v, si_v, rd0, rs0, rd1, rs1, g0, g1,
          sd0, ss0, sd1, ss1, sw):
        sid = lax.axis_index("s")
        cid = lax.axis_index("c")
        wid = sid * _NC + cid
        pltpu.sync_copy(d_h.at[wid], di_v)
        pltpu.sync_copy(s_h.at[wid], si_v)

        base = wid * _EPW
        rd = (rd0, rd1)
        rs = (rs0, rs1)
        gg = (g0, g1)
        sd = (sd0, sd1)
        ss = (ss0, ss1)

        def add_rows(rd_v, rs_v, g_v):
            @plsc.parallel_loop(0, _CH, unroll=8)
            def add_row(r):
                for c in range(_LAT // 16):
                    g_v[r, pl.ds(c * 16, 16)] = (
                        rd_v[r, pl.ds(c * 16, 16)]
                        + rs_v[r, pl.ds(_LAT + c * 16, 16)])

        def do_chunk(j, b, cpd, cps):
            cpd.wait()
            cps.wait()
            add_rows(rd[b], rs[b], gg[b])
            return pltpu.async_copy(
                gg[b], g_h.at[pl.ds(base + j * _CH, _CH)], sw)

        def outer(o, carry):
            j = o * 2
            cd0 = pltpu.async_copy(t_h.at[di_v.at[j]], rd[0], sd[0])
            cs0 = pltpu.async_copy(t_h.at[si_v.at[j]], rs[0], ss[0])
            cd1 = pltpu.async_copy(t_h.at[di_v.at[j + 1]], rd[1], sd[1])
            cs1 = pltpu.async_copy(t_h.at[si_v.at[j + 1]], rs[1], ss[1])
            w0 = do_chunk(j, 0, cd0, cs0)
            w1 = do_chunk(j + 1, 1, cd1, cs1)
            w0.wait()
            w1.wait()
            return carry

        lax.fori_loop(0, _NCH // 2, outer, 0, unroll=False)
        jl = _NCH - 1
        cd = pltpu.async_copy(t_h.at[di_v.at[jl]], rd[0], sd[0])
        cs = pltpu.async_copy(t_h.at[si_v.at[jl]], rs[0], ss[0])
        do_chunk(jl, 0, cd, cs).wait()

    return k(tbl, dst3, src3)


def _sc_scatter(msg, dst3, zeros):
    mesh = plsc.VectorSubcoreMesh(core_axis_name="c", subcore_axis_name="s")

    @functools.partial(
        pl.kernel, mesh=mesh,
        out_type=jax.ShapeDtypeStruct((_NC, _NP, 2 * _LAT), jnp.float32),
        scratch_types=[pltpu.VMEM((_NCH, _CH), jnp.int32),
                       pltpu.VMEM((_CH, 2 * _LAT), jnp.float32),
                       pltpu.VMEM((_CH, 2 * _LAT), jnp.float32),
                       pltpu.VMEM((_CH, 2 * _LAT), jnp.float32),
                       pltpu.VMEM_SHARED((_NP, 2 * _LAT), jnp.float32),
                       pltpu.SemaphoreType.DMA,
                       pltpu.SemaphoreType.DMA,
                       pltpu.SemaphoreType.DMA,
                       pltpu.SemaphoreType.DMA,
                       pltpu.SemaphoreType.DMA,
                       pltpu.SemaphoreType.DMA],
    )
    def k(m_h, d_h, z_h, out_h, di_v, rows0, rows1, rows2, acc_sh,
          sm0, sm1, sm2, sa0, sa1, sa2):
        cid = lax.axis_index("c")
        sid = lax.axis_index("s")
        wid = sid * _NC + cid
        for q in range(_NPT // _CH):
            r0 = sid * _NPT + q * _CH
            pltpu.sync_copy(z_h.at[pl.ds(r0, _CH)], rows0)
            pltpu.sync_copy(rows0, acc_sh.at[pl.ds(r0, _CH)])
        pltpu.sync_copy(d_h.at[wid], di_v)
        plsc.subcore_barrier()

        base = wid * _EPW
        rows = (rows0, rows1, rows2)
        sm = (sm0, sm1, sm2)
        sa = (sa0, sa1, sa2)

        def drain(b, j):
            pltpu.make_async_copy(rows[b], acc_sh.at[di_v.at[j]],
                                  sa[b]).wait()

        def chunk(b, j, guard):
            if guard:
                @pl.when(j >= 3)
                def _():
                    drain(b, j - 3)
            else:
                drain(b, j - 3)
            pltpu.async_copy(m_h.at[pl.ds(base + j * _CH, _CH)],
                             rows[b], sm[b]).wait()
            pltpu.async_copy(rows[b], acc_sh.at[di_v.at[j]], sa[b],
                             add=True)

        def outer(o, carry):
            j = o * 3
            for b in range(3):
                chunk(b, j + b, guard=True)
            return carry

        nfull = _NCH // 3
        lax.fori_loop(0, nfull, outer, 0, unroll=False)
        for j in range(3 * nfull, _NCH):
            chunk(j % 3, j, guard=False)
        for j in range(_NCH - 3, _NCH):
            drain(j % 3, j)
        plsc.subcore_barrier()
        for q in range(_NPT // _CH):
            r0 = sid * _NPT + q * _CH
            pltpu.sync_copy(acc_sh.at[pl.ds(r0, _CH)], rows0)
            pltpu.sync_copy(rows0, out_h.at[cid, pl.ds(r0, _CH)])

    return k(msg, dst3, zeros)



def _dot(a, b):
    return jnp.dot(a, b, preferred_element_type=jnp.float32)


def _ln(x, g, b):
    m = jnp.mean(x, axis=-1, keepdims=True)
    v = jnp.mean((x - m) ** 2, axis=-1, keepdims=True)
    return (x - m) * lax.rsqrt(v + _EPS) * g + b


def _sp(x):
    return jnp.maximum(x, 0.0) + jnp.log1p(jnp.exp(-jnp.abs(x)))


def _row(i):
    return (i, 0)


def _rep(i):
    return (0, 0)


def _wspecs(ws):
    return [pl.BlockSpec(w.shape, _rep) for w in ws]


def _enc_node(x, typ, ws):

    def body(x_r, t_r, w0, b0, w1, b1, w2, b2, g, bl, w1d, bm1, w1s,
             q0, c0, q1, c1, q2, c2, n_o, tb_o, gm_o):
        h = jnp.maximum(_dot(x_r[...], w0[...]) + b0[...], 0.0)
        h = jnp.maximum(_dot(h, w1[...]) + b1[...], 0.0)
        n = _ln(_dot(h, w2[...]) + b2[...], g[...], bl[...])
        n_o[...] = n
        tb_o[...] = jnp.concatenate(
            [_dot(n, w1d[...]) + bm1[...], _dot(n, w1s[...])], axis=1)
        t = _sp(_dot(t_r[...], q0[...]) + c0[...])
        t = _sp(_dot(t, q1[...]) + c1[...])
        gm_o[...] = _sp(_dot(t, q2[...]) + c2[...])

    return pl.pallas_call(
        body,
        grid=(_GN,),
        in_specs=[pl.BlockSpec((_BN, x.shape[1]), _row),
                  pl.BlockSpec((_BN, typ.shape[1]), _row)] + _wspecs(ws),
        out_specs=[pl.BlockSpec((_BN, _LAT), _row),
                   pl.BlockSpec((_BN, 2 * _LAT), _row),
                   pl.BlockSpec((_BN, 1), _row)],
        out_shape=[jax.ShapeDtypeStruct((_N, _LAT), jnp.float32),
                   jax.ShapeDtypeStruct((_NP, 2 * _LAT), jnp.float32),
                   jax.ShapeDtypeStruct((_N, 1), jnp.float32)],
    )(x, typ, *ws)


def _enc_edge(ea, ws):
    grid = _E // _BE

    def body(e_r, w0, b0, w1, b1, w2, b2, g, bl, out_r):
        h = jnp.maximum(_dot(e_r[...], w0[...]) + b0[...], 0.0)
        h = jnp.maximum(_dot(h, w1[...]) + b1[...], 0.0)
        e = _ln(_dot(h, w2[...]) + b2[...], g[...], bl[...])
        out_r[...] = jnp.concatenate([jnp.zeros_like(e), e], axis=1)

    return pl.pallas_call(
        body,
        grid=(grid,),
        in_specs=[pl.BlockSpec((_BE, ea.shape[1]), _row)] + _wspecs(ws),
        out_specs=pl.BlockSpec((_BE, 2 * _LAT), _row),
        out_shape=jax.ShapeDtypeStruct((_E, 2 * _LAT), jnp.float32),
    )(ea, *ws)


def _edge_step(gsum, me, ws):
    grid = _E // _BE

    def body(g_r, me_r, w1e, w2, b2, w3, b3, g, bl, out_o):
        e = me_r[...][:, _LAT:]
        h = jnp.maximum(g_r[...] + _dot(e, w1e[...]), 0.0)
        h = jnp.maximum(_dot(h, w2[...]) + b2[...], 0.0)
        msg = _ln(_dot(h, w3[...]) + b3[...], g[...], bl[...])
        out_o[...] = jnp.concatenate([msg, e + msg], axis=1)

    return pl.pallas_call(
        body,
        grid=(grid,),
        in_specs=[pl.BlockSpec((_BE, _LAT), _row),
                  pl.BlockSpec((_BE, 2 * _LAT), _row)] + _wspecs(ws),
        out_specs=pl.BlockSpec((_BE, 2 * _LAT), _row),
        out_shape=jax.ShapeDtypeStruct((_E, 2 * _LAT), jnp.float32),
    )(gsum, me, *ws)


def _node_body(n_r, a_r, u1n, u1a, b1, u2, b2, u3, b3, g, bl):
    n = n_r[...]
    a = a_r[...]
    agg = a[0, :, :_LAT] + a[1, :, :_LAT]
    h = jnp.maximum(_dot(n, u1n[...]) + _dot(agg, u1a[...]) + b1[...], 0.0)
    h = jnp.maximum(_dot(h, u2[...]) + b2[...], 0.0)
    upd = _ln(_dot(h, u3[...]) + b3[...], g[...], bl[...])
    return n + upd


_AGG_SPEC = pl.BlockSpec((2, _BN, 2 * _LAT), lambda i: (0, i, 0))


def _node_step(node, aggp, ws):

    def body(n_r, a_r, u1n, u1a, b1, u2, b2, u3, b3, g, bl,
             w1d, bm1, w1s, n_o, tb_o):
        nn = _node_body(n_r, a_r, u1n, u1a, b1, u2, b2, u3, b3, g, bl)
        n_o[...] = nn
        tb_o[...] = jnp.concatenate(
            [_dot(nn, w1d[...]) + bm1[...], _dot(nn, w1s[...])], axis=1)

    return pl.pallas_call(
        body,
        grid=(_GN,),
        in_specs=[pl.BlockSpec((_BN, _LAT), _row), _AGG_SPEC] + _wspecs(ws),
        out_specs=[pl.BlockSpec((_BN, _LAT), _row),
                   pl.BlockSpec((_BN, 2 * _LAT), _row)],
        out_shape=[jax.ShapeDtypeStruct((_N, _LAT), jnp.float32),
                   jax.ShapeDtypeStruct((_NP, 2 * _LAT), jnp.float32)],
    )(node, aggp, *ws)


def _decoder(node, ws):

    def body(n_r, d0, e0, d1, e1, d2, e2, m0, c0, m1, c1, m2, c2, f_o):
        o = jnp.maximum(_dot(n_r[...], d0[...]) + e0[...], 0.0)
        o = jnp.maximum(_dot(o, d1[...]) + e1[...], 0.0)
        o = _dot(o, d2[...]) + e2[...]
        f = _sp(_dot(o, m0[...]) + c0[...])
        f = _sp(_dot(f, m1[...]) + c1[...])
        f_o[...] = _dot(f, m2[...]) + c2[...]

    return pl.pallas_call(
        body,
        grid=(_GN,),
        in_specs=[pl.BlockSpec((_BN, _LAT), _row)] + _wspecs(ws),
        out_specs=pl.BlockSpec((_BN, 3), _row),
        out_shape=jax.ShapeDtypeStruct((_N, 3), jnp.float32),
    )(node, *ws)



def _b(v):
    return v.reshape(1, -1)


def _mlp_ws(ps):
    out = []
    for w, b in ps:
        out.extend([w, _b(b)])
    return out


def _split_w1(st):
    w1, b1 = st["edge_fn"][0]
    return w1[:_LAT], _b(b1), w1[_LAT:2 * _LAT], w1[2 * _LAT:]


def kernel(x, edge_index, edge_attr, type, params):
    p = params
    src = edge_index[0].astype(jnp.int32)
    dst = edge_index[1].astype(jnp.int32)
    dst3 = dst.reshape(_NW, _NCH, _CH)
    src3 = src.reshape(_NW, _NCH, _CH)
    zeros = jnp.zeros((_NP, 2 * _LAT), jnp.float32)

    steps = p["steps"]
    w1d0, b10, w1s0, _ = _split_w1(steps[0])

    enc_node_ws = (_mlp_ws(p["node_enc"])
                   + [_b(p["node_enc_ln"][0]), _b(p["node_enc_ln"][1])]
                   + [w1d0, b10, w1s0]
                   + _mlp_ws(p["mlp2"]))
    node, tbl, gamma = _enc_node(x, type, enc_node_ws)

    enc_edge_ws = (_mlp_ws(p["edge_enc"])
                   + [_b(p["edge_enc_ln"][0]), _b(p["edge_enc_ln"][1])])
    edge = _enc_edge(edge_attr, enc_edge_ws)

    def per_step(t):
        st = steps[t]
        w1d, bm1, w1s, w1e = _split_w1(st)
        del w1d, bm1, w1s
        ew = ([w1e] + _mlp_ws(st["edge_fn"][1:])
              + [_b(st["edge_ln"][0]), _b(st["edge_ln"][1])])
        un, bn = st["node_fn"][0]
        nw = ([un[:_LAT], un[_LAT:], _b(bn)] + _mlp_ws(st["node_fn"][1:])
              + [_b(st["node_ln"][0]), _b(st["node_ln"][1])])
        nst = steps[(t + 1) % len(steps)]
        w1dn, b1n, w1sn, _ = _split_w1(nst)
        return ew + nw + [w1dn, b1n, w1sn]

    n_ew = 7
    cols = list(zip(*[per_step(t) for t in range(len(steps))]))
    xs = [jnp.stack(c) for c in cols]

    def step_fn(carry, ws):
        node, tbl, me = carry
        gsum = _sc_gather(tbl, dst3, src3)
        me = _edge_step(gsum, me, ws[:n_ew])
        aggp = _sc_scatter(me, dst3, zeros)
        node, tbl = _node_step(node, aggp, ws[n_ew:])
        return (node, tbl, me), None

    (node, tbl, edge), _ = lax.scan(step_fn, (node, tbl, edge), xs)

    force = _decoder(node, _mlp_ws(p["decoder"]) + _mlp_ws(p["mlp1"]))
    return (force, gamma)

# --- scband reference (transcript-rebuilt; emitter-appended) ---
"""Pipeline reference for scband-fgn-44418551775946 (READ-ONLY COPY).

The authoritative reference and input builder live on the scoring server;
editing this copy changes nothing except your own understanding.
"""

import jax, jax.numpy as jnp
import numpy as np

N = 10000
E = 320000
D_NODE = 128
D_EDGE = 16
TYPE_OHE = 5
LATENT = 64
NODE_EMB = 64
HIDDEN = 64
NMLP = 2
MLP1_LAYERS = 2
F_OUT = 3
STEPS = 5


def _init_mlp(key, sizes):
    ps = []
    for i in range(len(sizes) - 1):
        key, k = jax.random.split(key)
        W = jax.random.normal(k, (sizes[i], sizes[i + 1]), jnp.float32) / np.sqrt(sizes[i])
        ps.append((W, jnp.zeros((sizes[i + 1],), jnp.float32)))
    return ps


def _mlp(ps, x, act, final_act=None):
    for i, (W, b) in enumerate(ps):
        x = x @ W + b
        if i < len(ps) - 1:
            x = act(x)
    if final_act is not None:
        x = final_act(x)
    return x


def _ln(x, g, b, eps=1e-5):
    m = jnp.mean(x, axis=-1, keepdims=True)
    v = jnp.var(x, axis=-1, keepdims=True)
    return (x - m) / jnp.sqrt(v + eps) * g + b


def setup_inputs(seed: int = 0) -> dict:
    key = jax.random.key(seed)
    ks = jax.random.split(key, 16)
    x = jax.random.normal(ks[0], (N, D_NODE), jnp.float32)
    edge_index = jax.random.randint(ks[1], (2, E), 0, N)
    edge_attr = jax.random.normal(ks[2], (E, D_EDGE), jnp.float32)
    typ = jax.random.uniform(ks[3], (N, TYPE_OHE), jnp.float32)
    hs = [HIDDEN] * NMLP
    params = {
        "node_enc": _init_mlp(ks[4], [D_NODE] + hs + [LATENT]),
        "node_enc_ln": (jnp.ones((LATENT,), jnp.float32), jnp.zeros((LATENT,), jnp.float32)),
        "edge_enc": _init_mlp(ks[5], [D_EDGE] + hs + [LATENT]),
        "edge_enc_ln": (jnp.ones((LATENT,), jnp.float32), jnp.zeros((LATENT,), jnp.float32)),
        "steps": [
            {
                "edge_fn": _init_mlp(jax.random.fold_in(ks[6], s), [3 * LATENT] + hs + [LATENT]),
                "edge_ln": (jnp.ones((LATENT,), jnp.float32), jnp.zeros((LATENT,), jnp.float32)),
                "node_fn": _init_mlp(jax.random.fold_in(ks[7], s), [2 * LATENT] + hs + [LATENT]),
                "node_ln": (jnp.ones((LATENT,), jnp.float32), jnp.zeros((LATENT,), jnp.float32)),
            }
            for s in range(STEPS)
        ],
        "decoder": _init_mlp(ks[8], [LATENT] + hs + [NODE_EMB]),
        "mlp1": _init_mlp(ks[9], [NODE_EMB] + [HIDDEN] * MLP1_LAYERS + [F_OUT]),
        "mlp2": _init_mlp(ks[10], [TYPE_OHE, 10, 5, 1]),
    }
    return {"x": x, "edge_index": edge_index, "edge_attr": edge_attr, "type": typ, "params": params}


def reference(x, edge_index, edge_attr, type, params):
    # Encoder: node/edge MLPs + LayerNorm (GNS EncodeProcessDecode)
    node = _ln(_mlp(params["node_enc"], x, jax.nn.relu), *params["node_enc_ln"])
    edge = _ln(_mlp(params["edge_enc"], edge_attr, jax.nn.relu), *params["edge_enc_ln"])
    src = edge_index[0]
    dst = edge_index[1]
    # Processor: residual interaction networks
    for st in params["steps"]:
        msg_in = jnp.concatenate([node[dst], node[src], edge], axis=-1)
        msg = _ln(_mlp(st["edge_fn"], msg_in, jax.nn.relu), *st["edge_ln"])
        agg = jax.ops.segment_sum(msg, dst, num_segments=node.shape[0])
        upd_in = jnp.concatenate([node, agg], axis=-1)
        upd = _ln(_mlp(st["node_fn"], upd_in, jax.nn.relu), *st["node_ln"])
        node = node + upd
        edge = edge + msg
    # Decoder
    out = _mlp(params["decoder"], node, jax.nn.relu)
    # FGN heads
    force = _mlp(params["mlp1"], out, jax.nn.softplus)
    gamma = _mlp(params["mlp2"], type, jax.nn.softplus, final_act=jax.nn.softplus)
    return (force, gamma)

if __name__ == "__main__":
    import jax
    _d = setup_inputs()
    print(jax.jit(kernel)(*tuple(_d.values())))

</pallas_src>

<mosaic_0001>
#map = affine_map<(d0, d1) -> (0, 0)>
#map1 = affine_map<(d0, d1) -> (0, 0, 0)>
module attributes {stable_mosaic.version = 14 : i64} {
  func.func @k(%arg0: i32, %arg1: i32, %arg2: memref<10240x128xf32, #tpu.memory_space<hbm>>, %arg3: memref<32x125x80xi32, #tpu.memory_space<hbm>>, %arg4: memref<32x125x80xi32, #tpu.memory_space<hbm>>, %arg5: memref<320000x64xf32, #tpu.memory_space<hbm>>, %arg6: memref<125x80xi32, #tpu.memory_space<vmem>>, %arg7: memref<125x80xi32, #tpu.memory_space<vmem>>, %arg8: memref<80x128xf32, #tpu.memory_space<vmem>>, %arg9: memref<80x128xf32, #tpu.memory_space<vmem>>, %arg10: memref<80x128xf32, #tpu.memory_space<vmem>>, %arg11: memref<80x128xf32, #tpu.memory_space<vmem>>, %arg12: memref<80x64xf32, #tpu.memory_space<vmem>>, %arg13: memref<80x64xf32, #tpu.memory_space<vmem>>, %arg14: memref<!tpu.dma_semaphore, #tpu.memory_space<semaphore_mem>>, %arg15: memref<!tpu.dma_semaphore, #tpu.memory_space<semaphore_mem>>, %arg16: memref<!tpu.dma_semaphore, #tpu.memory_space<semaphore_mem>>, %arg17: memref<!tpu.dma_semaphore, #tpu.memory_space<semaphore_mem>>, %arg18: memref<!tpu.dma_semaphore, #tpu.memory_space<semaphore_mem>>) attributes {dimension_semantics = [#tpu.dimension_semantics<core_parallel>, #tpu.dimension_semantics<subcore_parallel>], iteration_bounds = array<i64: 2, 16>, scalar_prefetch = 0 : i64, scratch_operands = 13 : i64, tpu.core_type = #tpu.core_type<sc_vector_subcore>, window_params = [{transform_indices = #map}, {transform_indices = #map1}, {transform_indices = #map1}, {transform_indices = #map}]} {
    %mul3A = arith.constant 2 : i32
    %mul3A_0 = arith.muli %arg1, %mul3A : i32
    %add3A = arith.addi %mul3A_0, %arg0 : i32
    "tpu.region"() ({
      %run_scoped3A = tpu.sem_alloc : memref<!tpu.dma_semaphore, #tpu.memory_space<semaphore_mem>>
      %dma_start3A_46 = arith.constant 0 : i32
      %dma_start3A_47 = arith.constant 0 : i32
      %dma_start3A_48 = tpu.memref_slice %arg3[%add3A, %dma_start3A_46, %dma_start3A_47] : memref<32x125x80xi32, #tpu.memory_space<hbm>> -> memref<1x125x80xi32, #tpu.memory_space<hbm>>
      %dma_start3A_49 = tpu.memref_squeeze %dma_start3A_48 : memref<1x125x80xi32, #tpu.memory_space<hbm>> -> memref<125x80xi32, #tpu.memory_space<hbm>>
      %dma_start3A_50 = arith.constant 0 : i32
      %dma_start3A_51 = arith.constant 0 : i32
      %dma_start3A_52 = tpu.memref_slice %arg3[%add3A, %dma_start3A_50, %dma_start3A_51] : memref<32x125x80xi32, #tpu.memory_space<hbm>> -> memref<1x125x80xi32, #tpu.memory_space<hbm>>
      %dma_start3A_53 = tpu.memref_squeeze %dma_start3A_52 : memref<1x125x80xi32, #tpu.memory_space<hbm>> -> memref<125x80xi32, #tpu.memory_space<hbm>>
      tpu.enqueue_dma source(%dma_start3A_53 : memref<125x80xi32, #tpu.memory_space<hbm>>) target(%arg6 : memref<125x80xi32, #tpu.memory_space<vmem>>) target_semaphore(%run_scoped3A : memref<!tpu.dma_semaphore, #tpu.memory_space<semaphore_mem>>)
      %dma_wait3A_54 = arith.constant 0 : i32
      %dma_wait3A_55 = arith.constant 0 : i32
      %dma_wait3A_56 = tpu.memref_slice %arg3[%add3A, %dma_wait3A_54, %dma_wait3A_55] : memref<32x125x80xi32, #tpu.memory_space<hbm>> -> memref<1x125x80xi32, #tpu.memory_space<hbm>>
      %dma_wait3A_57 = tpu.memref_squeeze %dma_wait3A_56 : memref<1x125x80xi32, #tpu.memory_space<hbm>> -> memref<125x80xi32, #tpu.memory_space<hbm>>
      %dma_wait3A_58 = arith.constant 0 : i32
      %dma_wait3A_59 = arith.constant 0 : i32
      %dma_wait3A_60 = tpu.memref_slice %arg3[%add3A, %dma_wait3A_58, %dma_wait3A_59] : memref<32x125x80xi32, #tpu.memory_space<hbm>> -> memref<1x125x80xi32, #tpu.memory_space<hbm>>
      %dma_wait3A_61 = tpu.memref_squeeze %dma_wait3A_60 : memref<1x125x80xi32, #tpu.memory_space<hbm>> -> memref<125x80xi32, #tpu.memory_space<hbm>>
      tpu.wait_dma2 semaphore(%run_scoped3A : memref<!tpu.dma_semaphore, #tpu.memory_space<semaphore_mem>>) src(%dma_wait3A_61 : memref<125x80xi32, #tpu.memory_space<hbm>>) dst(%arg6 : memref<125x80xi32, #tpu.memory_space<vmem>>)
      tpu.yield
    }) : () -> ()
    "tpu.region"() ({
      %run_scoped3A = tpu.sem_alloc : memref<!tpu.dma_semaphore, #tpu.memory_space<semaphore_mem>>
      %dma_start3A_46 = arith.constant 0 : i32
      %dma_start3A_47 = arith.constant 0 : i32
      %dma_start3A_48 = tpu.memref_slice %arg4[%add3A, %dma_start3A_46, %dma_start3A_47] : memref<32x125x80xi32, #tpu.memory_space<hbm>> -> memref<1x125x80xi32, #tpu.memory_space<hbm>>
      %dma_start3A_49 = tpu.memref_squeeze %dma_start3A_48 : memref<1x125x80xi32, #tpu.memory_space<hbm>> -> memref<125x80xi32, #tpu.memory_space<hbm>>
      %dma_start3A_50 = arith.constant 0 : i32
      %dma_start3A_51 = arith.constant 0 : i32
      %dma_start3A_52 = tpu.memref_slice %arg4[%add3A, %dma_start3A_50, %dma_start3A_51] : memref<32x125x80xi32, #tpu.memory_space<hbm>> -> memref<1x125x80xi32, #tpu.memory_space<hbm>>
      %dma_start3A_53 = tpu.memref_squeeze %dma_start3A_52 : memref<1x125x80xi32, #tpu.memory_space<hbm>> -> memref<125x80xi32, #tpu.memory_space<hbm>>
      tpu.enqueue_dma source(%dma_start3A_53 : memref<125x80xi32, #tpu.memory_space<hbm>>) target(%arg7 : memref<125x80xi32, #tpu.memory_space<vmem>>) target_semaphore(%run_scoped3A : memref<!tpu.dma_semaphore, #tpu.memory_space<semaphore_mem>>)
      %dma_wait3A_54 = arith.constant 0 : i32
      %dma_wait3A_55 = arith.constant 0 : i32
      %dma_wait3A_56 = tpu.memref_slice %arg4[%add3A, %dma_wait3A_54, %dma_wait3A_55] : memref<32x125x80xi32, #tpu.memory_space<hbm>> -> memref<1x125x80xi32, #tpu.memory_space<hbm>>
      %dma_wait3A_57 = tpu.memref_squeeze %dma_wait3A_56 : memref<1x125x80xi32, #tpu.memory_space<hbm>> -> memref<125x80xi32, #tpu.memory_space<hbm>>
      %dma_wait3A_58 = arith.constant 0 : i32
      %dma_wait3A_59 = arith.constant 0 : i32
      %dma_wait3A_60 = tpu.memref_slice %arg4[%add3A, %dma_wait3A_58, %dma_wait3A_59] : memref<32x125x80xi32, #tpu.memory_space<hbm>> -> memref<1x125x80xi32, #tpu.memory_space<hbm>>
      %dma_wait3A_61 = tpu.memref_squeeze %dma_wait3A_60 : memref<1x125x80xi32, #tpu.memory_space<hbm>> -> memref<125x80xi32, #tpu.memory_space<hbm>>
      tpu.wait_dma2 semaphore(%run_scoped3A : memref<!tpu.dma_semaphore, #tpu.memory_space<semaphore_mem>>) src(%dma_wait3A_61 : memref<125x80xi32, #tpu.memory_space<hbm>>) dst(%arg7 : memref<125x80xi32, #tpu.memory_space<vmem>>)
      tpu.yield
    }) : () -> ()
    %mul3A_1 = arith.constant 10000 : i32
    %mul3A_2 = arith.muli %add3A, %mul3A_1 : i32
    %scan3A = arith.constant 0 : i32
    %scan3A_3 = arith.constant 0 : i32
    %scan3A_4 = arith.constant 62 : i32
    %scan3A_5 = arith.addi %scan3A_3, %scan3A_4 : i32
    %scan3A_6 = arith.constant 1 : i32
    scf.for %scan3A_46 = %scan3A_3 to %scan3A_5 step %scan3A_6  : i32 {
      %mul3A_47 = arith.constant 2 : i32
      %mul3A_48 = arith.muli %scan3A_46, %mul3A_47 : i32
      %dma_start3A_49 = arith.constant 0 : i32
      %dma_start3A_50 = tpu.memref_slice %arg6[%mul3A_48, %dma_start3A_49] : memref<125x80xi32, #tpu.memory_space<vmem>> -> memref<1x80xi32, #tpu.memory_space<vmem>>
      %dma_start3A_51 = tpu.memref_squeeze %dma_start3A_50 : memref<1x80xi32, #tpu.memory_space<vmem>> -> memref<80xi32, #tpu.memory_space<vmem>>
      %dma_start3A_52 = arith.constant 0 : i32
      %dma_start3A_53 = arith.constant 0 : i32
      %dma_start3A_54 = tpu.memref_slice %arg2[%dma_start3A_52, %dma_start3A_53] : memref<10240x128xf32, #tpu.memory_space<hbm>> -> memref<10240x128xf32, #tpu.memory_space<hbm>>
      tpu.enqueue_indirect_dma source(%dma_start3A_54 : memref<10240x128xf32, #tpu.memory_space<hbm>>) target(%arg8 : memref<80x128xf32, #tpu.memory_space<vmem>>) offsets(%dma_start3A_51 : memref<80xi32, #tpu.memory_space<vmem>>) semaphore(%arg14 : memref<!tpu.dma_semaphore, #tpu.memory_space<semaphore_mem>>)
      %dma_start3A_55 = arith.constant 0 : i32
      %dma_start3A_56 = tpu.memref_slice %arg7[%mul3A_48, %dma_start3A_55] : memref<125x80xi32, #tpu.memory_space<vmem>> -> memref<1x80xi32, #tpu.memory_space<vmem>>
      %dma_start3A_57 = tpu.memref_squeeze %dma_start3A_56 : memref<1x80xi32, #tpu.memory_space<vmem>> -> memref<80xi32, #tpu.memory_space<vmem>>
      %dma_start3A_58 = arith.constant 0 : i32
      %dma_start3A_59 = arith.constant 0 : i32
      %dma_start3A_60 = tpu.memref_slice %arg2[%dma_start3A_58, %dma_start3A_59] : memref<10240x128xf32, #tpu.memory_space<hbm>> -> memref<10240x128xf32, #tpu.memory_space<hbm>>
      tpu.enqueue_indirect_dma source(%dma_start3A_60 : memref<10240x128xf32, #tpu.memory_space<hbm>>) target(%arg9 : memref<80x128xf32, #tpu.memory_space<vmem>>) offsets(%dma_start3A_57 : memref<80xi32, #tpu.memory_space<vmem>>) semaphore(%arg15 : memref<!tpu.dma_semaphore, #tpu.memory_space<semaphore_mem>>)
      %add3A_61 = arith.constant 1 : i32
      %add3A_62 = arith.addi %mul3A_48, %add3A_61 : i32
      %dma_start3A_63 = arith.constant 0 : i32
      %dma_start3A_64 = tpu.memref_slice %arg6[%add3A_62, %dma_start3A_63] : memref<125x80xi32, #tpu.memory_space<vmem>> -> memref<1x80xi32, #tpu.memory_space<vmem>>
      %dma_start3A_65 = tpu.memref_squeeze %dma_start3A_64 : memref<1x80xi32, #tpu.memory_space<vmem>> -> memref<80xi32, #tpu.memory_space<vmem>>
      %dma_start3A_66 = arith.constant 0 : i32
      %dma_start3A_67 = arith.constant 0 : i32
      %dma_start3A_68 = tpu.memref_slice %arg2[%dma_start3A_66, %dma_start3A_67] : memref<10240x128xf32, #tpu.memory_space<hbm>> -> memref<10240x128xf32, #tpu.memory_space<hbm>>
      tpu.enqueue_indirect_dma source(%dma_start3A_68 : memref<10240x128xf32, #tpu.memory_space<hbm>>) target(%arg10 : memref<80x128xf32, #tpu.memory_space<vmem>>) offsets(%dma_start3A_65 : memref<80xi32, #tpu.memory_space<vmem>>) semaphore(%arg16 : memref<!tpu.dma_semaphore, #tpu.memory_space<semaphore_mem>>)
      %add3A_69 = arith.constant 1 : i32
      %add3A_70 = arith.addi %mul3A_48, %add3A_69 : i32
      %dma_start3A_71 = arith.constant 0 : i32
      %dma_start3A_72 = tpu.memref_slice %arg7[%add3A_70, %dma_start3A_71] : memref<125x80xi32, #tpu.memory_space<vmem>> -> memref<1x80xi32, #tpu.memory_space<vmem>>
      %dma_start3A_73 = tpu.memref_squeeze %dma_start3A_72 : memref<1x80xi32, #tpu.memory_space<vmem>> -> memref<80xi32, #tpu.memory_space<vmem>>
      %dma_start3A_74 = arith.constant 0 : i32
      %dma_start3A_75 = arith.constant 0 : i32
      %dma_start3A_76 = tpu.memref_slice %arg2[%dma_start3A_74, %dma_start3A_75] : memref<10240x128xf32, #tpu.memory_space<hbm>> -> memref<10240x128xf32, #tpu.memory_space<hbm>>
      tpu.enqueue_indirect_dma source(%dma_start3A_76 : memref<10240x128xf32, #tpu.memory_space<hbm>>) target(%arg11 : memref<80x128xf32, #tpu.memory_space<vmem>>) offsets(%dma_start3A_73 : memref<80xi32, #tpu.memory_space<vmem>>) semaphore(%arg17 : memref<!tpu.dma_semaphore, #tpu.memory_space<semaphore_mem>>)
      %dma_wait3A_77 = arith.constant 0 : i32
      %dma_wait3A_78 = tpu.memref_slice %arg6[%mul3A_48, %dma_wait3A_77] : memref<125x80xi32, #tpu.memory_space<vmem>> -> memref<1x80xi32, #tpu.memory_space<vmem>>
      %dma_wait3A_79 = tpu.memref_squeeze %dma_wait3A_78 : memref<1x80xi32, #tpu.memory_space<vmem>> -> memref<80xi32, #tpu.memory_space<vmem>>
      %dma_wait3A_80 = arith.constant 0 : i32
      %dma_wait3A_81 = arith.constant 0 : i32
      %dma_wait3A_82 = tpu.memref_slice %arg2[%dma_wait3A_80, %dma_wait3A_81] : memref<10240x128xf32, #tpu.memory_space<hbm>> -> memref<10240x128xf32, #tpu.memory_space<hbm>>
      tpu.wait_indirect_dma semaphore(%arg14 : memref<!tpu.dma_semaphore, #tpu.memory_space<semaphore_mem>>) src(%dma_wait3A_82 : memref<10240x128xf32, #tpu.memory_space<hbm>>) dst(%arg8 : memref<80x128xf32, #tpu.memory_space<vmem>>)
      %dma_wait3A_83 = arith.constant 0 : i32
      %dma_wait3A_84 = tpu.memref_slice %arg7[%mul3A_48, %dma_wait3A_83] : memref<125x80xi32, #tpu.memory_space<vmem>> -> memref<1x80xi32, #tpu.memory_space<vmem>>
      %dma_wait3A_85 = tpu.memref_squeeze %dma_wait3A_84 : memref<1x80xi32, #tpu.memory_space<vmem>> -> memref<80xi32, #tpu.memory_space<vmem>>
      %dma_wait3A_86 = arith.constant 0 : i32
      %dma_wait3A_87 = arith.constant 0 : i32
      %dma_wait3A_88 = tpu.memref_slice %arg2[%dma_wait3A_86, %dma_wait3A_87] : memref<10240x128xf32, #tpu.memory_space<hbm>> -> memref<10240x128xf32, #tpu.memory_space<hbm>>
      tpu.wait_indirect_dma semaphore(%arg15 : memref<!tpu.dma_semaphore, #tpu.memory_space<semaphore_mem>>) src(%dma_wait3A_88 : memref<10240x128xf32, #tpu.memory_space<hbm>>) dst(%arg9 : memref<80x128xf32, #tpu.memory_space<vmem>>)
      %parallel_loop3A_89 = arith.constant 0 : i32
      %parallel_loop3A_90 = arith.constant 80 : i32
      %parallel_loop3A_91 = arith.constant 1 : i32
      scf.for %parallel_loop3A_131 = %parallel_loop3A_89 to %parallel_loop3A_90 step %parallel_loop3A_91  : i32 {
        %parallel_loop3A_132 = arith.index_cast %parallel_loop3A_131 : i32 to index
        %parallel_loop3A_133 = arith.constant 0 : index
        %parallel_loop3A_134 = tpu.vector_load %arg8[%parallel_loop3A_132, %parallel_loop3A_133] {strides = array<i32>} : memref<80x128xf32, #tpu.memory_space<vmem>>, vector<1x16xf32>,
        %parallel_loop3A_135 = vector.shape_cast %parallel_loop3A_134 : vector<1x16xf32> to vector<16xf32>
        %parallel_loop3A_136 = arith.index_cast %parallel_loop3A_131 : i32 to index
        %parallel_loop3A_137 = arith.constant 64 : index
        %parallel_loop3A_138 = tpu.vector_load %arg9[%parallel_loop3A_136, %parallel_loop3A_137] {strides = array<i32>} : memref<80x128xf32, #tpu.memory_space<vmem>>, vector<1x16xf32>,
        %parallel_loop3A_139 = vector.shape_cast %parallel_loop3A_138 : vector<1x16xf32> to vector<16xf32>
        %parallel_loop3A_140 = arith.addf %parallel_loop3A_135, %parallel_loop3A_139 : vector<16xf32>
        %parallel_loop3A_141 = arith.index_cast %parallel_loop3A_131 : i32 to index
        %parallel_loop3A_142 = arith.constant 0 : index
        %parallel_loop3A_143 = tpu.vector_load %arg12[%parallel_loop3A_141, %parallel_loop3A_142] {strides = array<i32>} : memref<80x64xf32, #tpu.memory_space<vmem>>, vector<1x16xf32>,
        %parallel_loop3A_144 = vector.shape_cast %parallel_loop3A_143 : vector<1x16xf32> to vector<16xf32>
        %parallel_loop3A_145 = vector.shape_cast %parallel_loop3A_140 : vector<16xf32> to vector<1x16xf32>
        tpu.vector_store %arg12[%parallel_loop3A_141, %parallel_loop3A_142], %parallel_loop3A_145 {strides = array<i32>} : memref<80x64xf32, #tpu.memory_space<vmem>>, vector<1x16xf32>,
        %parallel_loop3A_146 = arith.index_cast %parallel_loop3A_131 : i32 to index
        %parallel_loop3A_147 = arith.constant 16 : index
        %parallel_loop3A_148 = tpu.vector_load %arg8[%parallel_loop3A_146, %parallel_loop3A_147] {strides = array<i32>} : memref<80x128xf32, #tpu.memory_space<vmem>>, vector<1x16xf32>,
        %parallel_loop3A_149 = vector.shape_cast %parallel_loop3A_148 : vector<1x16xf32> to vector<16xf32>
        %parallel_loop3A_150 = arith.index_cast %parallel_loop3A_131 : i32 to index
        %parallel_loop3A_151 = arith.constant 80 : index
        %parallel_loop3A_152 = tpu.vector_load %arg9[%parallel_loop3A_150, %parallel_loop3A_151] {strides = array<i32>} : memref<80x128xf32, #tpu.memory_space<vmem>>, vector<1x16xf32>,
        %parallel_loop3A_153 = vector.shape_cast %parallel_loop3A_152 : vector<1x16xf32> to vector<16xf32>
        %parallel_loop3A_154 = arith.addf %parallel_loop3A_149, %parallel_loop3A_153 : vector<16xf32>
        %parallel_loop3A_155 = arith.index_cast %parallel_loop3A_131 : i32 to index
        %parallel_loop3A_156 = arith.constant 16 : index
        %parallel_loop3A_157 = tpu.vector_load %arg12[%parallel_loop3A_155, %parallel_loop3A_156] {strides = array<i32>} : memref<80x64xf32, #tpu.memory_space<vmem>>, vector<1x16xf32>,
        %parallel_loop3A_158 = vector.shape_cast %parallel_loop3A_157 : vector<1x16xf32> to vector<16xf32>
        %parallel_loop3A_159 = vector.shape_cast %parallel_loop3A_154 : vector<16xf32> to vector<1x16xf32>
        tpu.vector_store %arg12[%parallel_loop3A_155, %parallel_loop3A_156], %parallel_loop3A_159 {strides = array<i32>} : memref<80x64xf32, #tpu.memory_space<vmem>>, vector<1x16xf32>,
        %parallel_loop3A_160 = arith.index_cast %parallel_loop3A_131 : i32 to index
        %parallel_loop3A_161 = arith.constant 32 : index
        %parallel_loop3A_162 = tpu.vector_load %arg8[%parallel_loop3A_160, %parallel_loop3A_161] {strides = array<i32>} : memref<80x128xf32, #tpu.memory_space<vmem>>, vector<1x16xf32>,
        %parallel_loop3A_163 = vector.shape_cast %parallel_loop3A_162 : vector<1x16xf32> to vector<16xf32>
        %parallel_loop3A_164 = arith.index_cast %parallel_loop3A_131 : i32 to index
        %parallel_loop3A_165 = arith.constant 96 : index
        %parallel_loop3A_166 = tpu.vector_load %arg9[%parallel_loop3A_164, %parallel_loop3A_165] {strides = array<i32>} : memref<80x128xf32, #tpu.memory_space<vmem>>, vector<1x16xf32>,
        %parallel_loop3A_167 = vector.shape_cast %parallel_loop3A_166 : vector<1x16xf32> to vector<16xf32>
        %parallel_loop3A_168 = arith.addf %parallel_loop3A_163, %parallel_loop3A_167 : vector<16xf32>
        %parallel_loop3A_169 = arith.index_cast %parallel_loop3A_131 : i32 to index
        %parallel_loop3A_170 = arith.constant 32 : index
        %parallel_loop3A_171 = tpu.vector_load %arg12[%parallel_loop3A_169, %parallel_loop3A_170] {strides = array<i32>} : memref<80x64xf32, #tpu.memory_space<vmem>>, vector<1x16xf32>,
        %parallel_loop3A_172 = vector.shape_cast %parallel_loop3A_171 : vector<1x16xf32> to vector<16xf32>
        %parallel_loop3A_173 = vector.shape_cast %parallel_loop3A_168 : vector<16xf32> to vector<1x16xf32>
        tpu.vector_store %arg12[%parallel_loop3A_169, %parallel_loop3A_170], %parallel_loop3A_173 {strides = array<i32>} : memref<80x64xf32, #tpu.memory_space<vmem>>, vector<1x16xf32>,
        %parallel_loop3A_174 = arith.index_cast %parallel_loop3A_131 : i32 to index
        %parallel_loop3A_175 = arith.constant 48 : index
        %parallel_loop3A_176 = tpu.vector_load %arg8[%parallel_loop3A_174, %parallel_loop3A_175] {strides = array<i32>} : memref<80x128xf32, #tpu.memory_space<vmem>>, vector<1x16xf32>,
        %parallel_loop3A_177 = vector.shape_cast %parallel_loop3A_176 : vector<1x16xf32> to vector<16xf32>
        %parallel_loop3A_178 = arith.index_cast %parallel_loop3A_131 : i32 to index
        %parallel_loop3A_179 = arith.constant 112 : index
        %parallel_loop3A_180 = tpu.vector_load %arg9[%parallel_loop3A_178, %parallel_loop3A_179] {strides = array<i32>} : memref<80x128xf32, #tpu.memory_space<vmem>>, vector<1x16xf32>,
        %parallel_loop3A_181 = vector.shape_cast %parallel_loop3A_180 : vector<1x16xf32> to vector<16xf32>
        %parallel_loop3A_182 = arith.addf %parallel_loop3A_177, %parallel_loop3A_181 : vector<16xf32>
        %parallel_loop3A_183 = arith.index_cast %parallel_loop3A_131 : i32 to index
        %parallel_loop3A_184 = arith.constant 48 : index
        %parallel_loop3A_185 = tpu.vector_load %arg12[%parallel_loop3A_183, %parallel_loop3A_184] {strides = array<i32>} : memref<80x64xf32, #tpu.memory_space<vmem>>, vector<1x16xf32>,
        %parallel_loop3A_186 = vector.shape_cast %parallel_loop3A_185 : vector<1x16xf32> to vector<16xf32>
        %parallel_loop3A_187 = vector.shape_cast %parallel_loop3A_182 : vector<16xf32> to vector<1x16xf32>
        tpu.vector_store %arg12[%parallel_loop3A_183, %parallel_loop3A_184], %parallel_loop3A_187 {strides = array<i32>} : memref<80x64xf32, #tpu.memory_space<vmem>>, vector<1x16xf32>,
      } {sc.loop_unroll_factor = 8 : i64, sc.parallel_access}
      %mul3A_92 = arith.constant 80 : i32
      %mul3A_93 = arith.muli %mul3A_48, %mul3A_92 : i32
      %add3A_94 = arith.addi %mul3A_2, %mul3A_93 : i32
      %dma_start3A_95 = arith.constant 0 : i32
      %dma_start3A_96 = tpu.memref_slice %arg5[%add3A_94, %dma_start3A_95] : memref<320000x64xf32, #tpu.memory_space<hbm>> -> memref<80x64xf32, #tpu.memory_space<hbm>>
      %dma_start3A_97 = arith.constant 0 : i32
      %dma_start3A_98 = tpu.memref_slice %arg5[%add3A_94, %dma_start3A_97] : memref<320000x64xf32, #tpu.memory_space<hbm>> -> memref<80x64xf32, #tpu.memory_space<hbm>>
      tpu.enqueue_dma source(%arg12 : memref<80x64xf32, #tpu.memory_space<vmem>>) target(%dma_start3A_98 : memref<80x64xf32, #tpu.memory_space<hbm>>) target_semaphore(%arg18 : memref<!tpu.dma_semaphore, #tpu.memory_space<semaphore_mem>>)
      %add3A_99 = arith.constant 1 : i32
      %add3A_100 = arith.addi %mul3A_48, %add3A_99 : i32
      %dma_wait3A_101 = arith.constant 0 : i32
      %dma_wait3A_102 = tpu.memref_slice %arg6[%add3A_62, %dma_wait3A_101] : memref<125x80xi32, #tpu.memory_space<vmem>> -> memref<1x80xi32, #tpu.memory_space<vmem>>
      %dma_wait3A_103 = tpu.memref_squeeze %dma_wait3A_102 : memref<1x80xi32, #tpu.memory_space<vmem>> -> memref<80xi32, #tpu.memory_space<vmem>>
      %dma_wait3A_104 = arith.constant 0 : i32
      %dma_wait3A_105 = arith.constant 0 : i32
      %dma_wait3A_106 = tpu.memref_slice %arg2[%dma_wait3A_104, %dma_wait3A_105] : memref<10240x128xf32, #tpu.memory_space<hbm>> -> memref<10240x128xf32, #tpu.memory_space<hbm>>
      tpu.wait_indirect_dma semaphore(%arg16 : memref<!tpu.dma_semaphore, #tpu.memory_space<semaphore_mem>>) src(%dma_wait3A_106 : memref<10240x128xf32, #tpu.memory_space<hbm>>) dst(%arg10 : memref<80x128xf32, #tpu.memory_space<vmem>>)
      %dma_wait3A_107 = arith.constant 0 : i32
      %dma_wait3A_108 = tpu.memref_slice %arg7[%add3A_70, %dma_wait3A_107] : memref<125x80xi32, #tpu.memory_space<vmem>> -> memref<1x80xi32, #tpu.memory_space<vmem>>
      %dma_wait3A_109 = tpu.memref_squeeze %dma_wait3A_108 : memref<1x80xi32, #tpu.memory_space<vmem>> -> memref<80xi32, #tpu.memory_space<vmem>>
      %dma_wait3A_110 = arith.constant 0 : i32
      %dma_wait3A_111 = arith.constant 0 : i32
      %dma_wait3A_112 = tpu.memref_slice %arg2[%dma_wait3A_110, %dma_wait3A_111] : memref<10240x128xf32, #tpu.memory_space<hbm>> -> memref<10240x128xf32, #tpu.memory_space<hbm>>
      tpu.wait_indirect_dma semaphore(%arg17 : memref<!tpu.dma_semaphore, #tpu.memory_space<semaphore_mem>>) src(%dma_wait3A_112 : memref<10240x128xf32, #tpu.memory_space<hbm>>) dst(%arg11 : memref<80x128xf32, #tpu.memory_space<vmem>>)
      %parallel_loop3A_113 = arith.constant 0 : i32
      %parallel_loop3A_114 = arith.constant 80 : i32
      %parallel_loop3A_115 = arith.constant 1 : i32
      scf.for %parallel_loop3A_131 = %parallel_loop3A_113 to %parallel_loop3A_114 step %parallel_loop3A_115  : i32 {
        %parallel_loop3A_132 = arith.index_cast %parallel_loop3A_131 : i32 to index
        %parallel_loop3A_133 = arith.constant 0 : index
        %parallel_loop3A_134 = tpu.vector_load %arg10[%parallel_loop3A_132, %parallel_loop3A_133] {strides = array<i32>} : memref<80x128xf32, #tpu.memory_space<vmem>>, vector<1x16xf32>,
        %parallel_loop3A_135 = vector.shape_cast %parallel_loop3A_134 : vector<1x16xf32> to vector<16xf32>
        %parallel_loop3A_136 = arith.index_cast %parallel_loop3A_131 : i32 to index
        %parallel_loop3A_137 = arith.constant 64 : index
        %parallel_loop3A_138 = tpu.vector_load %arg11[%parallel_loop3A_136, %parallel_loop3A_137] {strides = array<i32>} : memref<80x128xf32, #tpu.memory_space<vmem>>, vector<1x16xf32>,
        %parallel_loop3A_139 = vector.shape_cast %parallel_loop3A_138 : vector<1x16xf32> to vector<16xf32>
        %parallel_loop3A_140 = arith.addf %parallel_loop3A_135, %parallel_loop3A_139 : vector<16xf32>
        %parallel_loop3A_141 = arith.index_cast %parallel_loop3A_131 : i32 to index
        %parallel_loop3A_142 = arith.constant 0 : index
        %parallel_loop3A_143 = tpu.vector_load %arg13[%parallel_loop3A_141, %parallel_loop3A_142] {strides = array<i32>} : memref<80x64xf32, #tpu.memory_space<vmem>>, vector<1x16xf32>,
        %parallel_loop3A_144 = vector.shape_cast %parallel_loop3A_143 : vector<1x16xf32> to vector<16xf32>
        %parallel_loop3A_145 = vector.shape_cast %parallel_loop3A_140 : vector<16xf32> to vector<1x16xf32>
        tpu.vector_store %arg13[%parallel_loop3A_141, %parallel_loop3A_142], %parallel_loop3A_145 {strides = array<i32>} : memref<80x64xf32, #tpu.memory_space<vmem>>, vector<1x16xf32>,
        %parallel_loop3A_146 = arith.index_cast %parallel_loop3A_131 : i32 to index
        %parallel_loop3A_147 = arith.constant 16 : index
        %parallel_loop3A_148 = tpu.vector_load %arg10[%parallel_loop3A_146, %parallel_loop3A_147] {strides = array<i32>} : memref<80x128xf32, #tpu.memory_space<vmem>>, vector<1x16xf32>,
        %parallel_loop3A_149 = vector.shape_cast %parallel_loop3A_148 : vector<1x16xf32> to vector<16xf32>
        %parallel_loop3A_150 = arith.index_cast %parallel_loop3A_131 : i32 to index
        %parallel_loop3A_151 = arith.constant 80 : index
        %parallel_loop3A_152 = tpu.vector_load %arg11[%parallel_loop3A_150, %parallel_loop3A_151] {strides = array<i32>} : memref<80x128xf32, #tpu.memory_space<vmem>>, vector<1x16xf32>,
        %parallel_loop3A_153 = vector.shape_cast %parallel_loop3A_152 : vector<1x16xf32> to vector<16xf32>
        %parallel_loop3A_154 = arith.addf %parallel_loop3A_149, %parallel_loop3A_153 : vector<16xf32>
        %parallel_loop3A_155 = arith.index_cast %parallel_loop3A_131 : i32 to index
        %parallel_loop3A_156 = arith.constant 16 : index
        %parallel_loop3A_157 = tpu.vector_load %arg13[%parallel_loop3A_155, %parallel_loop3A_156] {strides = array<i32>} : memref<80x64xf32, #tpu.memory_space<vmem>>, vector<1x16xf32>,
        %parallel_loop3A_158 = vector.shape_cast %parallel_loop3A_157 : vector<1x16xf32> to vector<16xf32>
        %parallel_loop3A_159 = vector.shape_cast %parallel_loop3A_154 : vector<16xf32> to vector<1x16xf32>
        tpu.vector_store %arg13[%parallel_loop3A_155, %parallel_loop3A_156], %parallel_loop3A_159 {strides = array<i32>} : memref<80x64xf32, #tpu.memory_space<vmem>>, vector<1x16xf32>,
        %parallel_loop3A_160 = arith.index_cast %parallel_loop3A_131 : i32 to index
        %parallel_loop3A_161 = arith.constant 32 : index
        %parallel_loop3A_162 = tpu.vector_load %arg10[%parallel_loop3A_160, %parallel_loop3A_161] {strides = array<i32>} : memref<80x128xf32, #tpu.memory_space<vmem>>, vector<1x16xf32>,
        %parallel_loop3A_163 = vector.shape_cast %parallel_loop3A_162 : vector<1x16xf32> to vector<16xf32>
        %parallel_loop3A_164 = arith.index_cast %parallel_loop3A_131 : i32 to index
        %parallel_loop3A_165 = arith.constant 96 : index
        %parallel_loop3A_166 = tpu.vector_load %arg11[%parallel_loop3A_164, %parallel_loop3A_165] {strides = array<i32>} : memref<80x128xf32, #tpu.memory_space<vmem>>, vector<1x16xf32>,
        %parallel_loop3A_167 = vector.shape_cast %parallel_loop3A_166 : vector<1x16xf32> to vector<16xf32>
        %parallel_loop3A_168 = arith.addf %parallel_loop3A_163, %parallel_loop3A_167 : vector<16xf32>
        %parallel_loop3A_169 = arith.index_cast %parallel_loop3A_131 : i32 to index
        %parallel_loop3A_170 = arith.constant 32 : index
        %parallel_loop3A_171 = tpu.vector_load %arg13[%parallel_loop3A_169, %parallel_loop3A_170] {strides = array<i32>} : memref<80x64xf32, #tpu.memory_space<vmem>>, vector<1x16xf32>,
        %parallel_loop3A_172 = vector.shape_cast %parallel_loop3A_171 : vector<1x16xf32> to vector<16xf32>
        %parallel_loop3A_173 = vector.shape_cast %parallel_loop3A_168 : vector<16xf32> to vector<1x16xf32>
        tpu.vector_store %arg13[%parallel_loop3A_169, %parallel_loop3A_170], %parallel_loop3A_173 {strides = array<i32>} : memref<80x64xf32, #tpu.memory_space<vmem>>, vector<1x16xf32>,
        %parallel_loop3A_174 = arith.index_cast %parallel_loop3A_131 : i32 to index
        %parallel_loop3A_175 = arith.constant 48 : index
        %parallel_loop3A_176 = tpu.vector_load %arg10[%parallel_loop3A_174, %parallel_loop3A_175] {strides = array<i32>} : memref<80x128xf32, #tpu.memory_space<vmem>>, vector<1x16xf32>,
        %parallel_loop3A_177 = vector.shape_cast %parallel_loop3A_176 : vector<1x16xf32> to vector<16xf32>
        %parallel_loop3A_178 = arith.index_cast %parallel_loop3A_131 : i32 to index
        %parallel_loop3A_179 = arith.constant 112 : index
        %parallel_loop3A_180 = tpu.vector_load %arg11[%parallel_loop3A_178, %parallel_loop3A_179] {strides = array<i32>} : memref<80x128xf32, #tpu.memory_space<vmem>>, vector<1x16xf32>,
        %parallel_loop3A_181 = vector.shape_cast %parallel_loop3A_180 : vector<1x16xf32> to vector<16xf32>
        %parallel_loop3A_182 = arith.addf %parallel_loop3A_177, %parallel_loop3A_181 : vector<16xf32>
        %parallel_loop3A_183 = arith.index_cast %parallel_loop3A_131 : i32 to index
        %parallel_loop3A_184 = arith.constant 48 : index
        %parallel_loop3A_185 = tpu.vector_load %arg13[%parallel_loop3A_183, %parallel_loop3A_184] {strides = array<i32>} : memref<80x64xf32, #tpu.memory_space<vmem>>, vector<1x16xf32>,
        %parallel_loop3A_186 = vector.shape_cast %parallel_loop3A_185 : vector<1x16xf32> to vector<16xf32>
        %parallel_loop3A_187 = vector.shape_cast %parallel_loop3A_182 : vector<16xf32> to vector<1x16xf32>
        tpu.vector_store %arg13[%parallel_loop3A_183, %parallel_loop3A_184], %parallel_loop3A_187 {strides = array<i32>} : memref<80x64xf32, #tpu.memory_space<vmem>>, vector<1x16xf32>,
      } {sc.loop_unroll_factor = 8 : i64, sc.parallel_access}
      %mul3A_116 = arith.constant 80 : i32
      %mul3A_117 = arith.muli %add3A_100, %mul3A_116 : i32
      %add3A_118 = arith.addi %mul3A_2, %mul3A_117 : i32
      %dma_start3A_119 = arith.constant 0 : i32
      %dma_start3A_120 = tpu.memref_slice %arg5[%add3A_118, %dma_start3A_119] : memref<320000x64xf32, #tpu.memory_space<hbm>> -> memref<80x64xf32, #tpu.memory_space<hbm>>
      %dma_start3A_121 = arith.constant 0 : i32
      %dma_start3A_122 = tpu.memref_slice %arg5[%add3A_118, %dma_start3A_121] : memref<320000x64xf32, #tpu.memory_space<hbm>> -> memref<80x64xf32, #tpu.memory_space<hbm>>
      tpu.enqueue_dma source(%arg13 : memref<80x64xf32, #tpu.memory_space<vmem>>) target(%dma_start3A_122 : memref<80x64xf32, #tpu.memory_space<hbm>>) target_semaphore(%arg18 : memref<!tpu.dma_semaphore, #tpu.memory_space<semaphore_mem>>)
      %dma_wait3A_123 = arith.constant 0 : i32
      %dma_wait3A_124 = tpu.memref_slice %arg5[%add3A_94, %dma_wait3A_123] : memref<320000x64xf32, #tpu.memory_space<hbm>> -> memref<80x64xf32, #tpu.memory_space<hbm>>
      %dma_wait3A_125 = arith.constant 0 : i32
      %dma_wait3A_126 = tpu.memref_slice %arg5[%add3A_94, %dma_wait3A_125] : memref<320000x64xf32, #tpu.memory_space<hbm>> -> memref<80x64xf32, #tpu.memory_space<hbm>>
      tpu.wait_dma2 semaphore(%arg18 : memref<!tpu.dma_semaphore, #tpu.memory_space<semaphore_mem>>) src(%arg12 : memref<80x64xf32, #tpu.memory_space<vmem>>) dst(%dma_wait3A_126 : memref<80x64xf32, #tpu.memory_space<hbm>>)
      %dma_wait3A_127 = arith.constant 0 : i32
      %dma_wait3A_128 = tpu.memref_slice %arg5[%add3A_118, %dma_wait3A_127] : memref<320000x64xf32, #tpu.memory_space<hbm>> -> memref<80x64xf32, #tpu.memory_space<hbm>>
      %dma_wait3A_129 = arith.constant 0 : i32
      %dma_wait3A_130 = tpu.memref_slice %arg5[%add3A_118, %dma_wait3A_129] : memref<320000x64xf32, #tpu.memory_space<hbm>> -> memref<80x64xf32, #tpu.memory_space<hbm>>
      tpu.wait_dma2 semaphore(%arg18 : memref<!tpu.dma_semaphore, #tpu.memory_space<semaphore_mem>>) src(%arg13 : memref<80x64xf32, #tpu.memory_space<vmem>>) dst(%dma_wait3A_130 : memref<80x64xf32, #tpu.memory_space<hbm>>)
    }
    %scan3A_7 = arith.constant 62 : i32
    %dma_start3A = arith.constant 124 : i32
    %dma_start3A_8 = arith.constant 0 : i32
    %dma_start3A_9 = tpu.memref_slice %arg6[%dma_start3A, %dma_start3A_8] : memref<125x80xi32, #tpu.memory_space<vmem>> -> memref<1x80xi32, #tpu.memory_space<vmem>>
    %dma_start3A_10 = tpu.memref_squeeze %dma_start3A_9 : memref<1x80xi32, #tpu.memory_space<vmem>> -> memref<80xi32, #tpu.memory_space<vmem>>
    %dma_start3A_11 = arith.constant 0 : i32
    %dma_start3A_12 = arith.constant 0 : i32
    %dma_start3A_13 = tpu.memref_slice %arg2[%dma_start3A_11, %dma_start3A_12] : memref<10240x128xf32, #tpu.memory_space<hbm>> -> memref<10240x128xf32, #tpu.memory_space<hbm>>
    tpu.enqueue_indirect_dma source(%dma_start3A_13 : memref<10240x128xf32, #tpu.memory_space<hbm>>) target(%arg8 : memref<80x128xf32, #tpu.memory_space<vmem>>) offsets(%dma_start3A_10 : memref<80xi32, #tpu.memory_space<vmem>>) semaphore(%arg14 : memref<!tpu.dma_semaphore, #tpu.memory_space<semaphore_mem>>)
    %dma_start3A_14 = arith.constant 124 : i32
    %dma_start3A_15 = arith.constant 0 : i32
    %dma_start3A_16 = tpu.memref_slice %arg7[%dma_start3A_14, %dma_start3A_15] : memref<125x80xi32, #tpu.memory_space<vmem>> -> memref<1x80xi32, #tpu.memory_space<vmem>>
    %dma_start3A_17 = tpu.memref_squeeze %dma_start3A_16 : memref<1x80xi32, #tpu.memory_space<vmem>> -> memref<80xi32, #tpu.memory_space<vmem>>
    %dma_start3A_18 = arith.constant 0 : i32
    %dma_start3A_19 = arith.constant 0 : i32
    %dma_start3A_20 = tpu.memref_slice %arg2[%dma_start3A_18, %dma_start3A_19] : memref<10240x128xf32, #tpu.memory_space<hbm>> -> memref<10240x128xf32, #tpu.memory_space<hbm>>
    tpu.enqueue_indirect_dma source(%dma_start3A_20 : memref<10240x128xf32, #tpu.memory_space<hbm>>) target(%arg9 : memref<80x128xf32, #tpu.memory_space<vmem>>) offsets(%dma_start3A_17 : memref<80xi32, #tpu.memory_space<vmem>>) semaphore(%arg15 : memref<!tpu.dma_semaphore, #tpu.memory_space<semaphore_mem>>)
    %dma_wait3A = arith.constant 124 : i32
    %dma_wait3A_21 = arith.constant 0 : i32
    %dma_wait3A_22 = tpu.memref_slice %arg6[%dma_wait3A, %dma_wait3A_21] : memref<125x80xi32, #tpu.memory_space<vmem>> -> memref<1x80xi32, #tpu.memory_space<vmem>>
    %dma_wait3A_23 = tpu.memref_squeeze %dma_wait3A_22 : memref<1x80xi32, #tpu.memory_space<vmem>> -> memref<80xi32, #tpu.memory_space<vmem>>
    %dma_wait3A_24 = arith.constant 0 : i32
    %dma_wait3A_25 = arith.constant 0 : i32
    %dma_wait3A_26 = tpu.memref_slice %arg2[%dma_wait3A_24, %dma_wait3A_25] : memref<10240x128xf32, #tpu.memory_space<hbm>> -> memref<10240x128xf32, #tpu.memory_space<hbm>>
    tpu.wait_indirect_dma semaphore(%arg14 : memref<!tpu.dma_semaphore, #tpu.memory_space<semaphore_mem>>) src(%dma_wait3A_26 : memref<10240x128xf32, #tpu.memory_space<hbm>>) dst(%arg8 : memref<80x128xf32, #tpu.memory_space<vmem>>)
    %dma_wait3A_27 = arith.constant 124 : i32
    %dma_wait3A_28 = arith.constant 0 : i32
    %dma_wait3A_29 = tpu.memref_slice %arg7[%dma_wait3A_27, %dma_wait3A_28] : memref<125x80xi32, #tpu.memory_space<vmem>> -> memref<1x80xi32, #tpu.memory_space<vmem>>
    %dma_wait3A_30 = tpu.memref_squeeze %dma_wait3A_29 : memref<1x80xi32, #tpu.memory_space<vmem>> -> memref<80xi32, #tpu.memory_space<vmem>>
    %dma_wait3A_31 = arith.constant 0 : i32
    %dma_wait3A_32 = arith.constant 0 : i32
    %dma_wait3A_33 = tpu.memref_slice %arg2[%dma_wait3A_31, %dma_wait3A_32] : memref<10240x128xf32, #tpu.memory_space<hbm>> -> memref<10240x128xf32, #tpu.memory_space<hbm>>
    tpu.wait_indirect_dma semaphore(%arg15 : memref<!tpu.dma_semaphore, #tpu.memory_space<semaphore_mem>>) src(%dma_wait3A_33 : memref<10240x128xf32, #tpu.memory_space<hbm>>) dst(%arg9 : memref<80x128xf32, #tpu.memory_space<vmem>>)
    %parallel_loop3A = arith.constant 0 : i32
    %parallel_loop3A_34 = arith.constant 80 : i32
    %parallel_loop3A_35 = arith.constant 1 : i32
    scf.for %parallel_loop3A_46 = %parallel_loop3A to %parallel_loop3A_34 step %parallel_loop3A_35  : i32 {
      %parallel_loop3A_47 = arith.index_cast %parallel_loop3A_46 : i32 to index
      %parallel_loop3A_48 = arith.constant 0 : index
      %parallel_loop3A_49 = tpu.vector_load %arg8[%parallel_loop3A_47, %parallel_loop3A_48] {strides = array<i32>} : memref<80x128xf32, #tpu.memory_space<vmem>>, vector<1x16xf32>,
      %parallel_loop3A_50 = vector.shape_cast %parallel_loop3A_49 : vector<1x16xf32> to vector<16xf32>
      %parallel_loop3A_51 = arith.index_cast %parallel_loop3A_46 : i32 to index
      %parallel_loop3A_52 = arith.constant 64 : index
      %parallel_loop3A_53 = tpu.vector_load %arg9[%parallel_loop3A_51, %parallel_loop3A_52] {strides = array<i32>} : memref<80x128xf32, #tpu.memory_space<vmem>>, vector<1x16xf32>,
      %parallel_loop3A_54 = vector.shape_cast %parallel_loop3A_53 : vector<1x16xf32> to vector<16xf32>
      %parallel_loop3A_55 = arith.addf %parallel_loop3A_50, %parallel_loop3A_54 : vector<16xf32>
      %parallel_loop3A_56 = arith.index_cast %parallel_loop3A_46 : i32 to index
      %parallel_loop3A_57 = arith.constant 0 : index
      %parallel_loop3A_58 = tpu.vector_load %arg12[%parallel_loop3A_56, %parallel_loop3A_57] {strides = array<i32>} : memref<80x64xf32, #tpu.memory_space<vmem>>, vector<1x16xf32>,
      %parallel_loop3A_59 = vector.shape_cast %parallel_loop3A_58 : vector<1x16xf32> to vector<16xf32>
      %parallel_loop3A_60 = vector.shape_cast %parallel_loop3A_55 : vector<16xf32> to vector<1x16xf32>
      tpu.vector_store %arg12[%parallel_loop3A_56, %parallel_loop3A_57], %parallel_loop3A_60 {strides = array<i32>} : memref<80x64xf32, #tpu.memory_space<vmem>>, vector<1x16xf32>,
      %parallel_loop3A_61 = arith.index_cast %parallel_loop3A_46 : i32 to index
      %parallel_loop3A_62 = arith.constant 16 : index
      %parallel_loop3A_63 = tpu.vector_load %arg8[%parallel_loop3A_61, %parallel_loop3A_62] {strides = array<i32>} : memref<80x128xf32, #tpu.memory_space<vmem>>, vector<1x16xf32>,
      %parallel_loop3A_64 = vector.shape_cast %parallel_loop3A_63 : vector<1x16xf32> to vector<16xf32>
      %parallel_loop3A_65 = arith.index_cast %parallel_loop3A_46 : i32 to index
      %parallel_loop3A_66 = arith.constant 80 : index
      %parallel_loop3A_67 = tpu.vector_load %arg9[%parallel_loop3A_65, %parallel_loop3A_66] {strides = array<i32>} : memref<80x128xf32, #tpu.memory_space<vmem>>, vector<1x16xf32>,
      %parallel_loop3A_68 = vector.shape_cast %parallel_loop3A_67 : vector<1x16xf32> to vector<16xf32>
      %parallel_loop3A_69 = arith.addf %parallel_loop3A_64, %parallel_loop3A_68 : vector<16xf32>
      %parallel_loop3A_70 = arith.index_cast %parallel_loop3A_46 : i32 to index
      %parallel_loop3A_71 = arith.constant 16 : index
      %parallel_loop3A_72 = tpu.vector_load %arg12[%parallel_loop3A_70, %parallel_loop3A_71] {strides = array<i32>} : memref<80x64xf32, #tpu.memory_space<vmem>>, vector<1x16xf32>,
      %parallel_loop3A_73 = vector.shape_cast %parallel_loop3A_72 : vector<1x16xf32> to vector<16xf32>
      %parallel_loop3A_74 = vector.shape_cast %parallel_loop3A_69 : vector<16xf32> to vector<1x16xf32>
      tpu.vector_store %arg12[%parallel_loop3A_70, %parallel_loop3A_71], %parallel_loop3A_74 {strides = array<i32>} : memref<80x64xf32, #tpu.memory_space<vmem>>, vector<1x16xf32>,
      %parallel_loop3A_75 = arith.index_cast %parallel_loop3A_46 : i32 to index
      %parallel_loop3A_76 = arith.constant 32 : index
      %parallel_loop3A_77 = tpu.vector_load %arg8[%parallel_loop3A_75, %parallel_loop3A_76] {strides = array<i32>} : memref<80x128xf32, #tpu.memory_space<vmem>>, vector<1x16xf32>,
      %parallel_loop3A_78 = vector.shape_cast %parallel_loop3A_77 : vector<1x16xf32> to vector<16xf32>
      %parallel_loop3A_79 = arith.index_cast %parallel_loop3A_46 : i32 to index
      %parallel_loop3A_80 = arith.constant 96 : index
      %parallel_loop3A_81 = tpu.vector_load %arg9[%parallel_loop3A_79, %parallel_loop3A_80] {strides = array<i32>} : memref<80x128xf32, #tpu.memory_space<vmem>>, vector<1x16xf32>,
      %parallel_loop3A_82 = vector.shape_cast %parallel_loop3A_81 : vector<1x16xf32> to vector<16xf32>
      %parallel_loop3A_83 = arith.addf %parallel_loop3A_78, %parallel_loop3A_82 : vector<16xf32>
      %parallel_loop3A_84 = arith.index_cast %parallel_loop3A_46 : i32 to index
      %parallel_loop3A_85 = arith.constant 32 : index
      %parallel_loop3A_86 = tpu.vector_load %arg12[%parallel_loop3A_84, %parallel_loop3A_85] {strides = array<i32>} : memref<80x64xf32, #tpu.memory_space<vmem>>, vector<1x16xf32>,
      %parallel_loop3A_87 = vector.shape_cast %parallel_loop3A_86 : vector<1x16xf32> to vector<16xf32>
      %parallel_loop3A_88 = vector.shape_cast %parallel_loop3A_83 : vector<16xf32> to vector<1x16xf32>
      tpu.vector_store %arg12[%parallel_loop3A_84, %parallel_loop3A_85], %parallel_loop3A_88 {strides = array<i32>} : memref<80x64xf32, #tpu.memory_space<vmem>>, vector<1x16xf32>,
      %parallel_loop3A_89 = arith.index_cast %parallel_loop3A_46 : i32 to index
      %parallel_loop3A_90 = arith.constant 48 : index
      %parallel_loop3A_91 = tpu.vector_load %arg8[%parallel_loop3A_89, %parallel_loop3A_90] {strides = array<i32>} : memref<80x128xf32, #tpu.memory_space<vmem>>, vector<1x16xf32>,
      %parallel_loop3A_92 = vector.shape_cast %parallel_loop3A_91 : vector<1x16xf32> to vector<16xf32>
      %parallel_loop3A_93 = arith.index_cast %parallel_loop3A_46 : i32 to index
      %parallel_loop3A_94 = arith.constant 112 : index
      %parallel_loop3A_95 = tpu.vector_load %arg9[%parallel_loop3A_93, %parallel_loop3A_94] {strides = array<i32>} : memref<80x128xf32, #tpu.memory_space<vmem>>, vector<1x16xf32>,
      %parallel_loop3A_96 = vector.shape_cast %parallel_loop3A_95 : vector<1x16xf32> to vector<16xf32>
      %parallel_loop3A_97 = arith.addf %parallel_loop3A_92, %parallel_loop3A_96 : vector<16xf32>
      %parallel_loop3A_98 = arith.index_cast %parallel_loop3A_46 : i32 to index
      %parallel_loop3A_99 = arith.constant 48 : index
      %parallel_loop3A_100 = tpu.vector_load %arg12[%parallel_loop3A_98, %parallel_loop3A_99] {strides = array<i32>} : memref<80x64xf32, #tpu.memory_space<vmem>>, vector<1x16xf32>,
      %parallel_loop3A_101 = vector.shape_cast %parallel_loop3A_100 : vector<1x16xf32> to vector<16xf32>
      %parallel_loop3A_102 = vector.shape_cast %parallel_loop3A_97 : vector<16xf32> to vector<1x16xf32>
      tpu.vector_store %arg12[%parallel_loop3A_98, %parallel_loop3A_99], %parallel_loop3A_102 {strides = array<i32>} : memref<80x64xf32, #tpu.memory_space<vmem>>, vector<1x16xf32>,
    } {sc.loop_unroll_factor = 8 : i64, sc.parallel_access}
    %add3A_36 = arith.constant 9920 : i32
    %add3A_37 = arith.addi %mul3A_2, %add3A_36 : i32
    %dma_start3A_38 = arith.constant 0 : i32
    %dma_start3A_39 = tpu.memref_slice %arg5[%add3A_37, %dma_start3A_38] : memref<320000x64xf32, #tpu.memory_space<hbm>> -> memref<80x64xf32, #tpu.memory_space<hbm>>
    %dma_start3A_40 = arith.constant 0 : i32
    %dma_start3A_41 = tpu.memref_slice %arg5[%add3A_37, %dma_start3A_40] : memref<320000x64xf32, #tpu.memory_space<hbm>> -> memref<80x64xf32, #tpu.memory_space<hbm>>
    tpu.enqueue_dma source(%arg12 : memref<80x64xf32, #tpu.memory_space<vmem>>) target(%dma_start3A_41 : memref<80x64xf32, #tpu.memory_space<hbm>>) target_semaphore(%arg18 : memref<!tpu.dma_semaphore, #tpu.memory_space<semaphore_mem>>)
    %dma_wait3A_42 = arith.constant 0 : i32
    %dma_wait3A_43 = tpu.memref_slice %arg5[%add3A_37, %dma_wait3A_42] : memref<320000x64xf32, #tpu.memory_space<hbm>> -> memref<80x64xf32, #tpu.memory_space<hbm>>
    %dma_wait3A_44 = arith.constant 0 : i32
    %dma_wait3A_45 = tpu.memref_slice %arg5[%add3A_37, %dma_wait3A_44] : memref<320000x64xf32, #tpu.memory_space<hbm>> -> memref<80x64xf32, #tpu.memory_space<hbm>>
    tpu.wait_dma2 semaphore(%arg18 : memref<!tpu.dma_semaphore, #tpu.memory_space<semaphore_mem>>) src(%arg12 : memref<80x64xf32, #tpu.memory_space<vmem>>) dst(%dma_wait3A_45 : memref<80x64xf32, #tpu.memory_space<hbm>>)
    return
  }
}

#map = affine_map<(d0, d1) -> (0, 0)>
#map1 = affine_map<(d0, d1) -> (0, 0, 0)>
module attributes {stable_mosaic.version = 14 : i64} {
  func.func @k(%arg0: i32, %arg1: i32, %arg2: memref<320000x128xf32, #tpu.memory_space<hbm>>, %arg3: memref<32x125x80xi32, #tpu.memory_space<hbm>>, %arg4: memref<10240x128xf32, #tpu.memory_space<hbm>>, %arg5: memref<2x10240x128xf32, #tpu.memory_space<hbm>>, %arg6: memref<125x80xi32, #tpu.memory_space<vmem>>, %arg7: memref<80x128xf32, #tpu.memory_space<vmem>>, %arg8: memref<80x128xf32, #tpu.memory_space<vmem>>, %arg9: memref<80x128xf32, #tpu.memory_space<vmem>>, %arg10: memref<10240x128xf32, #tpu.memory_space<vmem_shared>>, %arg11: memref<!tpu.dma_semaphore, #tpu.memory_space<semaphore_mem>>, %arg12: memref<!tpu.dma_semaphore, #tpu.memory_space<semaphore_mem>>, %arg13: memref<!tpu.dma_semaphore, #tpu.memory_space<semaphore_mem>>, %arg14: memref<!tpu.dma_semaphore, #tpu.memory_space<semaphore_mem>>, %arg15: memref<!tpu.dma_semaphore, #tpu.memory_space<semaphore_mem>>, %arg16: memref<!tpu.dma_semaphore, #tpu.memory_space<semaphore_mem>>) attributes {dimension_semantics = [#tpu.dimension_semantics<core_parallel>, #tpu.dimension_semantics<subcore_parallel>], iteration_bounds = array<i64: 2, 16>, scalar_prefetch = 0 : i64, scratch_operands = 11 : i64, tpu.core_type = #tpu.core_type<sc_vector_subcore>, window_params = [{transform_indices = #map}, {transform_indices = #map1}, {transform_indices = #map}, {transform_indices = #map1}]} {
    %mul3A = arith.constant 2 : i32
    %mul3A_0 = arith.muli %arg1, %mul3A : i32
    %add3A = arith.addi %mul3A_0, %arg0 : i32
    %mul3A_1 = arith.constant 640 : i32
    %mul3A_2 = arith.muli %arg1, %mul3A_1 : i32
    %add3A_3 = arith.constant 0 : i32
    %add3A_4 = arith.addi %mul3A_2, %add3A_3 : i32
    "tpu.region"() ({
      %run_scoped3A = tpu.sem_alloc : memref<!tpu.dma_semaphore, #tpu.memory_space<semaphore_mem>>
      %dma_start3A_140 = arith.constant 0 : i32
      %dma_start3A_141 = tpu.memref_slice %arg4[%add3A_4, %dma_start3A_140] : memref<10240x128xf32, #tpu.memory_space<hbm>> -> memref<80x128xf32, #tpu.memory_space<hbm>>
      %dma_start3A_142 = arith.constant 0 : i32
      %dma_start3A_143 = tpu.memref_slice %arg4[%add3A_4, %dma_start3A_142] : memref<10240x128xf32, #tpu.memory_space<hbm>> -> memref<80x128xf32, #tpu.memory_space<hbm>>
      tpu.enqueue_dma source(%dma_start3A_143 : memref<80x128xf32, #tpu.memory_space<hbm>>) target(%arg7 : memref<80x128xf32, #tpu.memory_space<vmem>>) target_semaphore(%run_scoped3A : memref<!tpu.dma_semaphore, #tpu.memory_space<semaphore_mem>>)
      %dma_wait3A_144 = arith.constant 0 : i32
      %dma_wait3A_145 = tpu.memref_slice %arg4[%add3A_4, %dma_wait3A_144] : memref<10240x128xf32, #tpu.memory_space<hbm>> -> memref<80x128xf32, #tpu.memory_space<hbm>>
      %dma_wait3A_146 = arith.constant 0 : i32
      %dma_wait3A_147 = tpu.memref_slice %arg4[%add3A_4, %dma_wait3A_146] : memref<10240x128xf32, #tpu.memory_space<hbm>> -> memref<80x128xf32, #tpu.memory_space<hbm>>
      tpu.wait_dma2 semaphore(%run_scoped3A : memref<!tpu.dma_semaphore, #tpu.memory_space<semaphore_mem>>) src(%dma_wait3A_147 : memref<80x128xf32, #tpu.memory_space<hbm>>) dst(%arg7 : memref<80x128xf32, #tpu.memory_space<vmem>>)
      tpu.yield
    }) : () -> ()
    "tpu.region"() ({
      %run_scoped3A = tpu.sem_alloc : memref<!tpu.dma_semaphore, #tpu.memory_space<semaphore_mem>>
      %dma_start3A_140 = arith.constant 0 : i32
      %dma_start3A_141 = tpu.memref_slice %arg10[%add3A_4, %dma_start3A_140] : memref<10240x128xf32, #tpu.memory_space<vmem_shared>> -> memref<80x128xf32, #tpu.memory_space<vmem_shared>>
      %dma_start3A_142 = arith.constant 0 : i32
      %dma_start3A_143 = tpu.memref_slice %arg10[%add3A_4, %dma_start3A_142] : memref<10240x128xf32, #tpu.memory_space<vmem_shared>> -> memref<80x128xf32, #tpu.memory_space<vmem_shared>>
      tpu.enqueue_dma source(%arg7 : memref<80x128xf32, #tpu.memory_space<vmem>>) target(%dma_start3A_143 : memref<80x128xf32, #tpu.memory_space<vmem_shared>>) target_semaphore(%run_scoped3A : memref<!tpu.dma_semaphore, #tpu.memory_space<semaphore_mem>>)
      %dma_wait3A_144 = arith.constant 0 : i32
      %dma_wait3A_145 = tpu.memref_slice %arg10[%add3A_4, %dma_wait3A_144] : memref<10240x128xf32, #tpu.memory_space<vmem_shared>> -> memref<80x128xf32, #tpu.memory_space<vmem_shared>>
      %dma_wait3A_146 = arith.constant 0 : i32
      %dma_wait3A_147 = tpu.memref_slice %arg10[%add3A_4, %dma_wait3A_146] : memref<10240x128xf32, #tpu.memory_space<vmem_shared>> -> memref<80x128xf32, #tpu.memory_space<vmem_shared>>
      tpu.wait_dma2 semaphore(%run_scoped3A : memref<!tpu.dma_semaphore, #tpu.memory_space<semaphore_mem>>) src(%arg7 : memref<80x128xf32, #tpu.memory_space<vmem>>) dst(%dma_wait3A_147 : memref<80x128xf32, #tpu.memory_space<vmem_shared>>)
      tpu.yield
    }) : () -> ()
    %mul3A_5 = arith.constant 640 : i32
    %mul3A_6 = arith.muli %arg1, %mul3A_5 : i32
    %add3A_7 = arith.constant 80 : i32
    %add3A_8 = arith.addi %mul3A_6, %add3A_7 : i32
    "tpu.region"() ({
      %run_scoped3A = tpu.sem_alloc : memref<!tpu.dma_semaphore, #tpu.memory_space<semaphore_mem>>
      %dma_start3A_140 = arith.constant 0 : i32
      %dma_start3A_141 = tpu.memref_slice %arg4[%add3A_8, %dma_start3A_140] : memref<10240x128xf32, #tpu.memory_space<hbm>> -> memref<80x128xf32, #tpu.memory_space<hbm>>
      %dma_start3A_142 = arith.constant 0 : i32
      %dma_start3A_143 = tpu.memref_slice %arg4[%add3A_8, %dma_start3A_142] : memref<10240x128xf32, #tpu.memory_space<hbm>> -> memref<80x128xf32, #tpu.memory_space<hbm>>
      tpu.enqueue_dma source(%dma_start3A_143 : memref<80x128xf32, #tpu.memory_space<hbm>>) target(%arg7 : memref<80x128xf32, #tpu.memory_space<vmem>>) target_semaphore(%run_scoped3A : memref<!tpu.dma_semaphore, #tpu.memory_space<semaphore_mem>>)
      %dma_wait3A_144 = arith.constant 0 : i32
      %dma_wait3A_145 = tpu.memref_slice %arg4[%add3A_8, %dma_wait3A_144] : memref<10240x128xf32, #tpu.memory_space<hbm>> -> memref<80x128xf32, #tpu.memory_space<hbm>>
      %dma_wait3A_146 = arith.constant 0 : i32
      %dma_wait3A_147 = tpu.memref_slice %arg4[%add3A_8, %dma_wait3A_146] : memref<10240x128xf32, #tpu.memory_space<hbm>> -> memref<80x128xf32, #tpu.memory_space<hbm>>
      tpu.wait_dma2 semaphore(%run_scoped3A : memref<!tpu.dma_semaphore, #tpu.memory_space<semaphore_mem>>) src(%dma_wait3A_147 : memref<80x128xf32, #tpu.memory_space<hbm>>) dst(%arg7 : memref<80x128xf32, #tpu.memory_space<vmem>>)
      tpu.yield
    }) : () -> ()
    "tpu.region"() ({
      %run_scoped3A = tpu.sem_alloc : memref<!tpu.dma_semaphore, #tpu.memory_space<semaphore_mem>>
      %dma_start3A_140 = arith.constant 0 : i32
      %dma_start3A_141 = tpu.memref_slice %arg10[%add3A_8, %dma_start3A_140] : memref<10240x128xf32, #tpu.memory_space<vmem_shared>> -> memref<80x128xf32, #tpu.memory_space<vmem_shared>>
      %dma_start3A_142 = arith.constant 0 : i32
      %dma_start3A_143 = tpu.memref_slice %arg10[%add3A_8, %dma_start3A_142] : memref<10240x128xf32, #tpu.memory_space<vmem_shared>> -> memref<80x128xf32, #tpu.memory_space<vmem_shared>>
      tpu.enqueue_dma source(%arg7 : memref<80x128xf32, #tpu.memory_space<vmem>>) target(%dma_start3A_143 : memref<80x128xf32, #tpu.memory_space<vmem_shared>>) target_semaphore(%run_scoped3A : memref<!tpu.dma_semaphore, #tpu.memory_space<semaphore_mem>>)
      %dma_wait3A_144 = arith.constant 0 : i32
      %dma_wait3A_145 = tpu.memref_slice %arg10[%add3A_8, %dma_wait3A_144] : memref<10240x128xf32, #tpu.memory_space<vmem_shared>> -> memref<80x128xf32, #tpu.memory_space<vmem_shared>>
      %dma_wait3A_146 = arith.constant 0 : i32
      %dma_wait3A_147 = tpu.memref_slice %arg10[%add3A_8, %dma_wait3A_146] : memref<10240x128xf32, #tpu.memory_space<vmem_shared>> -> memref<80x128xf32, #tpu.memory_space<vmem_shared>>
      tpu.wait_dma2 semaphore(%run_scoped3A : memref<!tpu.dma_semaphore, #tpu.memory_space<semaphore_mem>>) src(%arg7 : memref<80x128xf32, #tpu.memory_space<vmem>>) dst(%dma_wait3A_147 : memref<80x128xf32, #tpu.memory_space<vmem_shared>>)
      tpu.yield
    }) : () -> ()
    %mul3A_9 = arith.constant 640 : i32
    %mul3A_10 = arith.muli %arg1, %mul3A_9 : i32
    %add3A_11 = arith.constant 160 : i32
    %add3A_12 = arith.addi %mul3A_10, %add3A_11 : i32
    "tpu.region"() ({
      %run_scoped3A = tpu.sem_alloc : memref<!tpu.dma_semaphore, #tpu.memory_space<semaphore_mem>>
      %dma_start3A_140 = arith.constant 0 : i32
      %dma_start3A_141 = tpu.memref_slice %arg4[%add3A_12, %dma_start3A_140] : memref<10240x128xf32, #tpu.memory_space<hbm>> -> memref<80x128xf32, #tpu.memory_space<hbm>>
      %dma_start3A_142 = arith.constant 0 : i32
      %dma_start3A_143 = tpu.memref_slice %arg4[%add3A_12, %dma_start3A_142] : memref<10240x128xf32, #tpu.memory_space<hbm>> -> memref<80x128xf32, #tpu.memory_space<hbm>>
      tpu.enqueue_dma source(%dma_start3A_143 : memref<80x128xf32, #tpu.memory_space<hbm>>) target(%arg7 : memref<80x128xf32, #tpu.memory_space<vmem>>) target_semaphore(%run_scoped3A : memref<!tpu.dma_semaphore, #tpu.memory_space<semaphore_mem>>)
      %dma_wait3A_144 = arith.constant 0 : i32
      %dma_wait3A_145 = tpu.memref_slice %arg4[%add3A_12, %dma_wait3A_144] : memref<10240x128xf32, #tpu.memory_space<hbm>> -> memref<80x128xf32, #tpu.memory_space<hbm>>
      %dma_wait3A_146 = arith.constant 0 : i32
      %dma_wait3A_147 = tpu.memref_slice %arg4[%add3A_12, %dma_wait3A_146] : memref<10240x128xf32, #tpu.memory_space<hbm>> -> memref<80x128xf32, #tpu.memory_space<hbm>>
      tpu.wait_dma2 semaphore(%run_scoped3A : memref<!tpu.dma_semaphore, #tpu.memory_space<semaphore_mem>>) src(%dma_wait3A_147 : memref<80x128xf32, #tpu.memory_space<hbm>>) dst(%arg7 : memref<80x128xf32, #tpu.memory_space<vmem>>)
      tpu.yield
    }) : () -> ()
    "tpu.region"() ({
      %run_scoped3A = tpu.sem_alloc : memref<!tpu.dma_semaphore, #tpu.memory_space<semaphore_mem>>
      %dma_start3A_140 = arith.constant 0 : i32
      %dma_start3A_141 = tpu.memref_slice %arg10[%add3A_12, %dma_start3A_140] : memref<10240x128xf32, #tpu.memory_space<vmem_shared>> -> memref<80x128xf32, #tpu.memory_space<vmem_shared>>
      %dma_start3A_142 = arith.constant 0 : i32
      %dma_start3A_143 = tpu.memref_slice %arg10[%add3A_12, %dma_start3A_142] : memref<10240x128xf32, #tpu.memory_space<vmem_shared>> -> memref<80x128xf32, #tpu.memory_space<vmem_shared>>
      tpu.enqueue_dma source(%arg7 : memref<80x128xf32, #tpu.memory_space<vmem>>) target(%dma_start3A_143 : memref<80x128xf32, #tpu.memory_space<vmem_shared>>) target_semaphore(%run_scoped3A : memref<!tpu.dma_semaphore, #tpu.memory_space<semaphore_mem>>)
      %dma_wait3A_144 = arith.constant 0 : i32
      %dma_wait3A_145 = tpu.memref_slice %arg10[%add3A_12, %dma_wait3A_144] : memref<10240x128xf32, #tpu.memory_space<vmem_shared>> -> memref<80x128xf32, #tpu.memory_space<vmem_shared>>
      %dma_wait3A_146 = arith.constant 0 : i32
      %dma_wait3A_147 = tpu.memref_slice %arg10[%add3A_12, %dma_wait3A_146] : memref<10240x128xf32, #tpu.memory_space<vmem_shared>> -> memref<80x128xf32, #tpu.memory_space<vmem_shared>>
      tpu.wait_dma2 semaphore(%run_scoped3A : memref<!tpu.dma_semaphore, #tpu.memory_space<semaphore_mem>>) src(%arg7 : memref<80x128xf32, #tpu.memory_space<vmem>>) dst(%dma_wait3A_147 : memref<80x128xf32, #tpu.memory_space<vmem_shared>>)
      tpu.yield
    }) : () -> ()
    %mul3A_13 = arith.constant 640 : i32
    %mul3A_14 = arith.muli %arg1, %mul3A_13 : i32
    %add3A_15 = arith.constant 240 : i32
    %add3A_16 = arith.addi %mul3A_14, %add3A_15 : i32
    "tpu.region"() ({
      %run_scoped3A = tpu.sem_alloc : memref<!tpu.dma_semaphore, #tpu.memory_space<semaphore_mem>>
      %dma_start3A_140 = arith.constant 0 : i32
      %dma_start3A_141 = tpu.memref_slice %arg4[%add3A_16, %dma_start3A_140] : memref<10240x128xf32, #tpu.memory_space<hbm>> -> memref<80x128xf32, #tpu.memory_space<hbm>>
      %dma_start3A_142 = arith.constant 0 : i32
      %dma_start3A_143 = tpu.memref_slice %arg4[%add3A_16, %dma_start3A_142] : memref<10240x128xf32, #tpu.memory_space<hbm>> -> memref<80x128xf32, #tpu.memory_space<hbm>>
      tpu.enqueue_dma source(%dma_start3A_143 : memref<80x128xf32, #tpu.memory_space<hbm>>) target(%arg7 : memref<80x128xf32, #tpu.memory_space<vmem>>) target_semaphore(%run_scoped3A : memref<!tpu.dma_semaphore, #tpu.memory_space<semaphore_mem>>)
      %dma_wait3A_144 = arith.constant 0 : i32
      %dma_wait3A_145 = tpu.memref_slice %arg4[%add3A_16, %dma_wait3A_144] : memref<10240x128xf32, #tpu.memory_space<hbm>> -> memref<80x128xf32, #tpu.memory_space<hbm>>
      %dma_wait3A_146 = arith.constant 0 : i32
      %dma_wait3A_147 = tpu.memref_slice %arg4[%add3A_16, %dma_wait3A_146] : memref<10240x128xf32, #tpu.memory_space<hbm>> -> memref<80x128xf32, #tpu.memory_space<hbm>>
      tpu.wait_dma2 semaphore(%run_scoped3A : memref<!tpu.dma_semaphore, #tpu.memory_space<semaphore_mem>>) src(%dma_wait3A_147 : memref<80x128xf32, #tpu.memory_space<hbm>>) dst(%arg7 : memref<80x128xf32, #tpu.memory_space<vmem>>)
      tpu.yield
    }) : () -> ()
    "tpu.region"() ({
      %run_scoped3A = tpu.sem_alloc : memref<!tpu.dma_semaphore, #tpu.memory_space<semaphore_mem>>
      %dma_start3A_140 = arith.constant 0 : i32
      %dma_start3A_141 = tpu.memref_slice %arg10[%add3A_16, %dma_start3A_140] : memref<10240x128xf32, #tpu.memory_space<vmem_shared>> -> memref<80x128xf32, #tpu.memory_space<vmem_shared>>
      %dma_start3A_142 = arith.constant 0 : i32
      %dma_start3A_143 = tpu.memref_slice %arg10[%add3A_16, %dma_start3A_142] : memref<10240x128xf32, #tpu.memory_space<vmem_shared>> -> memref<80x128xf32, #tpu.memory_space<vmem_shared>>
      tpu.enqueue_dma source(%arg7 : memref<80x128xf32, #tpu.memory_space<vmem>>) target(%dma_start3A_143 : memref<80x128xf32, #tpu.memory_space<vmem_shared>>) target_semaphore(%run_scoped3A : memref<!tpu.dma_semaphore, #tpu.memory_space<semaphore_mem>>)
      %dma_wait3A_144 = arith.constant 0 : i32
      %dma_wait3A_145 = tpu.memref_slice %arg10[%add3A_16, %dma_wait3A_144] : memref<10240x128xf32, #tpu.memory_space<vmem_shared>> -> memref<80x128xf32, #tpu.memory_space<vmem_shared>>
      %dma_wait3A_146 = arith.constant 0 : i32
      %dma_wait3A_147 = tpu.memref_slice %arg10[%add3A_16, %dma_wait3A_146] : memref<10240x128xf32, #tpu.memory_space<vmem_shared>> -> memref<80x128xf32, #tpu.memory_space<vmem_shared>>
      tpu.wait_dma2 semaphore(%run_scoped3A : memref<!tpu.dma_semaphore, #tpu.memory_space<semaphore_mem>>) src(%arg7 : memref<80x128xf32, #tpu.memory_space<vmem>>) dst(%dma_wait3A_147 : memref<80x128xf32, #tpu.memory_space<vmem_shared>>)
      tpu.yield
    }) : () -> ()
    %mul3A_17 = arith.constant 640 : i32
    %mul3A_18 = arith.muli %arg1, %mul3A_17 : i32
    %add3A_19 = arith.constant 320 : i32
    %add3A_20 = arith.addi %mul3A_18, %add3A_19 : i32
    "tpu.region"() ({
      %run_scoped3A = tpu.sem_alloc : memref<!tpu.dma_semaphore, #tpu.memory_space<semaphore_mem>>
      %dma_start3A_140 = arith.constant 0 : i32
      %dma_start3A_141 = tpu.memref_slice %arg4[%add3A_20, %dma_start3A_140] : memref<10240x128xf32, #tpu.memory_space<hbm>> -> memref<80x128xf32, #tpu.memory_space<hbm>>
      %dma_start3A_142 = arith.constant 0 : i32
      %dma_start3A_143 = tpu.memref_slice %arg4[%add3A_20, %dma_start3A_142] : memref<10240x128xf32, #tpu.memory_space<hbm>> -> memref<80x128xf32, #tpu.memory_space<hbm>>
      tpu.enqueue_dma source(%dma_start3A_143 : memref<80x128xf32, #tpu.memory_space<hbm>>) target(%arg7 : memref<80x128xf32, #tpu.memory_space<vmem>>) target_semaphore(%run_scoped3A : memref<!tpu.dma_semaphore, #tpu.memory_space<semaphore_mem>>)
      %dma_wait3A_144 = arith.constant 0 : i32
      %dma_wait3A_145 = tpu.memref_slice %arg4[%add3A_20, %dma_wait3A_144] : memref<10240x128xf32, #tpu.memory_space<hbm>> -> memref<80x128xf32, #tpu.memory_space<hbm>>
      %dma_wait3A_146 = arith.constant 0 : i32
      %dma_wait3A_147 = tpu.memref_slice %arg4[%add3A_20, %dma_wait3A_146] : memref<10240x128xf32, #tpu.memory_space<hbm>> -> memref<80x128xf32, #tpu.memory_space<hbm>>
      tpu.wait_dma2 semaphore(%run_scoped3A : memref<!tpu.dma_semaphore, #tpu.memory_space<semaphore_mem>>) src(%dma_wait3A_147 : memref<80x128xf32, #tpu.memory_space<hbm>>) dst(%arg7 : memref<80x128xf32, #tpu.memory_space<vmem>>)
      tpu.yield
    }) : () -> ()
    "tpu.region"() ({
      %run_scoped3A = tpu.sem_alloc : memref<!tpu.dma_semaphore, #tpu.memory_space<semaphore_mem>>
      %dma_start3A_140 = arith.constant 0 : i32
      %dma_start3A_141 = tpu.memref_slice %arg10[%add3A_20, %dma_start3A_140] : memref<10240x128xf32, #tpu.memory_space<vmem_shared>> -> memref<80x128xf32, #tpu.memory_space<vmem_shared>>
      %dma_start3A_142 = arith.constant 0 : i32
      %dma_start3A_143 = tpu.memref_slice %arg10[%add3A_20, %dma_start3A_142] : memref<10240x128xf32, #tpu.memory_space<vmem_shared>> -> memref<80x128xf32, #tpu.memory_space<vmem_shared>>
      tpu.enqueue_dma source(%arg7 : memref<80x128xf32, #tpu.memory_space<vmem>>) target(%dma_start3A_143 : memref<80x128xf32, #tpu.memory_space<vmem_shared>>) target_semaphore(%run_scoped3A : memref<!tpu.dma_semaphore, #tpu.memory_space<semaphore_mem>>)
      %dma_wait3A_144 = arith.constant 0 : i32
      %dma_wait3A_145 = tpu.memref_slice %arg10[%add3A_20, %dma_wait3A_144] : memref<10240x128xf32, #tpu.memory_space<vmem_shared>> -> memref<80x128xf32, #tpu.memory_space<vmem_shared>>
      %dma_wait3A_146 = arith.constant 0 : i32
      %dma_wait3A_147 = tpu.memref_slice %arg10[%add3A_20, %dma_wait3A_146] : memref<10240x128xf32, #tpu.memory_space<vmem_shared>> -> memref<80x128xf32, #tpu.memory_space<vmem_shared>>
      tpu.wait_dma2 semaphore(%run_scoped3A : memref<!tpu.dma_semaphore, #tpu.memory_space<semaphore_mem>>) src(%arg7 : memref<80x128xf32, #tpu.memory_space<vmem>>) dst(%dma_wait3A_147 : memref<80x128xf32, #tpu.memory_space<vmem_shared>>)
      tpu.yield
    }) : () -> ()
    %mul3A_21 = arith.constant 640 : i32
    %mul3A_22 = arith.muli %arg1, %mul3A_21 : i32
    %add3A_23 = arith.constant 400 : i32
    %add3A_24 = arith.addi %mul3A_22, %add3A_23 : i32
    "tpu.region"() ({
      %run_scoped3A = tpu.sem_alloc : memref<!tpu.dma_semaphore, #tpu.memory_space<semaphore_mem>>
      %dma_start3A_140 = arith.constant 0 : i32
      %dma_start3A_141 = tpu.memref_slice %arg4[%add3A_24, %dma_start3A_140] : memref<10240x128xf32, #tpu.memory_space<hbm>> -> memref<80x128xf32, #tpu.memory_space<hbm>>
      %dma_start3A_142 = arith.constant 0 : i32
      %dma_start3A_143 = tpu.memref_slice %arg4[%add3A_24, %dma_start3A_142] : memref<10240x128xf32, #tpu.memory_space<hbm>> -> memref<80x128xf32, #tpu.memory_space<hbm>>
      tpu.enqueue_dma source(%dma_start3A_143 : memref<80x128xf32, #tpu.memory_space<hbm>>) target(%arg7 : memref<80x128xf32, #tpu.memory_space<vmem>>) target_semaphore(%run_scoped3A : memref<!tpu.dma_semaphore, #tpu.memory_space<semaphore_mem>>)
      %dma_wait3A_144 = arith.constant 0 : i32
      %dma_wait3A_145 = tpu.memref_slice %arg4[%add3A_24, %dma_wait3A_144] : memref<10240x128xf32, #tpu.memory_space<hbm>> -> memref<80x128xf32, #tpu.memory_space<hbm>>
      %dma_wait3A_146 = arith.constant 0 : i32
      %dma_wait3A_147 = tpu.memref_slice %arg4[%add3A_24, %dma_wait3A_146] : memref<10240x128xf32, #tpu.memory_space<hbm>> -> memref<80x128xf32, #tpu.memory_space<hbm>>
      tpu.wait_dma2 semaphore(%run_scoped3A : memref<!tpu.dma_semaphore, #tpu.memory_space<semaphore_mem>>) src(%dma_wait3A_147 : memref<80x128xf32, #tpu.memory_space<hbm>>) dst(%arg7 : memref<80x128xf32, #tpu.memory_space<vmem>>)
      tpu.yield
    }) : () -> ()
    "tpu.region"() ({
      %run_scoped3A = tpu.sem_alloc : memref<!tpu.dma_semaphore, #tpu.memory_space<semaphore_mem>>
      %dma_start3A_140 = arith.constant 0 : i32
      %dma_start3A_141 = tpu.memref_slice %arg10[%add3A_24, %dma_start3A_140] : memref<10240x128xf32, #tpu.memory_space<vmem_shared>> -> memref<80x128xf32, #tpu.memory_space<vmem_shared>>
      %dma_start3A_142 = arith.constant 0 : i32
      %dma_start3A_143 = tpu.memref_slice %arg10[%add3A_24, %dma_start3A_142] : memref<10240x128xf32, #tpu.memory_space<vmem_shared>> -> memref<80x128xf32, #tpu.memory_space<vmem_shared>>
      tpu.enqueue_dma source(%arg7 : memref<80x128xf32, #tpu.memory_space<vmem>>) target(%dma_start3A_143 : memref<80x128xf32, #tpu.memory_space<vmem_shared>>) target_semaphore(%run_scoped3A : memref<!tpu.dma_semaphore, #tpu.memory_space<semaphore_mem>>)
      %dma_wait3A_144 = arith.constant 0 : i32
      %dma_wait3A_145 = tpu.memref_slice %arg10[%add3A_24, %dma_wait3A_144] : memref<10240x128xf32, #tpu.memory_space<vmem_shared>> -> memref<80x128xf32, #tpu.memory_space<vmem_shared>>
      %dma_wait3A_146 = arith.constant 0 : i32
      %dma_wait3A_147 = tpu.memref_slice %arg10[%add3A_24, %dma_wait3A_146] : memref<10240x128xf32, #tpu.memory_space<vmem_shared>> -> memref<80x128xf32, #tpu.memory_space<vmem_shared>>
      tpu.wait_dma2 semaphore(%run_scoped3A : memref<!tpu.dma_semaphore, #tpu.memory_space<semaphore_mem>>) src(%arg7 : memref<80x128xf32, #tpu.memory_space<vmem>>) dst(%dma_wait3A_147 : memref<80x128xf32, #tpu.memory_space<vmem_shared>>)
      tpu.yield
    }) : () -> ()
    %mul3A_25 = arith.constant 640 : i32
    %mul3A_26 = arith.muli %arg1, %mul3A_25 : i32
    %add3A_27 = arith.constant 480 : i32
    %add3A_28 = arith.addi %mul3A_26, %add3A_27 : i32
    "tpu.region"() ({
      %run_scoped3A = tpu.sem_alloc : memref<!tpu.dma_semaphore, #tpu.memory_space<semaphore_mem>>
      %dma_start3A_140 = arith.constant 0 : i32
      %dma_start3A_141 = tpu.memref_slice %arg4[%add3A_28, %dma_start3A_140] : memref<10240x128xf32, #tpu.memory_space<hbm>> -> memref<80x128xf32, #tpu.memory_space<hbm>>
      %dma_start3A_142 = arith.constant 0 : i32
      %dma_start3A_143 = tpu.memref_slice %arg4[%add3A_28, %dma_start3A_142] : memref<10240x128xf32, #tpu.memory_space<hbm>> -> memref<80x128xf32, #tpu.memory_space<hbm>>
      tpu.enqueue_dma source(%dma_start3A_143 : memref<80x128xf32, #tpu.memory_space<hbm>>) target(%arg7 : memref<80x128xf32, #tpu.memory_space<vmem>>) target_semaphore(%run_scoped3A : memref<!tpu.dma_semaphore, #tpu.memory_space<semaphore_mem>>)
      %dma_wait3A_144 = arith.constant 0 : i32
      %dma_wait3A_145 = tpu.memref_slice %arg4[%add3A_28, %dma_wait3A_144] : memref<10240x128xf32, #tpu.memory_space<hbm>> -> memref<80x128xf32, #tpu.memory_space<hbm>>
      %dma_wait3A_146 = arith.constant 0 : i32
      %dma_wait3A_147 = tpu.memref_slice %arg4[%add3A_28, %dma_wait3A_146] : memref<10240x128xf32, #tpu.memory_space<hbm>> -> memref<80x128xf32, #tpu.memory_space<hbm>>
      tpu.wait_dma2 semaphore(%run_scoped3A : memref<!tpu.dma_semaphore, #tpu.memory_space<semaphore_mem>>) src(%dma_wait3A_147 : memref<80x128xf32, #tpu.memory_space<hbm>>) dst(%arg7 : memref<80x128xf32, #tpu.memory_space<vmem>>)
      tpu.yield
    }) : () -> ()
    "tpu.region"() ({
      %run_scoped3A = tpu.sem_alloc : memref<!tpu.dma_semaphore, #tpu.memory_space<semaphore_mem>>
      %dma_start3A_140 = arith.constant 0 : i32
      %dma_start3A_141 = tpu.memref_slice %arg10[%add3A_28, %dma_start3A_140] : memref<10240x128xf32, #tpu.memory_space<vmem_shared>> -> memref<80x128xf32, #tpu.memory_space<vmem_shared>>
      %dma_start3A_142 = arith.constant 0 : i32
      %dma_start3A_143 = tpu.memref_slice %arg10[%add3A_28, %dma_start3A_142] : memref<10240x128xf32, #tpu.memory_space<vmem_shared>> -> memref<80x128xf32, #tpu.memory_space<vmem_shared>>
      tpu.enqueue_dma source(%arg7 : memref<80x128xf32, #tpu.memory_space<vmem>>) target(%dma_start3A_143 : memref<80x128xf32, #tpu.memory_space<vmem_shared>>) target_semaphore(%run_scoped3A : memref<!tpu.dma_semaphore, #tpu.memory_space<semaphore_mem>>)
      %dma_wait3A_144 = arith.constant 0 : i32
      %dma_wait3A_145 = tpu.memref_slice %arg10[%add3A_28, %dma_wait3A_144] : memref<10240x128xf32, #tpu.memory_space<vmem_shared>> -> memref<80x128xf32, #tpu.memory_space<vmem_shared>>
      %dma_wait3A_146 = arith.constant 0 : i32
      %dma_wait3A_147 = tpu.memref_slice %arg10[%add3A_28, %dma_wait3A_146] : memref<10240x128xf32, #tpu.memory_space<vmem_shared>> -> memref<80x128xf32, #tpu.memory_space<vmem_shared>>
      tpu.wait_dma2 semaphore(%run_scoped3A : memref<!tpu.dma_semaphore, #tpu.memory_space<semaphore_mem>>) src(%arg7 : memref<80x128xf32, #tpu.memory_space<vmem>>) dst(%dma_wait3A_147 : memref<80x128xf32, #tpu.memory_space<vmem_shared>>)
      tpu.yield
    }) : () -> ()
    %mul3A_29 = arith.constant 640 : i32
    %mul3A_30 = arith.muli %arg1, %mul3A_29 : i32
    %add3A_31 = arith.constant 560 : i32
    %add3A_32 = arith.addi %mul3A_30, %add3A_31 : i32
    "tpu.region"() ({
      %run_scoped3A = tpu.sem_alloc : memref<!tpu.dma_semaphore, #tpu.memory_space<semaphore_mem>>
      %dma_start3A_140 = arith.constant 0 : i32
      %dma_start3A_141 = tpu.memref_slice %arg4[%add3A_32, %dma_start3A_140] : memref<10240x128xf32, #tpu.memory_space<hbm>> -> memref<80x128xf32, #tpu.memory_space<hbm>>
      %dma_start3A_142 = arith.constant 0 : i32
      %dma_start3A_143 = tpu.memref_slice %arg4[%add3A_32, %dma_start3A_142] : memref<10240x128xf32, #tpu.memory_space<hbm>> -> memref<80x128xf32, #tpu.memory_space<hbm>>
      tpu.enqueue_dma source(%dma_start3A_143 : memref<80x128xf32, #tpu.memory_space<hbm>>) target(%arg7 : memref<80x128xf32, #tpu.memory_space<vmem>>) target_semaphore(%run_scoped3A : memref<!tpu.dma_semaphore, #tpu.memory_space<semaphore_mem>>)
      %dma_wait3A_144 = arith.constant 0 : i32
      %dma_wait3A_145 = tpu.memref_slice %arg4[%add3A_32, %dma_wait3A_144] : memref<10240x128xf32, #tpu.memory_space<hbm>> -> memref<80x128xf32, #tpu.memory_space<hbm>>
      %dma_wait3A_146 = arith.constant 0 : i32
      %dma_wait3A_147 = tpu.memref_slice %arg4[%add3A_32, %dma_wait3A_146] : memref<10240x128xf32, #tpu.memory_space<hbm>> -> memref<80x128xf32, #tpu.memory_space<hbm>>
      tpu.wait_dma2 semaphore(%run_scoped3A : memref<!tpu.dma_semaphore, #tpu.memory_space<semaphore_mem>>) src(%dma_wait3A_147 : memref<80x128xf32, #tpu.memory_space<hbm>>) dst(%arg7 : memref<80x128xf32, #tpu.memory_space<vmem>>)
      tpu.yield
    }) : () -> ()
    "tpu.region"() ({
      %run_scoped3A = tpu.sem_alloc : memref<!tpu.dma_semaphore, #tpu.memory_space<semaphore_mem>>
      %dma_start3A_140 = arith.constant 0 : i32
      %dma_start3A_141 = tpu.memref_slice %arg10[%add3A_32, %dma_start3A_140] : memref<10240x128xf32, #tpu.memory_space<vmem_shared>> -> memref<80x128xf32, #tpu.memory_space<vmem_shared>>
      %dma_start3A_142 = arith.constant 0 : i32
      %dma_start3A_143 = tpu.memref_slice %arg10[%add3A_32, %dma_start3A_142] : memref<10240x128xf32, #tpu.memory_space<vmem_shared>> -> memref<80x128xf32, #tpu.memory_space<vmem_shared>>
      tpu.enqueue_dma source(%arg7 : memref<80x128xf32, #tpu.memory_space<vmem>>) target(%dma_start3A_143 : memref<80x128xf32, #tpu.memory_space<vmem_shared>>) target_semaphore(%run_scoped3A : memref<!tpu.dma_semaphore, #tpu.memory_space<semaphore_mem>>)
      %dma_wait3A_144 = arith.constant 0 : i32
      %dma_wait3A_145 = tpu.memref_slice %arg10[%add3A_32, %dma_wait3A_144] : memref<10240x128xf32, #tpu.memory_space<vmem_shared>> -> memref<80x128xf32, #tpu.memory_space<vmem_shared>>
      %dma_wait3A_146 = arith.constant 0 : i32
      %dma_wait3A_147 = tpu.memref_slice %arg10[%add3A_32, %dma_wait3A_146] : memref<10240x128xf32, #tpu.memory_space<vmem_shared>> -> memref<80x128xf32, #tpu.memory_space<vmem_shared>>
      tpu.wait_dma2 semaphore(%run_scoped3A : memref<!tpu.dma_semaphore, #tpu.memory_space<semaphore_mem>>) src(%arg7 : memref<80x128xf32, #tpu.memory_space<vmem>>) dst(%dma_wait3A_147 : memref<80x128xf32, #tpu.memory_space<vmem_shared>>)
      tpu.yield
    }) : () -> ()
    "tpu.region"() ({
      %run_scoped3A = tpu.sem_alloc : memref<!tpu.dma_semaphore, #tpu.memory_space<semaphore_mem>>
      %dma_start3A_140 = arith.constant 0 : i32
      %dma_start3A_141 = arith.constant 0 : i32
      %dma_start3A_142 = tpu.memref_slice %arg3[%add3A, %dma_start3A_140, %dma_start3A_141] : memref<32x125x80xi32, #tpu.memory_space<hbm>> -> memref<1x125x80xi32, #tpu.memory_space<hbm>>
      %dma_start3A_143 = tpu.memref_squeeze %dma_start3A_142 : memref<1x125x80xi32, #tpu.memory_space<hbm>> -> memref<125x80xi32, #tpu.memory_space<hbm>>
      %dma_start3A_144 = arith.constant 0 : i32
      %dma_start3A_145 = arith.constant 0 : i32
      %dma_start3A_146 = tpu.memref_slice %arg3[%add3A, %dma_start3A_144, %dma_start3A_145] : memref<32x125x80xi32, #tpu.memory_space<hbm>> -> memref<1x125x80xi32, #tpu.memory_space<hbm>>
      %dma_start3A_147 = tpu.memref_squeeze %dma_start3A_146 : memref<1x125x80xi32, #tpu.memory_space<hbm>> -> memref<125x80xi32, #tpu.memory_space<hbm>>
      tpu.enqueue_dma source(%dma_start3A_147 : memref<125x80xi32, #tpu.memory_space<hbm>>) target(%arg6 : memref<125x80xi32, #tpu.memory_space<vmem>>) target_semaphore(%run_scoped3A : memref<!tpu.dma_semaphore, #tpu.memory_space<semaphore_mem>>)
      %dma_wait3A_148 = arith.constant 0 : i32
      %dma_wait3A_149 = arith.constant 0 : i32
      %dma_wait3A_150 = tpu.memref_slice %arg3[%add3A, %dma_wait3A_148, %dma_wait3A_149] : memref<32x125x80xi32, #tpu.memory_space<hbm>> -> memref<1x125x80xi32, #tpu.memory_space<hbm>>
      %dma_wait3A_151 = tpu.memref_squeeze %dma_wait3A_150 : memref<1x125x80xi32, #tpu.memory_space<hbm>> -> memref<125x80xi32, #tpu.memory_space<hbm>>
      %dma_wait3A_152 = arith.constant 0 : i32
      %dma_wait3A_153 = arith.constant 0 : i32
      %dma_wait3A_154 = tpu.memref_slice %arg3[%add3A, %dma_wait3A_152, %dma_wait3A_153] : memref<32x125x80xi32, #tpu.memory_space<hbm>> -> memref<1x125x80xi32, #tpu.memory_space<hbm>>
      %dma_wait3A_155 = tpu.memref_squeeze %dma_wait3A_154 : memref<1x125x80xi32, #tpu.memory_space<hbm>> -> memref<125x80xi32, #tpu.memory_space<hbm>>
      tpu.wait_dma2 semaphore(%run_scoped3A : memref<!tpu.dma_semaphore, #tpu.memory_space<semaphore_mem>>) src(%dma_wait3A_155 : memref<125x80xi32, #tpu.memory_space<hbm>>) dst(%arg6 : memref<125x80xi32, #tpu.memory_space<vmem>>)
      tpu.yield
    }) : () -> ()
    %barrier3A = arith.constant 0 : index
    tpu.barrier barrier_id(%barrier3A)
    %mul3A_33 = arith.constant 10000 : i32
    %mul3A_34 = arith.muli %add3A, %mul3A_33 : i32
    %scan3A = arith.constant 0 : i32
    %scan3A_35 = arith.constant 0 : i32
    %scan3A_36 = arith.constant 41 : i32
    %scan3A_37 = arith.addi %scan3A_35, %scan3A_36 : i32
    %scan3A_38 = arith.constant 1 : i32
    scf.for %scan3A_140 = %scan3A_35 to %scan3A_37 step %scan3A_38  : i32 {
      %mul3A_141 = arith.constant 3 : i32
      %mul3A_142 = arith.muli %scan3A_140, %mul3A_141 : i32
      %add3A_143 = arith.constant 0 : i32
      %add3A_144 = arith.addi %mul3A_142, %add3A_143 : i32
      %ge3A = arith.constant 3 : i32
      %ge3A_145 = arith.cmpi sge, %add3A_144, %ge3A : i32
      %convert_element_type3A = arith.extui %ge3A_145 : i1 to i32
      %cond3A = arith.constant 0 : i32
      %cond3A_146 = arith.cmpi ne, %convert_element_type3A, %cond3A : i32
      scf.if %cond3A_146 {
        %sub3A = arith.constant 3 : i32
        %sub3A_212 = arith.subi %add3A_144, %sub3A : i32
        %dma_wait3A_213 = arith.constant 0 : i32
        %dma_wait3A_214 = tpu.memref_slice %arg6[%sub3A_212, %dma_wait3A_213] : memref<125x80xi32, #tpu.memory_space<vmem>> -> memref<1x80xi32, #tpu.memory_space<vmem>>
        %dma_wait3A_215 = tpu.memref_squeeze %dma_wait3A_214 : memref<1x80xi32, #tpu.memory_space<vmem>> -> memref<80xi32, #tpu.memory_space<vmem>>
        %dma_wait3A_216 = arith.constant 0 : i32
        %dma_wait3A_217 = arith.constant 0 : i32
        %dma_wait3A_218 = tpu.memref_slice %arg10[%dma_wait3A_216, %dma_wait3A_217] : memref<10240x128xf32, #tpu.memory_space<vmem_shared>> -> memref<10240x128xf32, #tpu.memory_space<vmem_shared>>
        tpu.wait_indirect_dma semaphore(%arg14 : memref<!tpu.dma_semaphore, #tpu.memory_space<semaphore_mem>>) src(%arg7 : memref<80x128xf32, #tpu.memory_space<vmem>>) dst(%dma_wait3A_218 : memref<10240x128xf32, #tpu.memory_space<vmem_shared>>)
      } else {
      }
      %mul3A_147 = arith.constant 80 : i32
      %mul3A_148 = arith.muli %add3A_144, %mul3A_147 : i32
      %add3A_149 = arith.addi %mul3A_34, %mul3A_148 : i32
      %dma_start3A_150 = arith.constant 0 : i32
      %dma_start3A_151 = tpu.memref_slice %arg2[%add3A_149, %dma_start3A_150] : memref<320000x128xf32, #tpu.memory_space<hbm>> -> memref<80x128xf32, #tpu.memory_space<hbm>>
      %dma_start3A_152 = arith.constant 0 : i32
      %dma_start3A_153 = tpu.memref_slice %arg2[%add3A_149, %dma_start3A_152] : memref<320000x128xf32, #tpu.memory_space<hbm>> -> memref<80x128xf32, #tpu.memory_space<hbm>>
      tpu.enqueue_dma source(%dma_start3A_153 : memref<80x128xf32, #tpu.memory_space<hbm>>) target(%arg7 : memref<80x128xf32, #tpu.memory_space<vmem>>) target_semaphore(%arg11 : memref<!tpu.dma_semaphore, #tpu.memory_space<semaphore_mem>>)
      %dma_wait3A_154 = arith.constant 0 : i32
      %dma_wait3A_155 = tpu.memref_slice %arg2[%add3A_149, %dma_wait3A_154] : memref<320000x128xf32, #tpu.memory_space<hbm>> -> memref<80x128xf32, #tpu.memory_space<hbm>>
      %dma_wait3A_156 = arith.constant 0 : i32
      %dma_wait3A_157 = tpu.memref_slice %arg2[%add3A_149, %dma_wait3A_156] : memref<320000x128xf32, #tpu.memory_space<hbm>> -> memref<80x128xf32, #tpu.memory_space<hbm>>
      tpu.wait_dma2 semaphore(%arg11 : memref<!tpu.dma_semaphore, #tpu.memory_space<semaphore_mem>>) src(%dma_wait3A_157 : memref<80x128xf32, #tpu.memory_space<hbm>>) dst(%arg7 : memref<80x128xf32, #tpu.memory_space<vmem>>)
      %dma_start3A_158 = arith.constant 0 : i32
      %dma_start3A_159 = tpu.memref_slice %arg6[%add3A_144, %dma_start3A_158] : memref<125x80xi32, #tpu.memory_space<vmem>> -> memref<1x80xi32, #tpu.memory_space<vmem>>
      %dma_start3A_160 = tpu.memref_squeeze %dma_start3A_159 : memref<1x80xi32, #tpu.memory_space<vmem>> -> memref<80xi32, #tpu.memory_space<vmem>>
      %dma_start3A_161 = arith.constant 0 : i32
      %dma_start3A_162 = arith.constant 0 : i32
      %dma_start3A_163 = tpu.memref_slice %arg10[%dma_start3A_161, %dma_start3A_162] : memref<10240x128xf32, #tpu.memory_space<vmem_shared>> -> memref<10240x128xf32, #tpu.memory_space<vmem_shared>>
      tpu.enqueue_indirect_dma source(%arg7 : memref<80x128xf32, #tpu.memory_space<vmem>>) target(%dma_start3A_163 : memref<10240x128xf32, #tpu.memory_space<vmem_shared>>) offsets(%dma_start3A_160 : memref<80xi32, #tpu.memory_space<vmem>>) semaphore(%arg14 : memref<!tpu.dma_semaphore, #tpu.memory_space<semaphore_mem>>) {add = true}
      %add3A_164 = arith.constant 1 : i32
      %add3A_165 = arith.addi %mul3A_142, %add3A_164 : i32
      %ge3A_166 = arith.constant 3 : i32
      %ge3A_167 = arith.cmpi sge, %add3A_165, %ge3A_166 : i32
      %convert_element_type3A_168 = arith.extui %ge3A_167 : i1 to i32
      %cond3A_169 = arith.constant 0 : i32
      %cond3A_170 = arith.cmpi ne, %convert_element_type3A_168, %cond3A_169 : i32
      scf.if %cond3A_170 {
        %sub3A = arith.constant 3 : i32
        %sub3A_212 = arith.subi %add3A_165, %sub3A : i32
        %dma_wait3A_213 = arith.constant 0 : i32
        %dma_wait3A_214 = tpu.memref_slice %arg6[%sub3A_212, %dma_wait3A_213] : memref<125x80xi32, #tpu.memory_space<vmem>> -> memref<1x80xi32, #tpu.memory_space<vmem>>
        %dma_wait3A_215 = tpu.memref_squeeze %dma_wait3A_214 : memref<1x80xi32, #tpu.memory_space<vmem>> -> memref<80xi32, #tpu.memory_space<vmem>>
        %dma_wait3A_216 = arith.constant 0 : i32
        %dma_wait3A_217 = arith.constant 0 : i32
        %dma_wait3A_218 = tpu.memref_slice %arg10[%dma_wait3A_216, %dma_wait3A_217] : memref<10240x128xf32, #tpu.memory_space<vmem_shared>> -> memref<10240x128xf32, #tpu.memory_space<vmem_shared>>
        tpu.wait_indirect_dma semaphore(%arg15 : memref<!tpu.dma_semaphore, #tpu.memory_space<semaphore_mem>>) src(%arg8 : memref<80x128xf32, #tpu.memory_space<vmem>>) dst(%dma_wait3A_218 : memref<10240x128xf32, #tpu.memory_space<vmem_shared>>)
      } else {
      }
      %mul3A_171 = arith.constant 80 : i32
      %mul3A_172 = arith.muli %add3A_165, %mul3A_171 : i32
      %add3A_173 = arith.addi %mul3A_34, %mul3A_172 : i32
      %dma_start3A_174 = arith.constant 0 : i32
      %dma_start3A_175 = tpu.memref_slice %arg2[%add3A_173, %dma_start3A_174] : memref<320000x128xf32, #tpu.memory_space<hbm>> -> memref<80x128xf32, #tpu.memory_space<hbm>>
      %dma_start3A_176 = arith.constant 0 : i32
      %dma_start3A_177 = tpu.memref_slice %arg2[%add3A_173, %dma_start3A_176] : memref<320000x128xf32, #tpu.memory_space<hbm>> -> memref<80x128xf32, #tpu.memory_space<hbm>>
      tpu.enqueue_dma source(%dma_start3A_177 : memref<80x128xf32, #tpu.memory_space<hbm>>) target(%arg8 : memref<80x128xf32, #tpu.memory_space<vmem>>) target_semaphore(%arg12 : memref<!tpu.dma_semaphore, #tpu.memory_space<semaphore_mem>>)
      %dma_wait3A_178 = arith.constant 0 : i32
      %dma_wait3A_179 = tpu.memref_slice %arg2[%add3A_173, %dma_wait3A_178] : memref<320000x128xf32, #tpu.memory_space<hbm>> -> memref<80x128xf32, #tpu.memory_space<hbm>>
      %dma_wait3A_180 = arith.constant 0 : i32
      %dma_wait3A_181 = tpu.memref_slice %arg2[%add3A_173, %dma_wait3A_180] : memref<320000x128xf32, #tpu.memory_space<hbm>> -> memref<80x128xf32, #tpu.memory_space<hbm>>
      tpu.wait_dma2 semaphore(%arg12 : memref<!tpu.dma_semaphore, #tpu.memory_space<semaphore_mem>>) src(%dma_wait3A_181 : memref<80x128xf32, #tpu.memory_space<hbm>>) dst(%arg8 : memref<80x128xf32, #tpu.memory_space<vmem>>)
      %dma_start3A_182 = arith.constant 0 : i32
      %dma_start3A_183 = tpu.memref_slice %arg6[%add3A_165, %dma_start3A_182] : memref<125x80xi32, #tpu.memory_space<vmem>> -> memref<1x80xi32, #tpu.memory_space<vmem>>
      %dma_start3A_184 = tpu.memref_squeeze %dma_start3A_183 : memref<1x80xi32, #tpu.memory_space<vmem>> -> memref<80xi32, #tpu.memory_space<vmem>>
      %dma_start3A_185 = arith.constant 0 : i32
      %dma_start3A_186 = arith.constant 0 : i32
      %dma_start3A_187 = tpu.memref_slice %arg10[%dma_start3A_185, %dma_start3A_186] : memref<10240x128xf32, #tpu.memory_space<vmem_shared>> -> memref<10240x128xf32, #tpu.memory_space<vmem_shared>>
      tpu.enqueue_indirect_dma source(%arg8 : memref<80x128xf32, #tpu.memory_space<vmem>>) target(%dma_start3A_187 : memref<10240x128xf32, #tpu.memory_space<vmem_shared>>) offsets(%dma_start3A_184 : memref<80xi32, #tpu.memory_space<vmem>>) semaphore(%arg15 : memref<!tpu.dma_semaphore, #tpu.memory_space<semaphore_mem>>) {add = true}
      %add3A_188 = arith.constant 2 : i32
      %add3A_189 = arith.addi %mul3A_142, %add3A_188 : i32
      %ge3A_190 = arith.constant 3 : i32
      %ge3A_191 = arith.cmpi sge, %add3A_189, %ge3A_190 : i32
      %convert_element_type3A_192 = arith.extui %ge3A_191 : i1 to i32
      %cond3A_193 = arith.constant 0 : i32
      %cond3A_194 = arith.cmpi ne, %convert_element_type3A_192, %cond3A_193 : i32
      scf.if %cond3A_194 {
        %sub3A = arith.constant 3 : i32
        %sub3A_212 = arith.subi %add3A_189, %sub3A : i32
        %dma_wait3A_213 = arith.constant 0 : i32
        %dma_wait3A_214 = tpu.memref_slice %arg6[%sub3A_212, %dma_wait3A_213] : memref<125x80xi32, #tpu.memory_space<vmem>> -> memref<1x80xi32, #tpu.memory_space<vmem>>
        %dma_wait3A_215 = tpu.memref_squeeze %dma_wait3A_214 : memref<1x80xi32, #tpu.memory_space<vmem>> -> memref<80xi32, #tpu.memory_space<vmem>>
        %dma_wait3A_216 = arith.constant 0 : i32
        %dma_wait3A_217 = arith.constant 0 : i32
        %dma_wait3A_218 = tpu.memref_slice %arg10[%dma_wait3A_216, %dma_wait3A_217] : memref<10240x128xf32, #tpu.memory_space<vmem_shared>> -> memref<10240x128xf32, #tpu.memory_space<vmem_shared>>
        tpu.wait_indirect_dma semaphore(%arg16 : memref<!tpu.dma_semaphore, #tpu.memory_space<semaphore_mem>>) src(%arg9 : memref<80x128xf32, #tpu.memory_space<vmem>>) dst(%dma_wait3A_218 : memref<10240x128xf32, #tpu.memory_space<vmem_shared>>)
      } else {
      }
      %mul3A_195 = arith.constant 80 : i32
      %mul3A_196 = arith.muli %add3A_189, %mul3A_195 : i32
      %add3A_197 = arith.addi %mul3A_34, %mul3A_196 : i32
      %dma_start3A_198 = arith.constant 0 : i32
      %dma_start3A_199 = tpu.memref_slice %arg2[%add3A_197, %dma_start3A_198] : memref<320000x128xf32, #tpu.memory_space<hbm>> -> memref<80x128xf32, #tpu.memory_space<hbm>>
      %dma_start3A_200 = arith.constant 0 : i32
      %dma_start3A_201 = tpu.memref_slice %arg2[%add3A_197, %dma_start3A_200] : memref<320000x128xf32, #tpu.memory_space<hbm>> -> memref<80x128xf32, #tpu.memory_space<hbm>>
      tpu.enqueue_dma source(%dma_start3A_201 : memref<80x128xf32, #tpu.memory_space<hbm>>) target(%arg9 : memref<80x128xf32, #tpu.memory_space<vmem>>) target_semaphore(%arg13 : memref<!tpu.dma_semaphore, #tpu.memory_space<semaphore_mem>>)
      %dma_wait3A_202 = arith.constant 0 : i32
      %dma_wait3A_203 = tpu.memref_slice %arg2[%add3A_197, %dma_wait3A_202] : memref<320000x128xf32, #tpu.memory_space<hbm>> -> memref<80x128xf32, #tpu.memory_space<hbm>>
      %dma_wait3A_204 = arith.constant 0 : i32
      %dma_wait3A_205 = tpu.memref_slice %arg2[%add3A_197, %dma_wait3A_204] : memref<320000x128xf32, #tpu.memory_space<hbm>> -> memref<80x128xf32, #tpu.memory_space<hbm>>
      tpu.wait_dma2 semaphore(%arg13 : memref<!tpu.dma_semaphore, #tpu.memory_space<semaphore_mem>>) src(%dma_wait3A_205 : memref<80x128xf32, #tpu.memory_space<hbm>>) dst(%arg9 : memref<80x128xf32, #tpu.memory_space<vmem>>)
      %dma_start3A_206 = arith.constant 0 : i32
      %dma_start3A_207 = tpu.memref_slice %arg6[%add3A_189, %dma_start3A_206] : memref<125x80xi32, #tpu.memory_space<vmem>> -> memref<1x80xi32, #tpu.memory_space<vmem>>
      %dma_start3A_208 = tpu.memref_squeeze %dma_start3A_207 : memref<1x80xi32, #tpu.memory_space<vmem>> -> memref<80xi32, #tpu.memory_space<vmem>>
      %dma_start3A_209 = arith.constant 0 : i32
      %dma_start3A_210 = arith.constant 0 : i32
      %dma_start3A_211 = tpu.memref_slice %arg10[%dma_start3A_209, %dma_start3A_210] : memref<10240x128xf32, #tpu.memory_space<vmem_shared>> -> memref<10240x128xf32, #tpu.memory_space<vmem_shared>>
      tpu.enqueue_indirect_dma source(%arg9 : memref<80x128xf32, #tpu.memory_space<vmem>>) target(%dma_start3A_211 : memref<10240x128xf32, #tpu.memory_space<vmem_shared>>) offsets(%dma_start3A_208 : memref<80xi32, #tpu.memory_space<vmem>>) semaphore(%arg16 : memref<!tpu.dma_semaphore, #tpu.memory_space<semaphore_mem>>) {add = true}
    }
    %scan3A_39 = arith.constant 41 : i32
    %dma_wait3A = arith.constant 120 : i32
    %dma_wait3A_40 = arith.constant 0 : i32
    %dma_wait3A_41 = tpu.memref_slice %arg6[%dma_wait3A, %dma_wait3A_40] : memref<125x80xi32, #tpu.memory_space<vmem>> -> memref<1x80xi32, #tpu.memory_space<vmem>>
    %dma_wait3A_42 = tpu.memref_squeeze %dma_wait3A_41 : memref<1x80xi32, #tpu.memory_space<vmem>> -> memref<80xi32, #tpu.memory_space<vmem>>
    %dma_wait3A_43 = arith.constant 0 : i32
    %dma_wait3A_44 = arith.constant 0 : i32
    %dma_wait3A_45 = tpu.memref_slice %arg10[%dma_wait3A_43, %dma_wait3A_44] : memref<10240x128xf32, #tpu.memory_space<vmem_shared>> -> memref<10240x128xf32, #tpu.memory_space<vmem_shared>>
    tpu.wait_indirect_dma semaphore(%arg14 : memref<!tpu.dma_semaphore, #tpu.memory_space<semaphore_mem>>) src(%arg7 : memref<80x128xf32, #tpu.memory_space<vmem>>) dst(%dma_wait3A_45 : memref<10240x128xf32, #tpu.memory_space<vmem_shared>>)
    %add3A_46 = arith.constant 9840 : i32
    %add3A_47 = arith.addi %mul3A_34, %add3A_46 : i32
    %dma_start3A = arith.constant 0 : i32
    %dma_start3A_48 = tpu.memref_slice %arg2[%add3A_47, %dma_start3A] : memref<320000x128xf32, #tpu.memory_space<hbm>> -> memref<80x128xf32, #tpu.memory_space<hbm>>
    %dma_start3A_49 = arith.constant 0 : i32
    %dma_start3A_50 = tpu.memref_slice %arg2[%add3A_47, %dma_start3A_49] : memref<320000x128xf32, #tpu.memory_space<hbm>> -> memref<80x128xf32, #tpu.memory_space<hbm>>
    tpu.enqueue_dma source(%dma_start3A_50 : memref<80x128xf32, #tpu.memory_space<hbm>>) target(%arg7 : memref<80x128xf32, #tpu.memory_space<vmem>>) target_semaphore(%arg11 : memref<!tpu.dma_semaphore, #tpu.memory_space<semaphore_mem>>)
    %dma_wait3A_51 = arith.constant 0 : i32
    %dma_wait3A_52 = tpu.memref_slice %arg2[%add3A_47, %dma_wait3A_51] : memref<320000x128xf32, #tpu.memory_space<hbm>> -> memref<80x128xf32, #tpu.memory_space<hbm>>
    %dma_wait3A_53 = arith.constant 0 : i32
    %dma_wait3A_54 = tpu.memref_slice %arg2[%add3A_47, %dma_wait3A_53] : memref<320000x128xf32, #tpu.memory_space<hbm>> -> memref<80x128xf32, #tpu.memory_space<hbm>>
    tpu.wait_dma2 semaphore(%arg11 : memref<!tpu.dma_semaphore, #tpu.memory_space<semaphore_mem>>) src(%dma_wait3A_54 : memref<80x128xf32, #tpu.memory_space<hbm>>) dst(%arg7 : memref<80x128xf32, #tpu.memory_space<vmem>>)
    %dma_start3A_55 = arith.constant 123 : i32
    %dma_start3A_56 = arith.constant 0 : i32
    %dma_start3A_57 = tpu.memref_slice %arg6[%dma_start3A_55, %dma_start3A_56] : memref<125x80xi32, #tpu.memory_space<vmem>> -> memref<1x80xi32, #tpu.memory_space<vmem>>
    %dma_start3A_58 = tpu.memref_squeeze %dma_start3A_57 : memref<1x80xi32, #tpu.memory_space<vmem>> -> memref<80xi32, #tpu.memory_space<vmem>>
    %dma_start3A_59 = arith.constant 0 : i32
    %dma_start3A_60 = arith.constant 0 : i32
    %dma_start3A_61 = tpu.memref_slice %arg10[%dma_start3A_59, %dma_start3A_60] : memref<10240x128xf32, #tpu.memory_space<vmem_shared>> -> memref<10240x128xf32, #tpu.memory_space<vmem_shared>>
    tpu.enqueue_indirect_dma source(%arg7 : memref<80x128xf32, #tpu.memory_space<vmem>>) target(%dma_start3A_61 : memref<10240x128xf32, #tpu.memory_space<vmem_shared>>) offsets(%dma_start3A_58 : memref<80xi32, #tpu.memory_space<vmem>>) semaphore(%arg14 : memref<!tpu.dma_semaphore, #tpu.memory_space<semaphore_mem>>) {add = true}
    %dma_wait3A_62 = arith.constant 121 : i32
    %dma_wait3A_63 = arith.constant 0 : i32
    %dma_wait3A_64 = tpu.memref_slice %arg6[%dma_wait3A_62, %dma_wait3A_63] : memref<125x80xi32, #tpu.memory_space<vmem>> -> memref<1x80xi32, #tpu.memory_space<vmem>>
    %dma_wait3A_65 = tpu.memref_squeeze %dma_wait3A_64 : memref<1x80xi32, #tpu.memory_space<vmem>> -> memref<80xi32, #tpu.memory_space<vmem>>
    %dma_wait3A_66 = arith.constant 0 : i32
    %dma_wait3A_67 = arith.constant 0 : i32
    %dma_wait3A_68 = tpu.memref_slice %arg10[%dma_wait3A_66, %dma_wait3A_67] : memref<10240x128xf32, #tpu.memory_space<vmem_shared>> -> memref<10240x128xf32, #tpu.memory_space<vmem_shared>>
    tpu.wait_indirect_dma semaphore(%arg15 : memref<!tpu.dma_semaphore, #tpu.memory_space<semaphore_mem>>) src(%arg8 : memref<80x128xf32, #tpu.memory_space<vmem>>) dst(%dma_wait3A_68 : memref<10240x128xf32, #tpu.memory_space<vmem_shared>>)
    %add3A_69 = arith.constant 9920 : i32
    %add3A_70 = arith.addi %mul3A_34, %add3A_69 : i32
    %dma_start3A_71 = arith.constant 0 : i32
    %dma_start3A_72 = tpu.memref_slice %arg2[%add3A_70, %dma_start3A_71] : memref<320000x128xf32, #tpu.memory_space<hbm>> -> memref<80x128xf32, #tpu.memory_space<hbm>>
    %dma_start3A_73 = arith.constant 0 : i32
    %dma_start3A_74 = tpu.memref_slice %arg2[%add3A_70, %dma_start3A_73] : memref<320000x128xf32, #tpu.memory_space<hbm>> -> memref<80x128xf32, #tpu.memory_space<hbm>>
    tpu.enqueue_dma source(%dma_start3A_74 : memref<80x128xf32, #tpu.memory_space<hbm>>) target(%arg8 : memref<80x128xf32, #tpu.memory_space<vmem>>) target_semaphore(%arg12 : memref<!tpu.dma_semaphore, #tpu.memory_space<semaphore_mem>>)
    %dma_wait3A_75 = arith.constant 0 : i32
    %dma_wait3A_76 = tpu.memref_slice %arg2[%add3A_70, %dma_wait3A_75] : memref<320000x128xf32, #tpu.memory_space<hbm>> -> memref<80x128xf32, #tpu.memory_space<hbm>>
    %dma_wait3A_77 = arith.constant 0 : i32
    %dma_wait3A_78 = tpu.memref_slice %arg2[%add3A_70, %dma_wait3A_77] : memref<320000x128xf32, #tpu.memory_space<hbm>> -> memref<80x128xf32, #tpu.memory_space<hbm>>
    tpu.wait_dma2 semaphore(%arg12 : memref<!tpu.dma_semaphore, #tpu.memory_space<semaphore_mem>>) src(%dma_wait3A_78 : memref<80x128xf32, #tpu.memory_space<hbm>>) dst(%arg8 : memref<80x128xf32, #tpu.memory_space<vmem>>)
    %dma_start3A_79 = arith.constant 124 : i32
    %dma_start3A_80 = arith.constant 0 : i32
    %dma_start3A_81 = tpu.memref_slice %arg6[%dma_start3A_79, %dma_start3A_80] : memref<125x80xi32, #tpu.memory_space<vmem>> -> memref<1x80xi32, #tpu.memory_space<vmem>>
    %dma_start3A_82 = tpu.memref_squeeze %dma_start3A_81 : memref<1x80xi32, #tpu.memory_space<vmem>> -> memref<80xi32, #tpu.memory_space<vmem>>
    %dma_start3A_83 = arith.constant 0 : i32
    %dma_start3A_84 = arith.constant 0 : i32
    %dma_start3A_85 = tpu.memref_slice %arg10[%dma_start3A_83, %dma_start3A_84] : memref<10240x128xf32, #tpu.memory_space<vmem_shared>> -> memref<10240x128xf32, #tpu.memory_space<vmem_shared>>
    tpu.enqueue_indirect_dma source(%arg8 : memref<80x128xf32, #tpu.memory_space<vmem>>) target(%dma_start3A_85 : memref<10240x128xf32, #tpu.memory_space<vmem_shared>>) offsets(%dma_start3A_82 : memref<80xi32, #tpu.memory_space<vmem>>) semaphore(%arg15 : memref<!tpu.dma_semaphore, #tpu.memory_space<semaphore_mem>>) {add = true}
    %dma_wait3A_86 = arith.constant 122 : i32
    %dma_wait3A_87 = arith.constant 0 : i32
    %dma_wait3A_88 = tpu.memref_slice %arg6[%dma_wait3A_86, %dma_wait3A_87] : memref<125x80xi32, #tpu.memory_space<vmem>> -> memref<1x80xi32, #tpu.memory_space<vmem>>
    %dma_wait3A_89 = tpu.memref_squeeze %dma_wait3A_88 : memref<1x80xi32, #tpu.memory_space<vmem>> -> memref<80xi32, #tpu.memory_space<vmem>>
    %dma_wait3A_90 = arith.constant 0 : i32
    %dma_wait3A_91 = arith.constant 0 : i32
    %dma_wait3A_92 = tpu.memref_slice %arg10[%dma_wait3A_90, %dma_wait3A_91] : memref<10240x128xf32, #tpu.memory_space<vmem_shared>> -> memref<10240x128xf32, #tpu.memory_space<vmem_shared>>
    tpu.wait_indirect_dma semaphore(%arg16 : memref<!tpu.dma_semaphore, #tpu.memory_space<semaphore_mem>>) src(%arg9 : memref<80x128xf32, #tpu.memory_space<vmem>>) dst(%dma_wait3A_92 : memref<10240x128xf32, #tpu.memory_space<vmem_shared>>)
    %dma_wait3A_93 = arith.constant 123 : i32
    %dma_wait3A_94 = arith.constant 0 : i32
    %dma_wait3A_95 = tpu.memref_slice %arg6[%dma_wait3A_93, %dma_wait3A_94] : memref<125x80xi32, #tpu.memory_space<vmem>> -> memref<1x80xi32, #tpu.memory_space<vmem>>
    %dma_wait3A_96 = tpu.memref_squeeze %dma_wait3A_95 : memref<1x80xi32, #tpu.memory_space<vmem>> -> memref<80xi32, #tpu.memory_space<vmem>>
    %dma_wait3A_97 = arith.constant 0 : i32
    %dma_wait3A_98 = arith.constant 0 : i32
    %dma_wait3A_99 = tpu.memref_slice %arg10[%dma_wait3A_97, %dma_wait3A_98] : memref<10240x128xf32, #tpu.memory_space<vmem_shared>> -> memref<10240x128xf32, #tpu.memory_space<vmem_shared>>
    tpu.wait_indirect_dma semaphore(%arg14 : memref<!tpu.dma_semaphore, #tpu.memory_space<semaphore_mem>>) src(%arg7 : memref<80x128xf32, #tpu.memory_space<vmem>>) dst(%dma_wait3A_99 : memref<10240x128xf32, #tpu.memory_space<vmem_shared>>)
    %dma_wait3A_100 = arith.constant 124 : i32
    %dma_wait3A_101 = arith.constant 0 : i32
    %dma_wait3A_102 = tpu.memref_slice %arg6[%dma_wait3A_100, %dma_wait3A_101] : memref<125x80xi32, #tpu.memory_space<vmem>> -> memref<1x80xi32, #tpu.memory_space<vmem>>
    %dma_wait3A_103 = tpu.memref_squeeze %dma_wait3A_102 : memref<1x80xi32, #tpu.memory_space<vmem>> -> memref<80xi32, #tpu.memory_space<vmem>>
    %dma_wait3A_104 = arith.constant 0 : i32
    %dma_wait3A_105 = arith.constant 0 : i32
    %dma_wait3A_106 = tpu.memref_slice %arg10[%dma_wait3A_104, %dma_wait3A_105] : memref<10240x128xf32, #tpu.memory_space<vmem_shared>> -> memref<10240x128xf32, #tpu.memory_space<vmem_shared>>
    tpu.wait_indirect_dma semaphore(%arg15 : memref<!tpu.dma_semaphore, #tpu.memory_space<semaphore_mem>>) src(%arg8 : memref<80x128xf32, #tpu.memory_space<vmem>>) dst(%dma_wait3A_106 : memref<10240x128xf32, #tpu.memory_space<vmem_shared>>)
    %barrier3A_107 = arith.constant 0 : index
    tpu.barrier barrier_id(%barrier3A_107)
    %mul3A_108 = arith.constant 640 : i32
    %mul3A_109 = arith.muli %arg1, %mul3A_108 : i32
    %add3A_110 = arith.constant 0 : i32
    %add3A_111 = arith.addi %mul3A_109, %add3A_110 : i32
    "tpu.region"() ({
      %run_scoped3A = tpu.sem_alloc : memref<!tpu.dma_semaphore, #tpu.memory_space<semaphore_mem>>
      %dma_start3A_140 = arith.constant 0 : i32
      %dma_start3A_141 = tpu.memref_slice %arg10[%add3A_111, %dma_start3A_140] : memref<10240x128xf32, #tpu.memory_space<vmem_shared>> -> memref<80x128xf32, #tpu.memory_space<vmem_shared>>
      %dma_start3A_142 = arith.constant 0 : i32
      %dma_start3A_143 = tpu.memref_slice %arg10[%add3A_111, %dma_start3A_142] : memref<10240x128xf32, #tpu.memory_space<vmem_shared>> -> memref<80x128xf32, #tpu.memory_space<vmem_shared>>
      tpu.enqueue_dma source(%dma_start3A_143 : memref<80x128xf32, #tpu.memory_space<vmem_shared>>) target(%arg7 : memref<80x128xf32, #tpu.memory_space<vmem>>) target_semaphore(%run_scoped3A : memref<!tpu.dma_semaphore, #tpu.memory_space<semaphore_mem>>)
      %dma_wait3A_144 = arith.constant 0 : i32
      %dma_wait3A_145 = tpu.memref_slice %arg10[%add3A_111, %dma_wait3A_144] : memref<10240x128xf32, #tpu.memory_space<vmem_shared>> -> memref<80x128xf32, #tpu.memory_space<vmem_shared>>
      %dma_wait3A_146 = arith.constant 0 : i32
      %dma_wait3A_147 = tpu.memref_slice %arg10[%add3A_111, %dma_wait3A_146] : memref<10240x128xf32, #tpu.memory_space<vmem_shared>> -> memref<80x128xf32, #tpu.memory_space<vmem_shared>>
      tpu.wait_dma2 semaphore(%run_scoped3A : memref<!tpu.dma_semaphore, #tpu.memory_space<semaphore_mem>>) src(%dma_wait3A_147 : memref<80x128xf32, #tpu.memory_space<vmem_shared>>) dst(%arg7 : memref<80x128xf32, #tpu.memory_space<vmem>>)
      tpu.yield
    }) : () -> ()
    "tpu.region"() ({
      %run_scoped3A = tpu.sem_alloc : memref<!tpu.dma_semaphore, #tpu.memory_space<semaphore_mem>>
      %dma_start3A_140 = arith.constant 0 : i32
      %dma_start3A_141 = tpu.memref_slice %arg5[%arg0, %add3A_111, %dma_start3A_140] : memref<2x10240x128xf32, #tpu.memory_space<hbm>> -> memref<1x80x128xf32, #tpu.memory_space<hbm>>
      %dma_start3A_142 = tpu.memref_squeeze %dma_start3A_141 : memref<1x80x128xf32, #tpu.memory_space<hbm>> -> memref<80x128xf32, #tpu.memory_space<hbm>>
      %dma_start3A_143 = arith.constant 0 : i32
      %dma_start3A_144 = tpu.memref_slice %arg5[%arg0, %add3A_111, %dma_start3A_143] : memref<2x10240x128xf32, #tpu.memory_space<hbm>> -> memref<1x80x128xf32, #tpu.memory_space<hbm>>
      %dma_start3A_145 = tpu.memref_squeeze %dma_start3A_144 : memref<1x80x128xf32, #tpu.memory_space<hbm>> -> memref<80x128xf32, #tpu.memory_space<hbm>>
      tpu.enqueue_dma source(%arg7 : memref<80x128xf32, #tpu.memory_space<vmem>>) target(%dma_start3A_145 : memref<80x128xf32, #tpu.memory_space<hbm>>) target_semaphore(%run_scoped3A : memref<!tpu.dma_semaphore, #tpu.memory_space<semaphore_mem>>)
      %dma_wait3A_146 = arith.constant 0 : i32
      %dma_wait3A_147 = tpu.memref_slice %arg5[%arg0, %add3A_111, %dma_wait3A_146] : memref<2x10240x128xf32, #tpu.memory_space<hbm>> -> memref<1x80x128xf32, #tpu.memory_space<hbm>>
      %dma_wait3A_148 = tpu.memref_squeeze %dma_wait3A_147 : memref<1x80x128xf32, #tpu.memory_space<hbm>> -> memref<80x128xf32, #tpu.memory_space<hbm>>
      %dma_wait3A_149 = arith.constant 0 : i32
      %dma_wait3A_150 = tpu.memref_slice %arg5[%arg0, %add3A_111, %dma_wait3A_149] : memref<2x10240x128xf32, #tpu.memory_space<hbm>> -> memref<1x80x128xf32, #tpu.memory_space<hbm>>
      %dma_wait3A_151 = tpu.memref_squeeze %dma_wait3A_150 : memref<1x80x128xf32, #tpu.memory_space<hbm>> -> memref<80x128xf32, #tpu.memory_space<hbm>>
      tpu.wait_dma2 semaphore(%run_scoped3A : memref<!tpu.dma_semaphore, #tpu.memory_space<semaphore_mem>>) src(%arg7 : memref<80x128xf32, #tpu.memory_space<vmem>>) dst(%dma_wait3A_151 : memref<80x128xf32, #tpu.memory_space<hbm>>)
      tpu.yield
    }) : () -> ()
    %mul3A_112 = arith.constant 640 : i32
    %mul3A_113 = arith.muli %arg1, %mul3A_112 : i32
    %add3A_114 = arith.constant 80 : i32
    %add3A_115 = arith.addi %mul3A_113, %add3A_114 : i32
    "tpu.region"() ({
      %run_scoped3A = tpu.sem_alloc : memref<!tpu.dma_semaphore, #tpu.memory_space<semaphore_mem>>
      %dma_start3A_140 = arith.constant 0 : i32
      %dma_start3A_141 = tpu.memref_slice %arg10[%add3A_115, %dma_start3A_140] : memref<10240x128xf32, #tpu.memory_space<vmem_shared>> -> memref<80x128xf32, #tpu.memory_space<vmem_shared>>
      %dma_start3A_142 = arith.constant 0 : i32
      %dma_start3A_143 = tpu.memref_slice %arg10[%add3A_115, %dma_start3A_142] : memref<10240x128xf32, #tpu.memory_space<vmem_shared>> -> memref<80x128xf32, #tpu.memory_space<vmem_shared>>
      tpu.enqueue_dma source(%dma_start3A_143 : memref<80x128xf32, #tpu.memory_space<vmem_shared>>) target(%arg7 : memref<80x128xf32, #tpu.memory_space<vmem>>) target_semaphore(%run_scoped3A : memref<!tpu.dma_semaphore, #tpu.memory_space<semaphore_mem>>)
      %dma_wait3A_144 = arith.constant 0 : i32
      %dma_wait3A_145 = tpu.memref_slice %arg10[%add3A_115, %dma_wait3A_144] : memref<10240x128xf32, #tpu.memory_space<vmem_shared>> -> memref<80x128xf32, #tpu.memory_space<vmem_shared>>
      %dma_wait3A_146 = arith.constant 0 : i32
      %dma_wait3A_147 = tpu.memref_slice %arg10[%add3A_115, %dma_wait3A_146] : memref<10240x128xf32, #tpu.memory_space<vmem_shared>> -> memref<80x128xf32, #tpu.memory_space<vmem_shared>>
      tpu.wait_dma2 semaphore(%run_scoped3A : memref<!tpu.dma_semaphore, #tpu.memory_space<semaphore_mem>>) src(%dma_wait3A_147 : memref<80x128xf32, #tpu.memory_space<vmem_shared>>) dst(%arg7 : memref<80x128xf32, #tpu.memory_space<vmem>>)
      tpu.yield
    }) : () -> ()
    "tpu.region"() ({
      %run_scoped3A = tpu.sem_alloc : memref<!tpu.dma_semaphore, #tpu.memory_space<semaphore_mem>>
      %dma_start3A_140 = arith.constant 0 : i32
      %dma_start3A_141 = tpu.memref_slice %arg5[%arg0, %add3A_115, %dma_start3A_140] : memref<2x10240x128xf32, #tpu.memory_space<hbm>> -> memref<1x80x128xf32, #tpu.memory_space<hbm>>
      %dma_start3A_142 = tpu.memref_squeeze %dma_start3A_141 : memref<1x80x128xf32, #tpu.memory_space<hbm>> -> memref<80x128xf32, #tpu.memory_space<hbm>>
      %dma_start3A_143 = arith.constant 0 : i32
      %dma_start3A_144 = tpu.memref_slice %arg5[%arg0, %add3A_115, %dma_start3A_143] : memref<2x10240x128xf32, #tpu.memory_space<hbm>> -> memref<1x80x128xf32, #tpu.memory_space<hbm>>
      %dma_start3A_145 = tpu.memref_squeeze %dma_start3A_144 : memref<1x80x128xf32, #tpu.memory_space<hbm>> -> memref<80x128xf32, #tpu.memory_space<hbm>>
      tpu.enqueue_dma source(%arg7 : memref<80x128xf32, #tpu.memory_space<vmem>>) target(%dma_start3A_145 : memref<80x128xf32, #tpu.memory_space<hbm>>) target_semaphore(%run_scoped3A : memref<!tpu.dma_semaphore, #tpu.memory_space<semaphore_mem>>)
      %dma_wait3A_146 = arith.constant 0 : i32
      %dma_wait3A_147 = tpu.memref_slice %arg5[%arg0, %add3A_115, %dma_wait3A_146] : memref<2x10240x128xf32, #tpu.memory_space<hbm>> -> memref<1x80x128xf32, #tpu.memory_space<hbm>>
      %dma_wait3A_148 = tpu.memref_squeeze %dma_wait3A_147 : memref<1x80x128xf32, #tpu.memory_space<hbm>> -> memref<80x128xf32, #tpu.memory_space<hbm>>
      %dma_wait3A_149 = arith.constant 0 : i32
      %dma_wait3A_150 = tpu.memref_slice %arg5[%arg0, %add3A_115, %dma_wait3A_149] : memref<2x10240x128xf32, #tpu.memory_space<hbm>> -> memref<1x80x128xf32, #tpu.memory_space<hbm>>
      %dma_wait3A_151 = tpu.memref_squeeze %dma_wait3A_150 : memref<1x80x128xf32, #tpu.memory_space<hbm>> -> memref<80x128xf32, #tpu.memory_space<hbm>>
      tpu.wait_dma2 semaphore(%run_scoped3A : memref<!tpu.dma_semaphore, #tpu.memory_space<semaphore_mem>>) src(%arg7 : memref<80x128xf32, #tpu.memory_space<vmem>>) dst(%dma_wait3A_151 : memref<80x128xf32, #tpu.memory_space<hbm>>)
      tpu.yield
    }) : () -> ()
    %mul3A_116 = arith.constant 640 : i32
    %mul3A_117 = arith.muli %arg1, %mul3A_116 : i32
    %add3A_118 = arith.constant 160 : i32
    %add3A_119 = arith.addi %mul3A_117, %add3A_118 : i32
    "tpu.region"() ({
      %run_scoped3A = tpu.sem_alloc : memref<!tpu.dma_semaphore, #tpu.memory_space<semaphore_mem>>
      %dma_start3A_140 = arith.constant 0 : i32
      %dma_start3A_141 = tpu.memref_slice %arg10[%add3A_119, %dma_start3A_140] : memref<10240x128xf32, #tpu.memory_space<vmem_shared>> -> memref<80x128xf32, #tpu.memory_space<vmem_shared>>
      %dma_start3A_142 = arith.constant 0 : i32
      %dma_start3A_143 = tpu.memref_slice %arg10[%add3A_119, %dma_start3A_142] : memref<10240x128xf32, #tpu.memory_space<vmem_shared>> -> memref<80x128xf32, #tpu.memory_space<vmem_shared>>
      tpu.enqueue_dma source(%dma_start3A_143 : memref<80x128xf32, #tpu.memory_space<vmem_shared>>) target(%arg7 : memref<80x128xf32, #tpu.memory_space<vmem>>) target_semaphore(%run_scoped3A : memref<!tpu.dma_semaphore, #tpu.memory_space<semaphore_mem>>)
      %dma_wait3A_144 = arith.constant 0 : i32
      %dma_wait3A_145 = tpu.memref_slice %arg10[%add3A_119, %dma_wait3A_144] : memref<10240x128xf32, #tpu.memory_space<vmem_shared>> -> memref<80x128xf32, #tpu.memory_space<vmem_shared>>
      %dma_wait3A_146 = arith.constant 0 : i32
      %dma_wait3A_147 = tpu.memref_slice %arg10[%add3A_119, %dma_wait3A_146] : memref<10240x128xf32, #tpu.memory_space<vmem_shared>> -> memref<80x128xf32, #tpu.memory_space<vmem_shared>>
      tpu.wait_dma2 semaphore(%run_scoped3A : memref<!tpu.dma_semaphore, #tpu.memory_space<semaphore_mem>>) src(%dma_wait3A_147 : memref<80x128xf32, #tpu.memory_space<vmem_shared>>) dst(%arg7 : memref<80x128xf32, #tpu.memory_space<vmem>>)
      tpu.yield
    }) : () -> ()
    "tpu.region"() ({
      %run_scoped3A = tpu.sem_alloc : memref<!tpu.dma_semaphore, #tpu.memory_space<semaphore_mem>>
      %dma_start3A_140 = arith.constant 0 : i32
      %dma_start3A_141 = tpu.memref_slice %arg5[%arg0, %add3A_119, %dma_start3A_140] : memref<2x10240x128xf32, #tpu.memory_space<hbm>> -> memref<1x80x128xf32, #tpu.memory_space<hbm>>
      %dma_start3A_142 = tpu.memref_squeeze %dma_start3A_141 : memref<1x80x128xf32, #tpu.memory_space<hbm>> -> memref<80x128xf32, #tpu.memory_space<hbm>>
      %dma_start3A_143 = arith.constant 0 : i32
      %dma_start3A_144 = tpu.memref_slice %arg5[%arg0, %add3A_119, %dma_start3A_143] : memref<2x10240x128xf32, #tpu.memory_space<hbm>> -> memref<1x80x128xf32, #tpu.memory_space<hbm>>
      %dma_start3A_145 = tpu.memref_squeeze %dma_start3A_144 : memref<1x80x128xf32, #tpu.memory_space<hbm>> -> memref<80x128xf32, #tpu.memory_space<hbm>>
      tpu.enqueue_dma source(%arg7 : memref<80x128xf32, #tpu.memory_space<vmem>>) target(%dma_start3A_145 : memref<80x128xf32, #tpu.memory_space<hbm>>) target_semaphore(%run_scoped3A : memref<!tpu.dma_semaphore, #tpu.memory_space<semaphore_mem>>)
      %dma_wait3A_146 = arith.constant 0 : i32
      %dma_wait3A_147 = tpu.memref_slice %arg5[%arg0, %add3A_119, %dma_wait3A_146] : memref<2x10240x128xf32, #tpu.memory_space<hbm>> -> memref<1x80x128xf32, #tpu.memory_space<hbm>>
      %dma_wait3A_148 = tpu.memref_squeeze %dma_wait3A_147 : memref<1x80x128xf32, #tpu.memory_space<hbm>> -> memref<80x128xf32, #tpu.memory_space<hbm>>
      %dma_wait3A_149 = arith.constant 0 : i32
      %dma_wait3A_150 = tpu.memref_slice %arg5[%arg0, %add3A_119, %dma_wait3A_149] : memref<2x10240x128xf32, #tpu.memory_space<hbm>> -> memref<1x80x128xf32, #tpu.memory_space<hbm>>
      %dma_wait3A_151 = tpu.memref_squeeze %dma_wait3A_150 : memref<1x80x128xf32, #tpu.memory_space<hbm>> -> memref<80x128xf32, #tpu.memory_space<hbm>>
      tpu.wait_dma2 semaphore(%run_scoped3A : memref<!tpu.dma_semaphore, #tpu.memory_space<semaphore_mem>>) src(%arg7 : memref<80x128xf32, #tpu.memory_space<vmem>>) dst(%dma_wait3A_151 : memref<80x128xf32, #tpu.memory_space<hbm>>)
      tpu.yield
    }) : () -> ()
    %mul3A_120 = arith.constant 640 : i32
    %mul3A_121 = arith.muli %arg1, %mul3A_120 : i32
    %add3A_122 = arith.constant 240 : i32
    %add3A_123 = arith.addi %mul3A_121, %add3A_122 : i32
    "tpu.region"() ({
      %run_scoped3A = tpu.sem_alloc : memref<!tpu.dma_semaphore, #tpu.memory_space<semaphore_mem>>
      %dma_start3A_140 = arith.constant 0 : i32
      %dma_start3A_141 = tpu.memref_slice %arg10[%add3A_123, %dma_start3A_140] : memref<10240x128xf32, #tpu.memory_space<vmem_shared>> -> memref<80x128xf32, #tpu.memory_space<vmem_shared>>
      %dma_start3A_142 = arith.constant 0 : i32
      %dma_start3A_143 = tpu.memref_slice %arg10[%add3A_123, %dma_start3A_142] : memref<10240x128xf32, #tpu.memory_space<vmem_shared>> -> memref<80x128xf32, #tpu.memory_space<vmem_shared>>
      tpu.enqueue_dma source(%dma_start3A_143 : memref<80x128xf32, #tpu.memory_space<vmem_shared>>) target(%arg7 : memref<80x128xf32, #tpu.memory_space<vmem>>) target_semaphore(%run_scoped3A : memref<!tpu.dma_semaphore, #tpu.memory_space<semaphore_mem>>)
      %dma_wait3A_144 = arith.constant 0 : i32
      %dma_wait3A_145 = tpu.memref_slice %arg10[%add3A_123, %dma_wait3A_144] : memref<10240x128xf32, #tpu.memory_space<vmem_shared>> -> memref<80x128xf32, #tpu.memory_space<vmem_shared>>
      %dma_wait3A_146 = arith.constant 0 : i32
      %dma_wait3A_147 = tpu.memref_slice %arg10[%add3A_123, %dma_wait3A_146] : memref<10240x128xf32, #tpu.memory_space<vmem_shared>> -> memref<80x128xf32, #tpu.memory_space<vmem_shared>>
      tpu.wait_dma2 semaphore(%run_scoped3A : memref<!tpu.dma_semaphore, #tpu.memory_space<semaphore_mem>>) src(%dma_wait3A_147 : memref<80x128xf32, #tpu.memory_space<vmem_shared>>) dst(%arg7 : memref<80x128xf32, #tpu.memory_space<vmem>>)
      tpu.yield
    }) : () -> ()
    "tpu.region"() ({
      %run_scoped3A = tpu.sem_alloc : memref<!tpu.dma_semaphore, #tpu.memory_space<semaphore_mem>>
      %dma_start3A_140 = arith.constant 0 : i32
      %dma_start3A_141 = tpu.memref_slice %arg5[%arg0, %add3A_123, %dma_start3A_140] : memref<2x10240x128xf32, #tpu.memory_space<hbm>> -> memref<1x80x128xf32, #tpu.memory_space<hbm>>
      %dma_start3A_142 = tpu.memref_squeeze %dma_start3A_141 : memref<1x80x128xf32, #tpu.memory_space<hbm>> -> memref<80x128xf32, #tpu.memory_space<hbm>>
      %dma_start3A_143 = arith.constant 0 : i32
      %dma_start3A_144 = tpu.memref_slice %arg5[%arg0, %add3A_123, %dma_start3A_143] : memref<2x10240x128xf32, #tpu.memory_space<hbm>> -> memref<1x80x128xf32, #tpu.memory_space<hbm>>
      %dma_start3A_145 = tpu.memref_squeeze %dma_start3A_144 : memref<1x80x128xf32, #tpu.memory_space<hbm>> -> memref<80x128xf32, #tpu.memory_space<hbm>>
      tpu.enqueue_dma source(%arg7 : memref<80x128xf32, #tpu.memory_space<vmem>>) target(%dma_start3A_145 : memref<80x128xf32, #tpu.memory_space<hbm>>) target_semaphore(%run_scoped3A : memref<!tpu.dma_semaphore, #tpu.memory_space<semaphore_mem>>)
      %dma_wait3A_146 = arith.constant 0 : i32
      %dma_wait3A_147 = tpu.memref_slice %arg5[%arg0, %add3A_123, %dma_wait3A_146] : memref<2x10240x128xf32, #tpu.memory_space<hbm>> -> memref<1x80x128xf32, #tpu.memory_space<hbm>>
      %dma_wait3A_148 = tpu.memref_squeeze %dma_wait3A_147 : memref<1x80x128xf32, #tpu.memory_space<hbm>> -> memref<80x128xf32, #tpu.memory_space<hbm>>
      %dma_wait3A_149 = arith.constant 0 : i32
      %dma_wait3A_150 = tpu.memref_slice %arg5[%arg0, %add3A_123, %dma_wait3A_149] : memref<2x10240x128xf32, #tpu.memory_space<hbm>> -> memref<1x80x128xf32, #tpu.memory_space<hbm>>
      %dma_wait3A_151 = tpu.memref_squeeze %dma_wait3A_150 : memref<1x80x128xf32, #tpu.memory_space<hbm>> -> memref<80x128xf32, #tpu.memory_space<hbm>>
      tpu.wait_dma2 semaphore(%run_scoped3A : memref<!tpu.dma_semaphore, #tpu.memory_space<semaphore_mem>>) src(%arg7 : memref<80x128xf32, #tpu.memory_space<vmem>>) dst(%dma_wait3A_151 : memref<80x128xf32, #tpu.memory_space<hbm>>)
      tpu.yield
    }) : () -> ()
    %mul3A_124 = arith.constant 640 : i32
    %mul3A_125 = arith.muli %arg1, %mul3A_124 : i32
    %add3A_126 = arith.constant 320 : i32
    %add3A_127 = arith.addi %mul3A_125, %add3A_126 : i32
    "tpu.region"() ({
      %run_scoped3A = tpu.sem_alloc : memref<!tpu.dma_semaphore, #tpu.memory_space<semaphore_mem>>
      %dma_start3A_140 = arith.constant 0 : i32
      %dma_start3A_141 = tpu.memref_slice %arg10[%add3A_127, %dma_start3A_140] : memref<10240x128xf32, #tpu.memory_space<vmem_shared>> -> memref<80x128xf32, #tpu.memory_space<vmem_shared>>
      %dma_start3A_142 = arith.constant 0 : i32
      %dma_start3A_143 = tpu.memref_slice %arg10[%add3A_127, %dma_start3A_142] : memref<10240x128xf32, #tpu.memory_space<vmem_shared>> -> memref<80x128xf32, #tpu.memory_space<vmem_shared>>
      tpu.enqueue_dma source(%dma_start3A_143 : memref<80x128xf32, #tpu.memory_space<vmem_shared>>) target(%arg7 : memref<80x128xf32, #tpu.memory_space<vmem>>) target_semaphore(%run_scoped3A : memref<!tpu.dma_semaphore, #tpu.memory_space<semaphore_mem>>)
      %dma_wait3A_144 = arith.constant 0 : i32
      %dma_wait3A_145 = tpu.memref_slice %arg10[%add3A_127, %dma_wait3A_144] : memref<10240x128xf32, #tpu.memory_space<vmem_shared>> -> memref<80x128xf32, #tpu.memory_space<vmem_shared>>
      %dma_wait3A_146 = arith.constant 0 : i32
      %dma_wait3A_147 = tpu.memref_slice %arg10[%add3A_127, %dma_wait3A_146] : memref<10240x128xf32, #tpu.memory_space<vmem_shared>> -> memref<80x128xf32, #tpu.memory_space<vmem_shared>>
      tpu.wait_dma2 semaphore(%run_scoped3A : memref<!tpu.dma_semaphore, #tpu.memory_space<semaphore_mem>>) src(%dma_wait3A_147 : memref<80x128xf32, #tpu.memory_space<vmem_shared>>) dst(%arg7 : memref<80x128xf32, #tpu.memory_space<vmem>>)
      tpu.yield
    }) : () -> ()
    "tpu.region"() ({
      %run_scoped3A = tpu.sem_alloc : memref<!tpu.dma_semaphore, #tpu.memory_space<semaphore_mem>>
      %dma_start3A_140 = arith.constant 0 : i32
      %dma_start3A_141 = tpu.memref_slice %arg5[%arg0, %add3A_127, %dma_start3A_140] : memref<2x10240x128xf32, #tpu.memory_space<hbm>> -> memref<1x80x128xf32, #tpu.memory_space<hbm>>
      %dma_start3A_142 = tpu.memref_squeeze %dma_start3A_141 : memref<1x80x128xf32, #tpu.memory_space<hbm>> -> memref<80x128xf32, #tpu.memory_space<hbm>>
      %dma_start3A_143 = arith.constant 0 : i32
      %dma_start3A_144 = tpu.memref_slice %arg5[%arg0, %add3A_127, %dma_start3A_143] : memref<2x10240x128xf32, #tpu.memory_space<hbm>> -> memref<1x80x128xf32, #tpu.memory_space<hbm>>
      %dma_start3A_145 = tpu.memref_squeeze %dma_start3A_144 : memref<1x80x128xf32, #tpu.memory_space<hbm>> -> memref<80x128xf32, #tpu.memory_space<hbm>>
      tpu.enqueue_dma source(%arg7 : memref<80x128xf32, #tpu.memory_space<vmem>>) target(%dma_start3A_145 : memref<80x128xf32, #tpu.memory_space<hbm>>) target_semaphore(%run_scoped3A : memref<!tpu.dma_semaphore, #tpu.memory_space<semaphore_mem>>)
      %dma_wait3A_146 = arith.constant 0 : i32
      %dma_wait3A_147 = tpu.memref_slice %arg5[%arg0, %add3A_127, %dma_wait3A_146] : memref<2x10240x128xf32, #tpu.memory_space<hbm>> -> memref<1x80x128xf32, #tpu.memory_space<hbm>>
      %dma_wait3A_148 = tpu.memref_squeeze %dma_wait3A_147 : memref<1x80x128xf32, #tpu.memory_space<hbm>> -> memref<80x128xf32, #tpu.memory_space<hbm>>
      %dma_wait3A_149 = arith.constant 0 : i32
      %dma_wait3A_150 = tpu.memref_slice %arg5[%arg0, %add3A_127, %dma_wait3A_149] : memref<2x10240x128xf32, #tpu.memory_space<hbm>> -> memref<1x80x128xf32, #tpu.memory_space<hbm>>
      %dma_wait3A_151 = tpu.memref_squeeze %dma_wait3A_150 : memref<1x80x128xf32, #tpu.memory_space<hbm>> -> memref<80x128xf32, #tpu.memory_space<hbm>>
      tpu.wait_dma2 semaphore(%run_scoped3A : memref<!tpu.dma_semaphore, #tpu.memory_space<semaphore_mem>>) src(%arg7 : memref<80x128xf32, #tpu.memory_space<vmem>>) dst(%dma_wait3A_151 : memref<80x128xf32, #tpu.memory_space<hbm>>)
      tpu.yield
    }) : () -> ()
    %mul3A_128 = arith.constant 640 : i32
    %mul3A_129 = arith.muli %arg1, %mul3A_128 : i32
    %add3A_130 = arith.constant 400 : i32
    %add3A_131 = arith.addi %mul3A_129, %add3A_130 : i32
    "tpu.region"() ({
      %run_scoped3A = tpu.sem_alloc : memref<!tpu.dma_semaphore, #tpu.memory_space<semaphore_mem>>
      %dma_start3A_140 = arith.constant 0 : i32
      %dma_start3A_141 = tpu.memref_slice %arg10[%add3A_131, %dma_start3A_140] : memref<10240x128xf32, #tpu.memory_space<vmem_shared>> -> memref<80x128xf32, #tpu.memory_space<vmem_shared>>
      %dma_start3A_142 = arith.constant 0 : i32
      %dma_start3A_143 = tpu.memref_slice %arg10[%add3A_131, %dma_start3A_142] : memref<10240x128xf32, #tpu.memory_space<vmem_shared>> -> memref<80x128xf32, #tpu.memory_space<vmem_shared>>
      tpu.enqueue_dma source(%dma_start3A_143 : memref<80x128xf32, #tpu.memory_space<vmem_shared>>) target(%arg7 : memref<80x128xf32, #tpu.memory_space<vmem>>) target_semaphore(%run_scoped3A : memref<!tpu.dma_semaphore, #tpu.memory_space<semaphore_mem>>)
      %dma_wait3A_144 = arith.constant 0 : i32
      %dma_wait3A_145 = tpu.memref_slice %arg10[%add3A_131, %dma_wait3A_144] : memref<10240x128xf32, #tpu.memory_space<vmem_shared>> -> memref<80x128xf32, #tpu.memory_space<vmem_shared>>
      %dma_wait3A_146 = arith.constant 0 : i32
      %dma_wait3A_147 = tpu.memref_slice %arg10[%add3A_131, %dma_wait3A_146] : memref<10240x128xf32, #tpu.memory_space<vmem_shared>> -> memref<80x128xf32, #tpu.memory_space<vmem_shared>>
      tpu.wait_dma2 semaphore(%run_scoped3A : memref<!tpu.dma_semaphore, #tpu.memory_space<semaphore_mem>>) src(%dma_wait3A_147 : memref<80x128xf32, #tpu.memory_space<vmem_shared>>) dst(%arg7 : memref<80x128xf32, #tpu.memory_space<vmem>>)
      tpu.yield
    }) : () -> ()
    "tpu.region"() ({
      %run_scoped3A = tpu.sem_alloc : memref<!tpu.dma_semaphore, #tpu.memory_space<semaphore_mem>>
      %dma_start3A_140 = arith.constant 0 : i32
      %dma_start3A_141 = tpu.memref_slice %arg5[%arg0, %add3A_131, %dma_start3A_140] : memref<2x10240x128xf32, #tpu.memory_space<hbm>> -> memref<1x80x128xf32, #tpu.memory_space<hbm>>
      %dma_start3A_142 = tpu.memref_squeeze %dma_start3A_141 : memref<1x80x128xf32, #tpu.memory_space<hbm>> -> memref<80x128xf32, #tpu.memory_space<hbm>>
      %dma_start3A_143 = arith.constant 0 : i32
      %dma_start3A_144 = tpu.memref_slice %arg5[%arg0, %add3A_131, %dma_start3A_143] : memref<2x10240x128xf32, #tpu.memory_space<hbm>> -> memref<1x80x128xf32, #tpu.memory_space<hbm>>
      %dma_start3A_145 = tpu.memref_squeeze %dma_start3A_144 : memref<1x80x128xf32, #tpu.memory_space<hbm>> -> memref<80x128xf32, #tpu.memory_space<hbm>>
      tpu.enqueue_dma source(%arg7 : memref<80x128xf32, #tpu.memory_space<vmem>>) target(%dma_start3A_145 : memref<80x128xf32, #tpu.memory_space<hbm>>) target_semaphore(%run_scoped3A : memref<!tpu.dma_semaphore, #tpu.memory_space<semaphore_mem>>)
      %dma_wait3A_146 = arith.constant 0 : i32
      %dma_wait3A_147 = tpu.memref_slice %arg5[%arg0, %add3A_131, %dma_wait3A_146] : memref<2x10240x128xf32, #tpu.memory_space<hbm>> -> memref<1x80x128xf32, #tpu.memory_space<hbm>>
      %dma_wait3A_148 = tpu.memref_squeeze %dma_wait3A_147 : memref<1x80x128xf32, #tpu.memory_space<hbm>> -> memref<80x128xf32, #tpu.memory_space<hbm>>
      %dma_wait3A_149 = arith.constant 0 : i32
      %dma_wait3A_150 = tpu.memref_slice %arg5[%arg0, %add3A_131, %dma_wait3A_149] : memref<2x10240x128xf32, #tpu.memory_space<hbm>> -> memref<1x80x128xf32, #tpu.memory_space<hbm>>
      %dma_wait3A_151 = tpu.memref_squeeze %dma_wait3A_150 : memref<1x80x128xf32, #tpu.memory_space<hbm>> -> memref<80x128xf32, #tpu.memory_space<hbm>>
      tpu.wait_dma2 semaphore(%run_scoped3A : memref<!tpu.dma_semaphore, #tpu.memory_space<semaphore_mem>>) src(%arg7 : memref<80x128xf32, #tpu.memory_space<vmem>>) dst(%dma_wait3A_151 : memref<80x128xf32, #tpu.memory_space<hbm>>)
      tpu.yield
    }) : () -> ()
    %mul3A_132 = arith.constant 640 : i32
    %mul3A_133 = arith.muli %arg1, %mul3A_132 : i32
    %add3A_134 = arith.constant 480 : i32
    %add3A_135 = arith.addi %mul3A_133, %add3A_134 : i32
    "tpu.region"() ({
      %run_scoped3A = tpu.sem_alloc : memref<!tpu.dma_semaphore, #tpu.memory_space<semaphore_mem>>
      %dma_start3A_140 = arith.constant 0 : i32
      %dma_start3A_141 = tpu.memref_slice %arg10[%add3A_135, %dma_start3A_140] : memref<10240x128xf32, #tpu.memory_space<vmem_shared>> -> memref<80x128xf32, #tpu.memory_space<vmem_shared>>
      %dma_start3A_142 = arith.constant 0 : i32
      %dma_start3A_143 = tpu.memref_slice %arg10[%add3A_135, %dma_start3A_142] : memref<10240x128xf32, #tpu.memory_space<vmem_shared>> -> memref<80x128xf32, #tpu.memory_space<vmem_shared>>
      tpu.enqueue_dma source(%dma_start3A_143 : memref<80x128xf32, #tpu.memory_space<vmem_shared>>) target(%arg7 : memref<80x128xf32, #tpu.memory_space<vmem>>) target_semaphore(%run_scoped3A : memref<!tpu.dma_semaphore, #tpu.memory_space<semaphore_mem>>)
      %dma_wait3A_144 = arith.constant 0 : i32
      %dma_wait3A_145 = tpu.memref_slice %arg10[%add3A_135, %dma_wait3A_144] : memref<10240x128xf32, #tpu.memory_space<vmem_shared>> -> memref<80x128xf32, #tpu.memory_space<vmem_shared>>
      %dma_wait3A_146 = arith.constant 0 : i32
      %dma_wait3A_147 = tpu.memref_slice %arg10[%add3A_135, %dma_wait3A_146] : memref<10240x128xf32, #tpu.memory_space<vmem_shared>> -> memref<80x128xf32, #tpu.memory_space<vmem_shared>>
      tpu.wait_dma2 semaphore(%run_scoped3A : memref<!tpu.dma_semaphore, #tpu.memory_space<semaphore_mem>>) src(%dma_wait3A_147 : memref<80x128xf32, #tpu.memory_space<vmem_shared>>) dst(%arg7 : memref<80x128xf32, #tpu.memory_space<vmem>>)
      tpu.yield
    }) : () -> ()
    "tpu.region"() ({
      %run_scoped3A = tpu.sem_alloc : memref<!tpu.dma_semaphore, #tpu.memory_space<semaphore_mem>>
      %dma_start3A_140 = arith.constant 0 : i32
      %dma_start3A_141 = tpu.memref_slice %arg5[%arg0, %add3A_135, %dma_start3A_140] : memref<2x10240x128xf32, #tpu.memory_space<hbm>> -> memref<1x80x128xf32, #tpu.memory_space<hbm>>
      %dma_start3A_142 = tpu.memref_squeeze %dma_start3A_141 : memref<1x80x128xf32, #tpu.memory_space<hbm>> -> memref<80x128xf32, #tpu.memory_space<hbm>>
      %dma_start3A_143 = arith.constant 0 : i32
      %dma_start3A_144 = tpu.memref_slice %arg5[%arg0, %add3A_135, %dma_start3A_143] : memref<2x10240x128xf32, #tpu.memory_space<hbm>> -> memref<1x80x128xf32, #tpu.memory_space<hbm>>
      %dma_start3A_145 = tpu.memref_squeeze %dma_start3A_144 : memref<1x80x128xf32, #tpu.memory_space<hbm>> -> memref<80x128xf32, #tpu.memory_space<hbm>>
      tpu.enqueue_dma source(%arg7 : memref<80x128xf32, #tpu.memory_space<vmem>>) target(%dma_start3A_145 : memref<80x128xf32, #tpu.memory_space<hbm>>) target_semaphore(%run_scoped3A : memref<!tpu.dma_semaphore, #tpu.memory_space<semaphore_mem>>)
      %dma_wait3A_146 = arith.constant 0 : i32
      %dma_wait3A_147 = tpu.memref_slice %arg5[%arg0, %add3A_135, %dma_wait3A_146] : memref<2x10240x128xf32, #tpu.memory_space<hbm>> -> memref<1x80x128xf32, #tpu.memory_space<hbm>>
      %dma_wait3A_148 = tpu.memref_squeeze %dma_wait3A_147 : memref<1x80x128xf32, #tpu.memory_space<hbm>> -> memref<80x128xf32, #tpu.memory_space<hbm>>
      %dma_wait3A_149 = arith.constant 0 : i32
      %dma_wait3A_150 = tpu.memref_slice %arg5[%arg0, %add3A_135, %dma_wait3A_149] : memref<2x10240x128xf32, #tpu.memory_space<hbm>> -> memref<1x80x128xf32, #tpu.memory_space<hbm>>
      %dma_wait3A_151 = tpu.memref_squeeze %dma_wait3A_150 : memref<1x80x128xf32, #tpu.memory_space<hbm>> -> memref<80x128xf32, #tpu.memory_space<hbm>>
      tpu.wait_dma2 semaphore(%run_scoped3A : memref<!tpu.dma_semaphore, #tpu.memory_space<semaphore_mem>>) src(%arg7 : memref<80x128xf32, #tpu.memory_space<vmem>>) dst(%dma_wait3A_151 : memref<80x128xf32, #tpu.memory_space<hbm>>)
      tpu.yield
    }) : () -> ()
    %mul3A_136 = arith.constant 640 : i32
    %mul3A_137 = arith.muli %arg1, %mul3A_136 : i32
    %add3A_138 = arith.constant 560 : i32
    %add3A_139 = arith.addi %mul3A_137, %add3A_138 : i32
    "tpu.region"() ({
      %run_scoped3A = tpu.sem_alloc : memref<!tpu.dma_semaphore, #tpu.memory_space<semaphore_mem>>
      %dma_start3A_140 = arith.constant 0 : i32
      %dma_start3A_141 = tpu.memref_slice %arg10[%add3A_139, %dma_start3A_140] : memref<10240x128xf32, #tpu.memory_space<vmem_shared>> -> memref<80x128xf32, #tpu.memory_space<vmem_shared>>
      %dma_start3A_142 = arith.constant 0 : i32
      %dma_start3A_143 = tpu.memref_slice %arg10[%add3A_139, %dma_start3A_142] : memref<10240x128xf32, #tpu.memory_space<vmem_shared>> -> memref<80x128xf32, #tpu.memory_space<vmem_shared>>
      tpu.enqueue_dma source(%dma_start3A_143 : memref<80x128xf32, #tpu.memory_space<vmem_shared>>) target(%arg7 : memref<80x128xf32, #tpu.memory_space<vmem>>) target_semaphore(%run_scoped3A : memref<!tpu.dma_semaphore, #tpu.memory_space<semaphore_mem>>)
      %dma_wait3A_144 = arith.constant 0 : i32
      %dma_wait3A_145 = tpu.memref_slice %arg10[%add3A_139, %dma_wait3A_144] : memref<10240x128xf32, #tpu.memory_space<vmem_shared>> -> memref<80x128xf32, #tpu.memory_space<vmem_shared>>
      %dma_wait3A_146 = arith.constant 0 : i32
      %dma_wait3A_147 = tpu.memref_slice %arg10[%add3A_139, %dma_wait3A_146] : memref<10240x128xf32, #tpu.memory_space<vmem_shared>> -> memref<80x128xf32, #tpu.memory_space<vmem_shared>>
      tpu.wait_dma2 semaphore(%run_scoped3A : memref<!tpu.dma_semaphore, #tpu.memory_space<semaphore_mem>>) src(%dma_wait3A_147 : memref<80x128xf32, #tpu.memory_space<vmem_shared>>) dst(%arg7 : memref<80x128xf32, #tpu.memory_space<vmem>>)
      tpu.yield
    }) : () -> ()
    "tpu.region"() ({
      %run_scoped3A = tpu.sem_alloc : memref<!tpu.dma_semaphore, #tpu.memory_space<semaphore_mem>>
      %dma_start3A_140 = arith.constant 0 : i32
      %dma_start3A_141 = tpu.memref_slice %arg5[%arg0, %add3A_139, %dma_start3A_140] : memref<2x10240x128xf32, #tpu.memory_space<hbm>> -> memref<1x80x128xf32, #tpu.memory_space<hbm>>
      %dma_start3A_142 = tpu.memref_squeeze %dma_start3A_141 : memref<1x80x128xf32, #tpu.memory_space<hbm>> -> memref<80x128xf32, #tpu.memory_space<hbm>>
      %dma_start3A_143 = arith.constant 0 : i32
      %dma_start3A_144 = tpu.memref_slice %arg5[%arg0, %add3A_139, %dma_start3A_143] : memref<2x10240x128xf32, #tpu.memory_space<hbm>> -> memref<1x80x128xf32, #tpu.memory_space<hbm>>
      %dma_start3A_145 = tpu.memref_squeeze %dma_start3A_144 : memref<1x80x128xf32, #tpu.memory_space<hbm>> -> memref<80x128xf32, #tpu.memory_space<hbm>>
      tpu.enqueue_dma source(%arg7 : memref<80x128xf32, #tpu.memory_space<vmem>>) target(%dma_start3A_145 : memref<80x128xf32, #tpu.memory_space<hbm>>) target_semaphore(%run_scoped3A : memref<!tpu.dma_semaphore, #tpu.memory_space<semaphore_mem>>)
      %dma_wait3A_146 = arith.constant 0 : i32
      %dma_wait3A_147 = tpu.memref_slice %arg5[%arg0, %add3A_139, %dma_wait3A_146] : memref<2x10240x128xf32, #tpu.memory_space<hbm>> -> memref<1x80x128xf32, #tpu.memory_space<hbm>>
      %dma_wait3A_148 = tpu.memref_squeeze %dma_wait3A_147 : memref<1x80x128xf32, #tpu.memory_space<hbm>> -> memref<80x128xf32, #tpu.memory_space<hbm>>
      %dma_wait3A_149 = arith.constant 0 : i32
      %dma_wait3A_150 = tpu.memref_slice %arg5[%arg0, %add3A_139, %dma_wait3A_149] : memref<2x10240x128xf32, #tpu.memory_space<hbm>> -> memref<1x80x128xf32, #tpu.memory_space<hbm>>
      %dma_wait3A_151 = tpu.memref_squeeze %dma_wait3A_150 : memref<1x80x128xf32, #tpu.memory_space<hbm>> -> memref<80x128xf32, #tpu.memory_space<hbm>>
      tpu.wait_dma2 semaphore(%run_scoped3A : memref<!tpu.dma_semaphore, #tpu.memory_space<semaphore_mem>>) src(%arg7 : memref<80x128xf32, #tpu.memory_space<vmem>>) dst(%dma_wait3A_151 : memref<80x128xf32, #tpu.memory_space<hbm>>)
      tpu.yield
    }) : () -> ()
    return
  }
}

module attributes {stable_mosaic.version = 14 : i64} {
  func.func @body(%arg0: i32, %arg1: memref<2048x128xf32, #tpu.memory_space<vmem>>, %arg2: memref<2048x5xf32, #tpu.memory_space<vmem>>, %arg3: memref<128x64xf32, #tpu.memory_space<vmem>>, %arg4: memref<1x64xf32, #tpu.memory_space<vmem>>, %arg5: memref<64x64xf32, #tpu.memory_space<vmem>>, %arg6: memref<1x64xf32, #tpu.memory_space<vmem>>, %arg7: memref<64x64xf32, #tpu.memory_space<vmem>>, %arg8: memref<1x64xf32, #tpu.memory_space<vmem>>, %arg9: memref<1x64xf32, #tpu.memory_space<vmem>>, %arg10: memref<1x64xf32, #tpu.memory_space<vmem>>, %arg11: memref<64x64xf32, #tpu.memory_space<vmem>>, %arg12: memref<1x64xf32, #tpu.memory_space<vmem>>, %arg13: memref<64x64xf32, #tpu.memory_space<vmem>>, %arg14: memref<5x10xf32, #tpu.memory_space<vmem>>, %arg15: memref<1x10xf32, #tpu.memory_space<vmem>>, %arg16: memref<10x5xf32, #tpu.memory_space<vmem>>, %arg17: memref<1x5xf32, #tpu.memory_space<vmem>>, %arg18: memref<5x1xf32, #tpu.memory_space<vmem>>, %arg19: memref<1x1xf32, #tpu.memory_space<vmem>>, %arg20: memref<2048x64xf32, #tpu.memory_space<vmem>>, %arg21: memref<2048x128xf32, #tpu.memory_space<vmem>>, %arg22: memref<2048x1xf32, #tpu.memory_space<vmem>>) attributes {dimension_semantics = [#tpu.dimension_semantics<arbitrary>], iteration_bounds = array<i64: 5>, scalar_prefetch = 0 : i64, scratch_operands = 0 : i64, tpu.core_type = #tpu.core_type<tc>, window_params = [{transform_indices = @transform_0, window_bounds = array<i64: 2048, 128>}, {transform_indices = @transform_1, window_bounds = array<i64: 2048, 5>}, {pipeline_mode = #tpu.pipeline_mode<synchronous>, transform_indices = @transform_2, window_bounds = array<i64: 128, 64>}, {pipeline_mode = #tpu.pipeline_mode<synchronous>, transform_indices = @transform_3, window_bounds = array<i64: 1, 64>}, {pipeline_mode = #tpu.pipeline_mode<synchronous>, transform_indices = @transform_4, window_bounds = array<i64: 64, 64>}, {pipeline_mode = #tpu.pipeline_mode<synchronous>, transform_indices = @transform_5, window_bounds = array<i64: 1, 64>}, {pipeline_mode = #tpu.pipeline_mode<synchronous>, transform_indices = @transform_6, window_bounds = array<i64: 64, 64>}, {pipeline_mode = #tpu.pipeline_mode<synchronous>, transform_indices = @transform_7, window_bounds = array<i64: 1, 64>}, {pipeline_mode = #tpu.pipeline_mode<synchronous>, transform_indices = @transform_8, window_bounds = array<i64: 1, 64>}, {pipeline_mode = #tpu.pipeline_mode<synchronous>, transform_indices = @transform_9, window_bounds = array<i64: 1, 64>}, {pipeline_mode = #tpu.pipeline_mode<synchronous>, transform_indices = @transform_10, window_bounds = array<i64: 64, 64>}, {pipeline_mode = #tpu.pipeline_mode<synchronous>, transform_indices = @transform_11, window_bounds = array<i64: 1, 64>}, {pipeline_mode = #tpu.pipeline_mode<synchronous>, transform_indices = @transform_12, window_bounds = array<i64: 64, 64>}, {pipeline_mode = #tpu.pipeline_mode<synchronous>, transform_indices = @transform_13, window_bounds = array<i64: 5, 10>}, {pipeline_mode = #tpu.pipeline_mode<synchronous>, transform_indices = @transform_14, window_bounds = array<i64: 1, 10>}, {pipeline_mode = #tpu.pipeline_mode<synchronous>, transform_indices = @transform_15, window_bounds = array<i64: 10, 5>}, {pipeline_mode = #tpu.pipeline_mode<synchronous>, transform_indices = @transform_16, window_bounds = array<i64: 1, 5>}, {pipeline_mode = #tpu.pipeline_mode<synchronous>, transform_indices = @transform_17, window_bounds = array<i64: 5, 1>}, {pipeline_mode = #tpu.pipeline_mode<synchronous>, transform_indices = @transform_18, window_bounds = array<i64: 1, 1>}, {transform_indices = @transform_19, window_bounds = array<i64: 2048, 64>}, {transform_indices = @transform_20, window_bounds = array<i64: 2048, 128>}, {transform_indices = @transform_21, window_bounds = array<i64: 2048, 1>}]} {
    %get3A = arith.constant 0 : index
    %get3A_0 = arith.constant 0 : index
    %get3A_1 = vector.load %arg1[%get3A, %get3A_0] : memref<2048x128xf32, #tpu.memory_space<vmem>>, vector<2048x128xf32>
    %get3A_2 = arith.constant 0 : index
    %get3A_3 = arith.constant 0 : index
    %get3A_4 = vector.load %arg3[%get3A_2, %get3A_3] : memref<128x64xf32, #tpu.memory_space<vmem>>, vector<128x64xf32>
    %dot_general3A = arith.constant dense<0.000000e+00> : vector<2048x64xf32>
    %dot_general3A_5 = tpu.matmul %get3A_1, %get3A_4, %dot_general3A {dimension_numbers = #tpu.dot_dimension_numbers<[1], [0], [0], [1], [0, 0, 1, 1], [], []>, transpose_lhs_hint = false} : vector<2048x128xf32>, vector<128x64xf32>, vector<2048x64xf32> -> vector<2048x64xf32>
    %get3A_6 = arith.constant 0 : index
    %get3A_7 = arith.constant 0 : index
    %get3A_8 = vector.load %arg4[%get3A_6, %get3A_7] : memref<1x64xf32, #tpu.memory_space<vmem>>, vector<1x64xf32>
    %add3A = vector.broadcast %get3A_8 : vector<1x64xf32> to vector<2048x64xf32>
    %add3A_9 = arith.addf %dot_general3A_5, %add3A : vector<2048x64xf32>
    %max3A = arith.constant 0.000000e+00 : f32
    %max3A_10 = vector.broadcast %max3A : f32 to vector<2048x64xf32>
    %max3A_11 = arith.maximumf %add3A_9, %max3A_10 : vector<2048x64xf32>
    %get3A_12 = arith.constant 0 : index
    %get3A_13 = arith.constant 0 : index
    %get3A_14 = vector.load %arg5[%get3A_12, %get3A_13] : memref<64x64xf32, #tpu.memory_space<vmem>>, vector<64x64xf32>
    %dot_general3A_15 = arith.constant dense<0.000000e+00> : vector<2048x64xf32>
    %dot_general3A_16 = tpu.matmul %max3A_11, %get3A_14, %dot_general3A_15 {dimension_numbers = #tpu.dot_dimension_numbers<[1], [0], [0], [1], [0, 0, 1, 1], [], []>, transpose_lhs_hint = false} : vector<2048x64xf32>, vector<64x64xf32>, vector<2048x64xf32> -> vector<2048x64xf32>
    %get3A_17 = arith.constant 0 : index
    %get3A_18 = arith.constant 0 : index
    %get3A_19 = vector.load %arg6[%get3A_17, %get3A_18] : memref<1x64xf32, #tpu.memory_space<vmem>>, vector<1x64xf32>
    %add3A_20 = vector.broadcast %get3A_19 : vector<1x64xf32> to vector<2048x64xf32>
    %add3A_21 = arith.addf %dot_general3A_16, %add3A_20 : vector<2048x64xf32>
    %max3A_22 = arith.constant 0.000000e+00 : f32
    %max3A_23 = vector.broadcast %max3A_22 : f32 to vector<2048x64xf32>
    %max3A_24 = arith.maximumf %add3A_21, %max3A_23 : vector<2048x64xf32>
    %get3A_25 = arith.constant 0 : index
    %get3A_26 = arith.constant 0 : index
    %get3A_27 = vector.load %arg7[%get3A_25, %get3A_26] : memref<64x64xf32, #tpu.memory_space<vmem>>, vector<64x64xf32>
    %dot_general3A_28 = arith.constant dense<0.000000e+00> : vector<2048x64xf32>
    %dot_general3A_29 = tpu.matmul %max3A_24, %get3A_27, %dot_general3A_28 {dimension_numbers = #tpu.dot_dimension_numbers<[1], [0], [0], [1], [0, 0, 1, 1], [], []>, transpose_lhs_hint = false} : vector<2048x64xf32>, vector<64x64xf32>, vector<2048x64xf32> -> vector<2048x64xf32>
    %get3A_30 = arith.constant 0 : index
    %get3A_31 = arith.constant 0 : index
    %get3A_32 = vector.load %arg8[%get3A_30, %get3A_31] : memref<1x64xf32, #tpu.memory_space<vmem>>, vector<1x64xf32>
    %add3A_33 = vector.broadcast %get3A_32 : vector<1x64xf32> to vector<2048x64xf32>
    %add3A_34 = arith.addf %dot_general3A_29, %add3A_33 : vector<2048x64xf32>
    %get3A_35 = arith.constant 0 : index
    %get3A_36 = arith.constant 0 : index
    %get3A_37 = vector.load %arg9[%get3A_35, %get3A_36] : memref<1x64xf32, #tpu.memory_space<vmem>>, vector<1x64xf32>
    %get3A_38 = arith.constant 0 : index
    %get3A_39 = arith.constant 0 : index
    %get3A_40 = vector.load %arg10[%get3A_38, %get3A_39] : memref<1x64xf32, #tpu.memory_space<vmem>>, vector<1x64xf32>
    %reduce_sum3A = arith.constant dense<0.000000e+00> : vector<2048xf32>
    %reduce_sum3A_41 = vector.multi_reduction <add>, %add3A_34, %reduce_sum3A [1] : vector<2048x64xf32> to vector<2048xf32>
    %broadcast_in_dim3A = vector.shape_cast %reduce_sum3A_41 : vector<2048xf32> to vector<2048x1xf32>
    %div3A = arith.constant 6.400000e+01 : f32
    %div3A_42 = vector.broadcast %div3A : f32 to vector<2048x1xf32>
    %div3A_43 = arith.divf %broadcast_in_dim3A, %div3A_42 : vector<2048x1xf32>
    %jit3A = arith.constant 0 : i32
    %reduce_sum3A_44 = arith.constant dense<0.000000e+00> : vector<2048xf32>
    %reduce_sum3A_45 = vector.multi_reduction <add>, %add3A_34, %reduce_sum3A_44 [1] : vector<2048x64xf32> to vector<2048xf32>
    %broadcast_in_dim3A_46 = vector.shape_cast %reduce_sum3A_45 : vector<2048xf32> to vector<2048x1xf32>
    %div3A_47 = arith.constant 6.400000e+01 : f32
    %div3A_48 = vector.broadcast %div3A_47 : f32 to vector<2048x1xf32>
    %div3A_49 = arith.divf %broadcast_in_dim3A_46, %div3A_48 : vector<2048x1xf32>
    %sub3A = vector.broadcast %div3A_49 : vector<2048x1xf32> to vector<2048x64xf32>
    %sub3A_50 = arith.subf %add3A_34, %sub3A : vector<2048x64xf32>
    %square3A = arith.mulf %sub3A_50, %sub3A_50 : vector<2048x64xf32>
    %convert_element_type3A = arith.sitofp %jit3A : i32 to f32
    %sub3A_51 = arith.constant 6.400000e+01 : f32
    %sub3A_52 = arith.subf %sub3A_51, %convert_element_type3A : f32
    %reduce_sum3A_53 = arith.constant dense<0.000000e+00> : vector<2048xf32>
    %reduce_sum3A_54 = vector.multi_reduction <add>, %square3A, %reduce_sum3A_53 [1] : vector<2048x64xf32> to vector<2048xf32>
    %broadcast_in_dim3A_55 = vector.shape_cast %reduce_sum3A_54 : vector<2048xf32> to vector<2048x1xf32>
    %div3A_56 = vector.broadcast %sub3A_52 : f32 to vector<2048x1xf32>
    %div3A_57 = arith.divf %broadcast_in_dim3A_55, %div3A_56 : vector<2048x1xf32>
    %gt3A = arith.constant 0.000000e+00 : f32
    %gt3A_58 = arith.cmpf ogt, %sub3A_52, %gt3A : f32
    %jit3A_59 = arith.constant 0x7FC00000 : f32
    %broadcast_in_dim3A_60 = vector.broadcast %jit3A_59 : f32 to vector<2048x1xf32>
    %select_n3A = arith.select %gt3A_58, %div3A_57, %broadcast_in_dim3A_60 : vector<2048x1xf32>
    %sub3A_61 = vector.broadcast %div3A_43 : vector<2048x1xf32> to vector<2048x64xf32>
    %sub3A_62 = arith.subf %add3A_34, %sub3A_61 : vector<2048x64xf32>
    %add3A_63 = arith.constant 9.99999974E-6 : f32
    %add3A_64 = vector.broadcast %add3A_63 : f32 to vector<2048x1xf32>
    %add3A_65 = arith.addf %select_n3A, %add3A_64 : vector<2048x1xf32>
    %sqrt3A = math.sqrt %add3A_65 : vector<2048x1xf32>
    %div3A_66 = vector.broadcast %sqrt3A : vector<2048x1xf32> to vector<2048x64xf32>
    %div3A_67 = arith.divf %sub3A_62, %div3A_66 : vector<2048x64xf32>
    %mul3A = vector.broadcast %get3A_37 : vector<1x64xf32> to vector<2048x64xf32>
    %mul3A_68 = arith.mulf %div3A_67, %mul3A : vector<2048x64xf32>
    %add3A_69 = vector.broadcast %get3A_40 : vector<1x64xf32> to vector<2048x64xf32>
    %add3A_70 = arith.addf %mul3A_68, %add3A_69 : vector<2048x64xf32>
    %swap3A = arith.constant 0 : index
    %swap3A_71 = arith.constant 0 : index
    %swap3A_72 = vector.load %arg20[%swap3A, %swap3A_71] : memref<2048x64xf32, #tpu.memory_space<vmem>>, vector<2048x64xf32>
    tpu.vector_store %arg20[%swap3A, %swap3A_71], %add3A_70 {strides = array<i32>} : memref<2048x64xf32, #tpu.memory_space<vmem>>, vector<2048x64xf32>,
    %get3A_73 = arith.constant 0 : index
    %get3A_74 = arith.constant 0 : index
    %get3A_75 = vector.load %arg11[%get3A_73, %get3A_74] : memref<64x64xf32, #tpu.memory_space<vmem>>, vector<64x64xf32>
    %dot_general3A_76 = arith.constant dense<0.000000e+00> : vector<2048x64xf32>
    %dot_general3A_77 = tpu.matmul %add3A_70, %get3A_75, %dot_general3A_76 {dimension_numbers = #tpu.dot_dimension_numbers<[1], [0], [0], [1], [0, 0, 1, 1], [], []>, transpose_lhs_hint = false} : vector<2048x64xf32>, vector<64x64xf32>, vector<2048x64xf32> -> vector<2048x64xf32>
    %get3A_78 = arith.constant 0 : index
    %get3A_79 = arith.constant 0 : index
    %get3A_80 = vector.load %arg12[%get3A_78, %get3A_79] : memref<1x64xf32, #tpu.memory_space<vmem>>, vector<1x64xf32>
    %add3A_81 = vector.broadcast %get3A_80 : vector<1x64xf32> to vector<2048x64xf32>
    %add3A_82 = arith.addf %dot_general3A_77, %add3A_81 : vector<2048x64xf32>
    %get3A_83 = arith.constant 0 : index
    %get3A_84 = arith.constant 0 : index
    %get3A_85 = vector.load %arg13[%get3A_83, %get3A_84] : memref<64x64xf32, #tpu.memory_space<vmem>>, vector<64x64xf32>
    %dot_general3A_86 = arith.constant dense<0.000000e+00> : vector<2048x64xf32>
    %dot_general3A_87 = tpu.matmul %add3A_70, %get3A_85, %dot_general3A_86 {dimension_numbers = #tpu.dot_dimension_numbers<[1], [0], [0], [1], [0, 0, 1, 1], [], []>, transpose_lhs_hint = false} : vector<2048x64xf32>, vector<64x64xf32>, vector<2048x64xf32> -> vector<2048x64xf32>
    %concatenate3A = tpu.concatenate %add3A_82, %dot_general3A_87 in 1 : vector<2048x64xf32>, vector<2048x64xf32> -> vector<2048x128xf32>
    %swap3A_88 = arith.constant 0 : index
    %swap3A_89 = arith.constant 0 : index
    %swap3A_90 = vector.load %arg21[%swap3A_88, %swap3A_89] : memref<2048x128xf32, #tpu.memory_space<vmem>>, vector<2048x128xf32>
    tpu.vector_store %arg21[%swap3A_88, %swap3A_89], %concatenate3A {strides = array<i32>} : memref<2048x128xf32, #tpu.memory_space<vmem>>, vector<2048x128xf32>,
    %get3A_91 = arith.constant 0 : index
    %get3A_92 = arith.constant 0 : index
    %get3A_93 = vector.load %arg2[%get3A_91, %get3A_92] : memref<2048x5xf32, #tpu.memory_space<vmem>>, vector<2048x5xf32>
    %get3A_94 = arith.constant 0 : index
    %get3A_95 = arith.constant 0 : index
    %get3A_96 = vector.load %arg14[%get3A_94, %get3A_95] : memref<5x10xf32, #tpu.memory_space<vmem>>, vector<5x10xf32>
    %dot_general3A_97 = arith.constant dense<0.000000e+00> : vector<2048x10xf32>
    %dot_general3A_98 = tpu.matmul %get3A_93, %get3A_96, %dot_general3A_97 {dimension_numbers = #tpu.dot_dimension_numbers<[1], [0], [0], [1], [0, 0, 1, 1], [], []>, transpose_lhs_hint = false} : vector<2048x5xf32>, vector<5x10xf32>, vector<2048x10xf32> -> vector<2048x10xf32>
    %get3A_99 = arith.constant 0 : index
    %get3A_100 = arith.constant 0 : index
    %get3A_101 = vector.load %arg15[%get3A_99, %get3A_100] : memref<1x10xf32, #tpu.memory_space<vmem>>, vector<1x10xf32>
    %add3A_102 = vector.broadcast %get3A_101 : vector<1x10xf32> to vector<2048x10xf32>
    %add3A_103 = arith.addf %dot_general3A_98, %add3A_102 : vector<2048x10xf32>
    %max3A_104 = arith.constant 0.000000e+00 : f32
    %max3A_105 = vector.broadcast %max3A_104 : f32 to vector<2048x10xf32>
    %max3A_106 = arith.maximumf %add3A_103, %max3A_105 : vector<2048x10xf32>
    %abs3A = math.absf %add3A_103 : vector<2048x10xf32>
    %neg3A = arith.constant 0.000000e+00 : f32
    %neg3A_107 = vector.broadcast %neg3A : f32 to vector<2048x10xf32>
    %neg3A_108 = arith.subf %neg3A_107, %abs3A : vector<2048x10xf32>
    %exp3A = math.exp %neg3A_108 : vector<2048x10xf32>
    %log1p3A = math.log1p %exp3A : vector<2048x10xf32>
    %add3A_109 = arith.addf %max3A_106, %log1p3A : vector<2048x10xf32>
    %get3A_110 = arith.constant 0 : index
    %get3A_111 = arith.constant 0 : index
    %get3A_112 = vector.load %arg16[%get3A_110, %get3A_111] : memref<10x5xf32, #tpu.memory_space<vmem>>, vector<10x5xf32>
    %dot_general3A_113 = arith.constant dense<0.000000e+00> : vector<2048x5xf32>
    %dot_general3A_114 = tpu.matmul %add3A_109, %get3A_112, %dot_general3A_113 {dimension_numbers = #tpu.dot_dimension_numbers<[1], [0], [0], [1], [0, 0, 1, 1], [], []>, transpose_lhs_hint = false} : vector<2048x10xf32>, vector<10x5xf32>, vector<2048x5xf32> -> vector<2048x5xf32>
    %get3A_115 = arith.constant 0 : index
    %get3A_116 = arith.constant 0 : index
    %get3A_117 = vector.load %arg17[%get3A_115, %get3A_116] : memref<1x5xf32, #tpu.memory_space<vmem>>, vector<1x5xf32>
    %add3A_118 = vector.broadcast %get3A_117 : vector<1x5xf32> to vector<2048x5xf32>
    %add3A_119 = arith.addf %dot_general3A_114, %add3A_118 : vector<2048x5xf32>
    %max3A_120 = arith.constant 0.000000e+00 : f32
    %max3A_121 = vector.broadcast %max3A_120 : f32 to vector<2048x5xf32>
    %max3A_122 = arith.maximumf %add3A_119, %max3A_121 : vector<2048x5xf32>
    %abs3A_123 = math.absf %add3A_119 : vector<2048x5xf32>
    %neg3A_124 = arith.constant 0.000000e+00 : f32
    %neg3A_125 = vector.broadcast %neg3A_124 : f32 to vector<2048x5xf32>
    %neg3A_126 = arith.subf %neg3A_125, %abs3A_123 : vector<2048x5xf32>
    %exp3A_127 = math.exp %neg3A_126 : vector<2048x5xf32>
    %log1p3A_128 = math.log1p %exp3A_127 : vector<2048x5xf32>
    %add3A_129 = arith.addf %max3A_122, %log1p3A_128 : vector<2048x5xf32>
    %get3A_130 = arith.constant 0 : index
    %get3A_131 = arith.constant 0 : index
    %get3A_132 = vector.load %arg18[%get3A_130, %get3A_131] : memref<5x1xf32, #tpu.memory_space<vmem>>, vector<5x1xf32>
    %dot_general3A_133 = arith.constant dense<0.000000e+00> : vector<2048x1xf32>
    %dot_general3A_134 = tpu.matmul %add3A_129, %get3A_132, %dot_general3A_133 {dimension_numbers = #tpu.dot_dimension_numbers<[1], [0], [0], [1], [0, 0, 1, 1], [], []>, transpose_lhs_hint = false} : vector<2048x5xf32>, vector<5x1xf32>, vector<2048x1xf32> -> vector<2048x1xf32>
    %get3A_135 = arith.constant 0 : index
    %get3A_136 = arith.constant 0 : index
    %get3A_137 = vector.load %arg19[%get3A_135, %get3A_136] : memref<1x1xf32, #tpu.memory_space<vmem>>, vector<1x1xf32>
    %add3A_138 = vector.broadcast %get3A_137 : vector<1x1xf32> to vector<2048x1xf32>
    %add3A_139 = arith.addf %dot_general3A_134, %add3A_138 : vector<2048x1xf32>
    %max3A_140 = arith.constant 0.000000e+00 : f32
    %max3A_141 = vector.broadcast %max3A_140 : f32 to vector<2048x1xf32>
    %max3A_142 = arith.maximumf %add3A_139, %max3A_141 : vector<2048x1xf32>
    %abs3A_143 = math.absf %add3A_139 : vector<2048x1xf32>
    %neg3A_144 = arith.constant 0.000000e+00 : f32
    %neg3A_145 = vector.broadcast %neg3A_144 : f32 to vector<2048x1xf32>
    %neg3A_146 = arith.subf %neg3A_145, %abs3A_143 : vector<2048x1xf32>
    %exp3A_147 = math.exp %neg3A_146 : vector<2048x1xf32>
    %log1p3A_148 = math.log1p %exp3A_147 : vector<2048x1xf32>
    %add3A_149 = arith.addf %max3A_142, %log1p3A_148 : vector<2048x1xf32>
    %swap3A_150 = arith.constant 0 : index
    %swap3A_151 = arith.constant 0 : index
    %swap3A_152 = vector.load %arg22[%swap3A_150, %swap3A_151] : memref<2048x1xf32, #tpu.memory_space<vmem>>, vector<2048x1xf32>
    tpu.vector_store %arg22[%swap3A_150, %swap3A_151], %add3A_149 {strides = array<i32>} : memref<2048x1xf32, #tpu.memory_space<vmem>>, vector<2048x1xf32>,
    return
  }
  func.func @transform_0(%arg0: i32) -> (i32, i32) {
    %c0_i32 = arith.constant 0 : i32
    %c0_i32_0 = arith.constant 0 : i32
    return %arg0, %c0_i32 : i32, i32
  }
  func.func @transform_1(%arg0: i32) -> (i32, i32) {
    %c0_i32 = arith.constant 0 : i32
    %c0_i32_0 = arith.constant 0 : i32
    return %arg0, %c0_i32 : i32, i32
  }
  func.func @transform_2(%arg0: i32) -> (i32, i32) {
    %c0_i32 = arith.constant 0 : i32
    %c0_i32_0 = arith.constant 0 : i32
    %c0_i32_1 = arith.constant 0 : i32
    return %c0_i32, %c0_i32_0 : i32, i32
  }
  func.func @transform_3(%arg0: i32) -> (i32, i32) {
    %c0_i32 = arith.constant 0 : i32
    %c0_i32_0 = arith.constant 0 : i32
    %c0_i32_1 = arith.constant 0 : i32
    return %c0_i32, %c0_i32_0 : i32, i32
  }
  func.func @transform_4(%arg0: i32) -> (i32, i32) {
    %c0_i32 = arith.constant 0 : i32
    %c0_i32_0 = arith.constant 0 : i32
    %c0_i32_1 = arith.constant 0 : i32
    return %c0_i32, %c0_i32_0 : i32, i32
  }
  func.func @transform_5(%arg0: i32) -> (i32, i32) {
    %c0_i32 = arith.constant 0 : i32
    %c0_i32_0 = arith.constant 0 : i32
    %c0_i32_1 = arith.constant 0 : i32
    return %c0_i32, %c0_i32_0 : i32, i32
  }
  func.func @transform_6(%arg0: i32) -> (i32, i32) {
    %c0_i32 = arith.constant 0 : i32
    %c0_i32_0 = arith.constant 0 : i32
    %c0_i32_1 = arith.constant 0 : i32
    return %c0_i32, %c0_i32_0 : i32, i32
  }
  func.func @transform_7(%arg0: i32) -> (i32, i32) {
    %c0_i32 = arith.constant 0 : i32
    %c0_i32_0 = arith.constant 0 : i32
    %c0_i32_1 = arith.constant 0 : i32
    return %c0_i32, %c0_i32_0 : i32, i32
  }
  func.func @transform_8(%arg0: i32) -> (i32, i32) {
    %c0_i32 = arith.constant 0 : i32
    %c0_i32_0 = arith.constant 0 : i32
    %c0_i32_1 = arith.constant 0 : i32
    return %c0_i32, %c0_i32_0 : i32, i32
  }
  func.func @transform_9(%arg0: i32) -> (i32, i32) {
    %c0_i32 = arith.constant 0 : i32
    %c0_i32_0 = arith.constant 0 : i32
    %c0_i32_1 = arith.constant 0 : i32
    return %c0_i32, %c0_i32_0 : i32, i32
  }
  func.func @transform_10(%arg0: i32) -> (i32, i32) {
    %c0_i32 = arith.constant 0 : i32
    %c0_i32_0 = arith.constant 0 : i32
    %c0_i32_1 = arith.constant 0 : i32
    return %c0_i32, %c0_i32_0 : i32, i32
  }
  func.func @transform_11(%arg0: i32) -> (i32, i32) {
    %c0_i32 = arith.constant 0 : i32
    %c0_i32_0 = arith.constant 0 : i32
    %c0_i32_1 = arith.constant 0 : i32
    return %c0_i32, %c0_i32_0 : i32, i32
  }
  func.func @transform_12(%arg0: i32) -> (i32, i32) {
    %c0_i32 = arith.constant 0 : i32
    %c0_i32_0 = arith.constant 0 : i32
    %c0_i32_1 = arith.constant 0 : i32
    return %c0_i32, %c0_i32_0 : i32, i32
  }
  func.func @transform_13(%arg0: i32) -> (i32, i32) {
    %c0_i32 = arith.constant 0 : i32
    %c0_i32_0 = arith.constant 0 : i32
    %c0_i32_1 = arith.constant 0 : i32
    return %c0_i32, %c0_i32_0 : i32, i32
  }
  func.func @transform_14(%arg0: i32) -> (i32, i32) {
    %c0_i32 = arith.constant 0 : i32
    %c0_i32_0 = arith.constant 0 : i32
    %c0_i32_1 = arith.constant 0 : i32
    return %c0_i32, %c0_i32_0 : i32, i32
  }
  func.func @transform_15(%arg0: i32) -> (i32, i32) {
    %c0_i32 = arith.constant 0 : i32
    %c0_i32_0 = arith.constant 0 : i32
    %c0_i32_1 = arith.constant 0 : i32
    return %c0_i32, %c0_i32_0 : i32, i32
  }
  func.func @transform_16(%arg0: i32) -> (i32, i32) {
    %c0_i32 = arith.constant 0 : i32
    %c0_i32_0 = arith.constant 0 : i32
    %c0_i32_1 = arith.constant 0 : i32
    return %c0_i32, %c0_i32_0 : i32, i32
  }
  func.func @transform_17(%arg0: i32) -> (i32, i32) {
    %c0_i32 = arith.constant 0 : i32
    %c0_i32_0 = arith.constant 0 : i32
    %c0_i32_1 = arith.constant 0 : i32
    return %c0_i32, %c0_i32_0 : i32, i32
  }
  func.func @transform_18(%arg0: i32) -> (i32, i32) {
    %c0_i32 = arith.constant 0 : i32
    %c0_i32_0 = arith.constant 0 : i32
    %c0_i32_1 = arith.constant 0 : i32
    return %c0_i32, %c0_i32_0 : i32, i32
  }
  func.func @transform_19(%arg0: i32) -> (i32, i32) {
    %c0_i32 = arith.constant 0 : i32
    %c0_i32_0 = arith.constant 0 : i32
    return %arg0, %c0_i32 : i32, i32
  }
  func.func @transform_20(%arg0: i32) -> (i32, i32) {
    %c0_i32 = arith.constant 0 : i32
    %c0_i32_0 = arith.constant 0 : i32
    return %arg0, %c0_i32 : i32, i32
  }
  func.func @transform_21(%arg0: i32) -> (i32, i32) {
    %c0_i32 = arith.constant 0 : i32
    %c0_i32_0 = arith.constant 0 : i32
    return %arg0, %c0_i32 : i32, i32
  }
}

module attributes {stable_mosaic.version = 14 : i64} {
  func.func @body(%arg0: i32, %arg1: memref<4000x16xf32, #tpu.memory_space<vmem>>, %arg2: memref<16x64xf32, #tpu.memory_space<vmem>>, %arg3: memref<1x64xf32, #tpu.memory_space<vmem>>, %arg4: memref<64x64xf32, #tpu.memory_space<vmem>>, %arg5: memref<1x64xf32, #tpu.memory_space<vmem>>, %arg6: memref<64x64xf32, #tpu.memory_space<vmem>>, %arg7: memref<1x64xf32, #tpu.memory_space<vmem>>, %arg8: memref<1x64xf32, #tpu.memory_space<vmem>>, %arg9: memref<1x64xf32, #tpu.memory_space<vmem>>, %arg10: memref<4000x128xf32, #tpu.memory_space<vmem>>) attributes {dimension_semantics = [#tpu.dimension_semantics<arbitrary>], iteration_bounds = array<i64: 80>, scalar_prefetch = 0 : i64, scratch_operands = 0 : i64, tpu.core_type = #tpu.core_type<tc>, window_params = [{transform_indices = @transform_0, window_bounds = array<i64: 4000, 16>}, {pipeline_mode = #tpu.pipeline_mode<synchronous>, transform_indices = @transform_1, window_bounds = array<i64: 16, 64>}, {pipeline_mode = #tpu.pipeline_mode<synchronous>, transform_indices = @transform_2, window_bounds = array<i64: 1, 64>}, {pipeline_mode = #tpu.pipeline_mode<synchronous>, transform_indices = @transform_3, window_bounds = array<i64: 64, 64>}, {pipeline_mode = #tpu.pipeline_mode<synchronous>, transform_indices = @transform_4, window_bounds = array<i64: 1, 64>}, {pipeline_mode = #tpu.pipeline_mode<synchronous>, transform_indices = @transform_5, window_bounds = array<i64: 64, 64>}, {pipeline_mode = #tpu.pipeline_mode<synchronous>, transform_indices = @transform_6, window_bounds = array<i64: 1, 64>}, {pipeline_mode = #tpu.pipeline_mode<synchronous>, transform_indices = @transform_7, window_bounds = array<i64: 1, 64>}, {pipeline_mode = #tpu.pipeline_mode<synchronous>, transform_indices = @transform_8, window_bounds = array<i64: 1, 64>}, {transform_indices = @transform_9, window_bounds = array<i64: 4000, 128>}]} {
    %get3A = arith.constant 0 : index
    %get3A_0 = arith.constant 0 : index
    %get3A_1 = vector.load %arg1[%get3A, %get3A_0] : memref<4000x16xf32, #tpu.memory_space<vmem>>, vector<4000x16xf32>
    %get3A_2 = arith.constant 0 : index
    %get3A_3 = arith.constant 0 : index
    %get3A_4 = vector.load %arg2[%get3A_2, %get3A_3] : memref<16x64xf32, #tpu.memory_space<vmem>>, vector<16x64xf32>
    %dot_general3A = arith.constant dense<0.000000e+00> : vector<4000x64xf32>
    %dot_general3A_5 = tpu.matmul %get3A_1, %get3A_4, %dot_general3A {dimension_numbers = #tpu.dot_dimension_numbers<[1], [0], [0], [1], [0, 0, 1, 1], [], []>, transpose_lhs_hint = false} : vector<4000x16xf32>, vector<16x64xf32>, vector<4000x64xf32> -> vector<4000x64xf32>
    %get3A_6 = arith.constant 0 : index
    %get3A_7 = arith.constant 0 : index
    %get3A_8 = vector.load %arg3[%get3A_6, %get3A_7] : memref<1x64xf32, #tpu.memory_space<vmem>>, vector<1x64xf32>
    %add3A = vector.broadcast %get3A_8 : vector<1x64xf32> to vector<4000x64xf32>
    %add3A_9 = arith.addf %dot_general3A_5, %add3A : vector<4000x64xf32>
    %max3A = arith.constant 0.000000e+00 : f32
    %max3A_10 = vector.broadcast %max3A : f32 to vector<4000x64xf32>
    %max3A_11 = arith.maximumf %add3A_9, %max3A_10 : vector<4000x64xf32>
    %get3A_12 = arith.constant 0 : index
    %get3A_13 = arith.constant 0 : index
    %get3A_14 = vector.load %arg4[%get3A_12, %get3A_13] : memref<64x64xf32, #tpu.memory_space<vmem>>, vector<64x64xf32>
    %dot_general3A_15 = arith.constant dense<0.000000e+00> : vector<4000x64xf32>
    %dot_general3A_16 = tpu.matmul %max3A_11, %get3A_14, %dot_general3A_15 {dimension_numbers = #tpu.dot_dimension_numbers<[1], [0], [0], [1], [0, 0, 1, 1], [], []>, transpose_lhs_hint = false} : vector<4000x64xf32>, vector<64x64xf32>, vector<4000x64xf32> -> vector<4000x64xf32>
    %get3A_17 = arith.constant 0 : index
    %get3A_18 = arith.constant 0 : index
    %get3A_19 = vector.load %arg5[%get3A_17, %get3A_18] : memref<1x64xf32, #tpu.memory_space<vmem>>, vector<1x64xf32>
    %add3A_20 = vector.broadcast %get3A_19 : vector<1x64xf32> to vector<4000x64xf32>
    %add3A_21 = arith.addf %dot_general3A_16, %add3A_20 : vector<4000x64xf32>
    %max3A_22 = arith.constant 0.000000e+00 : f32
    %max3A_23 = vector.broadcast %max3A_22 : f32 to vector<4000x64xf32>
    %max3A_24 = arith.maximumf %add3A_21, %max3A_23 : vector<4000x64xf32>
    %get3A_25 = arith.constant 0 : index
    %get3A_26 = arith.constant 0 : index
    %get3A_27 = vector.load %arg6[%get3A_25, %get3A_26] : memref<64x64xf32, #tpu.memory_space<vmem>>, vector<64x64xf32>
    %dot_general3A_28 = arith.constant dense<0.000000e+00> : vector<4000x64xf32>
    %dot_general3A_29 = tpu.matmul %max3A_24, %get3A_27, %dot_general3A_28 {dimension_numbers = #tpu.dot_dimension_numbers<[1], [0], [0], [1], [0, 0, 1, 1], [], []>, transpose_lhs_hint = false} : vector<4000x64xf32>, vector<64x64xf32>, vector<4000x64xf32> -> vector<4000x64xf32>
    %get3A_30 = arith.constant 0 : index
    %get3A_31 = arith.constant 0 : index
    %get3A_32 = vector.load %arg7[%get3A_30, %get3A_31] : memref<1x64xf32, #tpu.memory_space<vmem>>, vector<1x64xf32>
    %add3A_33 = vector.broadcast %get3A_32 : vector<1x64xf32> to vector<4000x64xf32>
    %add3A_34 = arith.addf %dot_general3A_29, %add3A_33 : vector<4000x64xf32>
    %get3A_35 = arith.constant 0 : index
    %get3A_36 = arith.constant 0 : index
    %get3A_37 = vector.load %arg8[%get3A_35, %get3A_36] : memref<1x64xf32, #tpu.memory_space<vmem>>, vector<1x64xf32>
    %get3A_38 = arith.constant 0 : index
    %get3A_39 = arith.constant 0 : index
    %get3A_40 = vector.load %arg9[%get3A_38, %get3A_39] : memref<1x64xf32, #tpu.memory_space<vmem>>, vector<1x64xf32>
    %reduce_sum3A = arith.constant dense<0.000000e+00> : vector<4000xf32>
    %reduce_sum3A_41 = vector.multi_reduction <add>, %add3A_34, %reduce_sum3A [1] : vector<4000x64xf32> to vector<4000xf32>
    %broadcast_in_dim3A = vector.shape_cast %reduce_sum3A_41 : vector<4000xf32> to vector<4000x1xf32>
    %div3A = arith.constant 6.400000e+01 : f32
    %div3A_42 = vector.broadcast %div3A : f32 to vector<4000x1xf32>
    %div3A_43 = arith.divf %broadcast_in_dim3A, %div3A_42 : vector<4000x1xf32>
    %jit3A = arith.constant 0 : i32
    %reduce_sum3A_44 = arith.constant dense<0.000000e+00> : vector<4000xf32>
    %reduce_sum3A_45 = vector.multi_reduction <add>, %add3A_34, %reduce_sum3A_44 [1] : vector<4000x64xf32> to vector<4000xf32>
    %broadcast_in_dim3A_46 = vector.shape_cast %reduce_sum3A_45 : vector<4000xf32> to vector<4000x1xf32>
    %div3A_47 = arith.constant 6.400000e+01 : f32
    %div3A_48 = vector.broadcast %div3A_47 : f32 to vector<4000x1xf32>
    %div3A_49 = arith.divf %broadcast_in_dim3A_46, %div3A_48 : vector<4000x1xf32>
    %sub3A = vector.broadcast %div3A_49 : vector<4000x1xf32> to vector<4000x64xf32>
    %sub3A_50 = arith.subf %add3A_34, %sub3A : vector<4000x64xf32>
    %square3A = arith.mulf %sub3A_50, %sub3A_50 : vector<4000x64xf32>
    %convert_element_type3A = arith.sitofp %jit3A : i32 to f32
    %sub3A_51 = arith.constant 6.400000e+01 : f32
    %sub3A_52 = arith.subf %sub3A_51, %convert_element_type3A : f32
    %reduce_sum3A_53 = arith.constant dense<0.000000e+00> : vector<4000xf32>
    %reduce_sum3A_54 = vector.multi_reduction <add>, %square3A, %reduce_sum3A_53 [1] : vector<4000x64xf32> to vector<4000xf32>
    %broadcast_in_dim3A_55 = vector.shape_cast %reduce_sum3A_54 : vector<4000xf32> to vector<4000x1xf32>
    %div3A_56 = vector.broadcast %sub3A_52 : f32 to vector<4000x1xf32>
    %div3A_57 = arith.divf %broadcast_in_dim3A_55, %div3A_56 : vector<4000x1xf32>
    %gt3A = arith.constant 0.000000e+00 : f32
    %gt3A_58 = arith.cmpf ogt, %sub3A_52, %gt3A : f32
    %jit3A_59 = arith.constant 0x7FC00000 : f32
    %broadcast_in_dim3A_60 = vector.broadcast %jit3A_59 : f32 to vector<4000x1xf32>
    %select_n3A = arith.select %gt3A_58, %div3A_57, %broadcast_in_dim3A_60 : vector<4000x1xf32>
    %sub3A_61 = vector.broadcast %div3A_43 : vector<4000x1xf32> to vector<4000x64xf32>
    %sub3A_62 = arith.subf %add3A_34, %sub3A_61 : vector<4000x64xf32>
    %add3A_63 = arith.constant 9.99999974E-6 : f32
    %add3A_64 = vector.broadcast %add3A_63 : f32 to vector<4000x1xf32>
    %add3A_65 = arith.addf %select_n3A, %add3A_64 : vector<4000x1xf32>
    %sqrt3A = math.sqrt %add3A_65 : vector<4000x1xf32>
    %div3A_66 = vector.broadcast %sqrt3A : vector<4000x1xf32> to vector<4000x64xf32>
    %div3A_67 = arith.divf %sub3A_62, %div3A_66 : vector<4000x64xf32>
    %mul3A = vector.broadcast %get3A_37 : vector<1x64xf32> to vector<4000x64xf32>
    %mul3A_68 = arith.mulf %div3A_67, %mul3A : vector<4000x64xf32>
    %add3A_69 = vector.broadcast %get3A_40 : vector<1x64xf32> to vector<4000x64xf32>
    %add3A_70 = arith.addf %mul3A_68, %add3A_69 : vector<4000x64xf32>
    %broadcast_in_dim3A_71 = arith.constant 0.000000e+00 : f32
    %broadcast_in_dim3A_72 = vector.broadcast %broadcast_in_dim3A_71 : f32 to vector<4000x64xf32>
    %concatenate3A = tpu.concatenate %broadcast_in_dim3A_72, %add3A_70 in 1 : vector<4000x64xf32>, vector<4000x64xf32> -> vector<4000x128xf32>
    %swap3A = arith.constant 0 : index
    %swap3A_73 = arith.constant 0 : index
    %swap3A_74 = vector.load %arg10[%swap3A, %swap3A_73] : memref<4000x128xf32, #tpu.memory_space<vmem>>, vector<4000x128xf32>
    tpu.vector_store %arg10[%swap3A, %swap3A_73], %concatenate3A {strides = array<i32>} : memref<4000x128xf32, #tpu.memory_space<vmem>>, vector<4000x128xf32>,
    return
  }
  func.func @transform_0(%arg0: i32) -> (i32, i32) {
    %c0_i32 = arith.constant 0 : i32
    %c0_i32_0 = arith.constant 0 : i32
    return %arg0, %c0_i32 : i32, i32
  }
  func.func @transform_1(%arg0: i32) -> (i32, i32) {
    %c0_i32 = arith.constant 0 : i32
    %c0_i32_0 = arith.constant 0 : i32
    %c0_i32_1 = arith.constant 0 : i32
    return %c0_i32, %c0_i32_0 : i32, i32
  }
  func.func @transform_2(%arg0: i32) -> (i32, i32) {
    %c0_i32 = arith.constant 0 : i32
    %c0_i32_0 = arith.constant 0 : i32
    %c0_i32_1 = arith.constant 0 : i32
    return %c0_i32, %c0_i32_0 : i32, i32
  }
  func.func @transform_3(%arg0: i32) -> (i32, i32) {
    %c0_i32 = arith.constant 0 : i32
    %c0_i32_0 = arith.constant 0 : i32
    %c0_i32_1 = arith.constant 0 : i32
    return %c0_i32, %c0_i32_0 : i32, i32
  }
  func.func @transform_4(%arg0: i32) -> (i32, i32) {
    %c0_i32 = arith.constant 0 : i32
    %c0_i32_0 = arith.constant 0 : i32
    %c0_i32_1 = arith.constant 0 : i32
    return %c0_i32, %c0_i32_0 : i32, i32
  }
  func.func @transform_5(%arg0: i32) -> (i32, i32) {
    %c0_i32 = arith.constant 0 : i32
    %c0_i32_0 = arith.constant 0 : i32
    %c0_i32_1 = arith.constant 0 : i32
    return %c0_i32, %c0_i32_0 : i32, i32
  }
  func.func @transform_6(%arg0: i32) -> (i32, i32) {
    %c0_i32 = arith.constant 0 : i32
    %c0_i32_0 = arith.constant 0 : i32
    %c0_i32_1 = arith.constant 0 : i32
    return %c0_i32, %c0_i32_0 : i32, i32
  }
  func.func @transform_7(%arg0: i32) -> (i32, i32) {
    %c0_i32 = arith.constant 0 : i32
    %c0_i32_0 = arith.constant 0 : i32
    %c0_i32_1 = arith.constant 0 : i32
    return %c0_i32, %c0_i32_0 : i32, i32
  }
  func.func @transform_8(%arg0: i32) -> (i32, i32) {
    %c0_i32 = arith.constant 0 : i32
    %c0_i32_0 = arith.constant 0 : i32
    %c0_i32_1 = arith.constant 0 : i32
    return %c0_i32, %c0_i32_0 : i32, i32
  }
  func.func @transform_9(%arg0: i32) -> (i32, i32) {
    %c0_i32 = arith.constant 0 : i32
    %c0_i32_0 = arith.constant 0 : i32
    return %arg0, %c0_i32 : i32, i32
  }
}

module attributes {stable_mosaic.version = 14 : i64} {
  func.func @body(%arg0: i32, %arg1: memref<4000x64xf32, #tpu.memory_space<vmem>>, %arg2: memref<4000x128xf32, #tpu.memory_space<vmem>>, %arg3: memref<64x64xf32, #tpu.memory_space<vmem>>, %arg4: memref<64x64xf32, #tpu.memory_space<vmem>>, %arg5: memref<1x64xf32, #tpu.memory_space<vmem>>, %arg6: memref<64x64xf32, #tpu.memory_space<vmem>>, %arg7: memref<1x64xf32, #tpu.memory_space<vmem>>, %arg8: memref<1x64xf32, #tpu.memory_space<vmem>>, %arg9: memref<1x64xf32, #tpu.memory_space<vmem>>, %arg10: memref<4000x128xf32, #tpu.memory_space<vmem>>) attributes {dimension_semantics = [#tpu.dimension_semantics<arbitrary>], iteration_bounds = array<i64: 80>, scalar_prefetch = 0 : i64, scratch_operands = 0 : i64, tpu.core_type = #tpu.core_type<tc>, window_params = [{transform_indices = @transform_0, window_bounds = array<i64: 4000, 64>}, {transform_indices = @transform_1, window_bounds = array<i64: 4000, 128>}, {pipeline_mode = #tpu.pipeline_mode<synchronous>, transform_indices = @transform_2, window_bounds = array<i64: 64, 64>}, {pipeline_mode = #tpu.pipeline_mode<synchronous>, transform_indices = @transform_3, window_bounds = array<i64: 64, 64>}, {pipeline_mode = #tpu.pipeline_mode<synchronous>, transform_indices = @transform_4, window_bounds = array<i64: 1, 64>}, {pipeline_mode = #tpu.pipeline_mode<synchronous>, transform_indices = @transform_5, window_bounds = array<i64: 64, 64>}, {pipeline_mode = #tpu.pipeline_mode<synchronous>, transform_indices = @transform_6, window_bounds = array<i64: 1, 64>}, {pipeline_mode = #tpu.pipeline_mode<synchronous>, transform_indices = @transform_7, window_bounds = array<i64: 1, 64>}, {pipeline_mode = #tpu.pipeline_mode<synchronous>, transform_indices = @transform_8, window_bounds = array<i64: 1, 64>}, {transform_indices = @transform_9, window_bounds = array<i64: 4000, 128>}]} {
    %get3A = arith.constant 0 : index
    %get3A_0 = arith.constant 0 : index
    %get3A_1 = vector.load %arg2[%get3A, %get3A_0] : memref<4000x128xf32, #tpu.memory_space<vmem>>, vector<4000x128xf32>
    %slice3A = vector.extract_strided_slice %get3A_1 {offsets = [0, 64], sizes = [4000, 64], strides = [1, 1]} : vector<4000x128xf32> to vector<4000x64xf32>
    %get3A_2 = arith.constant 0 : index
    %get3A_3 = arith.constant 0 : index
    %get3A_4 = vector.load %arg1[%get3A_2, %get3A_3] : memref<4000x64xf32, #tpu.memory_space<vmem>>, vector<4000x64xf32>
    %get3A_5 = arith.constant 0 : index
    %get3A_6 = arith.constant 0 : index
    %get3A_7 = vector.load %arg3[%get3A_5, %get3A_6] : memref<64x64xf32, #tpu.memory_space<vmem>>, vector<64x64xf32>
    %dot_general3A = arith.constant dense<0.000000e+00> : vector<4000x64xf32>
    %dot_general3A_8 = tpu.matmul %slice3A, %get3A_7, %dot_general3A {dimension_numbers = #tpu.dot_dimension_numbers<[1], [0], [0], [1], [0, 0, 1, 1], [], []>, transpose_lhs_hint = false} : vector<4000x64xf32>, vector<64x64xf32>, vector<4000x64xf32> -> vector<4000x64xf32>
    %add3A = arith.addf %get3A_4, %dot_general3A_8 : vector<4000x64xf32>
    %max3A = arith.constant 0.000000e+00 : f32
    %max3A_9 = vector.broadcast %max3A : f32 to vector<4000x64xf32>
    %max3A_10 = arith.maximumf %add3A, %max3A_9 : vector<4000x64xf32>
    %get3A_11 = arith.constant 0 : index
    %get3A_12 = arith.constant 0 : index
    %get3A_13 = vector.load %arg4[%get3A_11, %get3A_12] : memref<64x64xf32, #tpu.memory_space<vmem>>, vector<64x64xf32>
    %dot_general3A_14 = arith.constant dense<0.000000e+00> : vector<4000x64xf32>
    %dot_general3A_15 = tpu.matmul %max3A_10, %get3A_13, %dot_general3A_14 {dimension_numbers = #tpu.dot_dimension_numbers<[1], [0], [0], [1], [0, 0, 1, 1], [], []>, transpose_lhs_hint = false} : vector<4000x64xf32>, vector<64x64xf32>, vector<4000x64xf32> -> vector<4000x64xf32>
    %get3A_16 = arith.constant 0 : index
    %get3A_17 = arith.constant 0 : index
    %get3A_18 = vector.load %arg5[%get3A_16, %get3A_17] : memref<1x64xf32, #tpu.memory_space<vmem>>, vector<1x64xf32>
    %add3A_19 = vector.broadcast %get3A_18 : vector<1x64xf32> to vector<4000x64xf32>
    %add3A_20 = arith.addf %dot_general3A_15, %add3A_19 : vector<4000x64xf32>
    %max3A_21 = arith.constant 0.000000e+00 : f32
    %max3A_22 = vector.broadcast %max3A_21 : f32 to vector<4000x64xf32>
    %max3A_23 = arith.maximumf %add3A_20, %max3A_22 : vector<4000x64xf32>
    %get3A_24 = arith.constant 0 : index
    %get3A_25 = arith.constant 0 : index
    %get3A_26 = vector.load %arg6[%get3A_24, %get3A_25] : memref<64x64xf32, #tpu.memory_space<vmem>>, vector<64x64xf32>
    %dot_general3A_27 = arith.constant dense<0.000000e+00> : vector<4000x64xf32>
    %dot_general3A_28 = tpu.matmul %max3A_23, %get3A_26, %dot_general3A_27 {dimension_numbers = #tpu.dot_dimension_numbers<[1], [0], [0], [1], [0, 0, 1, 1], [], []>, transpose_lhs_hint = false} : vector<4000x64xf32>, vector<64x64xf32>, vector<4000x64xf32> -> vector<4000x64xf32>
    %get3A_29 = arith.constant 0 : index
    %get3A_30 = arith.constant 0 : index
    %get3A_31 = vector.load %arg7[%get3A_29, %get3A_30] : memref<1x64xf32, #tpu.memory_space<vmem>>, vector<1x64xf32>
    %add3A_32 = vector.broadcast %get3A_31 : vector<1x64xf32> to vector<4000x64xf32>
    %add3A_33 = arith.addf %dot_general3A_28, %add3A_32 : vector<4000x64xf32>
    %get3A_34 = arith.constant 0 : index
    %get3A_35 = arith.constant 0 : index
    %get3A_36 = vector.load %arg8[%get3A_34, %get3A_35] : memref<1x64xf32, #tpu.memory_space<vmem>>, vector<1x64xf32>
    %get3A_37 = arith.constant 0 : index
    %get3A_38 = arith.constant 0 : index
    %get3A_39 = vector.load %arg9[%get3A_37, %get3A_38] : memref<1x64xf32, #tpu.memory_space<vmem>>, vector<1x64xf32>
    %reduce_sum3A = arith.constant dense<0.000000e+00> : vector<4000xf32>
    %reduce_sum3A_40 = vector.multi_reduction <add>, %add3A_33, %reduce_sum3A [1] : vector<4000x64xf32> to vector<4000xf32>
    %broadcast_in_dim3A = vector.shape_cast %reduce_sum3A_40 : vector<4000xf32> to vector<4000x1xf32>
    %div3A = arith.constant 6.400000e+01 : f32
    %div3A_41 = vector.broadcast %div3A : f32 to vector<4000x1xf32>
    %div3A_42 = arith.divf %broadcast_in_dim3A, %div3A_41 : vector<4000x1xf32>
    %jit3A = arith.constant 0 : i32
    %reduce_sum3A_43 = arith.constant dense<0.000000e+00> : vector<4000xf32>
    %reduce_sum3A_44 = vector.multi_reduction <add>, %add3A_33, %reduce_sum3A_43 [1] : vector<4000x64xf32> to vector<4000xf32>
    %broadcast_in_dim3A_45 = vector.shape_cast %reduce_sum3A_44 : vector<4000xf32> to vector<4000x1xf32>
    %div3A_46 = arith.constant 6.400000e+01 : f32
    %div3A_47 = vector.broadcast %div3A_46 : f32 to vector<4000x1xf32>
    %div3A_48 = arith.divf %broadcast_in_dim3A_45, %div3A_47 : vector<4000x1xf32>
    %sub3A = vector.broadcast %div3A_48 : vector<4000x1xf32> to vector<4000x64xf32>
    %sub3A_49 = arith.subf %add3A_33, %sub3A : vector<4000x64xf32>
    %square3A = arith.mulf %sub3A_49, %sub3A_49 : vector<4000x64xf32>
    %convert_element_type3A = arith.sitofp %jit3A : i32 to f32
    %sub3A_50 = arith.constant 6.400000e+01 : f32
    %sub3A_51 = arith.subf %sub3A_50, %convert_element_type3A : f32
    %reduce_sum3A_52 = arith.constant dense<0.000000e+00> : vector<4000xf32>
    %reduce_sum3A_53 = vector.multi_reduction <add>, %square3A, %reduce_sum3A_52 [1] : vector<4000x64xf32> to vector<4000xf32>
    %broadcast_in_dim3A_54 = vector.shape_cast %reduce_sum3A_53 : vector<4000xf32> to vector<4000x1xf32>
    %div3A_55 = vector.broadcast %sub3A_51 : f32 to vector<4000x1xf32>
    %div3A_56 = arith.divf %broadcast_in_dim3A_54, %div3A_55 : vector<4000x1xf32>
    %gt3A = arith.constant 0.000000e+00 : f32
    %gt3A_57 = arith.cmpf ogt, %sub3A_51, %gt3A : f32
    %jit3A_58 = arith.constant 0x7FC00000 : f32
    %broadcast_in_dim3A_59 = vector.broadcast %jit3A_58 : f32 to vector<4000x1xf32>
    %select_n3A = arith.select %gt3A_57, %div3A_56, %broadcast_in_dim3A_59 : vector<4000x1xf32>
    %sub3A_60 = vector.broadcast %div3A_42 : vector<4000x1xf32> to vector<4000x64xf32>
    %sub3A_61 = arith.subf %add3A_33, %sub3A_60 : vector<4000x64xf32>
    %add3A_62 = arith.constant 9.99999974E-6 : f32
    %add3A_63 = vector.broadcast %add3A_62 : f32 to vector<4000x1xf32>
    %add3A_64 = arith.addf %select_n3A, %add3A_63 : vector<4000x1xf32>
    %sqrt3A = math.sqrt %add3A_64 : vector<4000x1xf32>
    %div3A_65 = vector.broadcast %sqrt3A : vector<4000x1xf32> to vector<4000x64xf32>
    %div3A_66 = arith.divf %sub3A_61, %div3A_65 : vector<4000x64xf32>
    %mul3A = vector.broadcast %get3A_36 : vector<1x64xf32> to vector<4000x64xf32>
    %mul3A_67 = arith.mulf %div3A_66, %mul3A : vector<4000x64xf32>
    %add3A_68 = vector.broadcast %get3A_39 : vector<1x64xf32> to vector<4000x64xf32>
    %add3A_69 = arith.addf %mul3A_67, %add3A_68 : vector<4000x64xf32>
    %add3A_70 = arith.addf %slice3A, %add3A_69 : vector<4000x64xf32>
    %concatenate3A = tpu.concatenate %add3A_69, %add3A_70 in 1 : vector<4000x64xf32>, vector<4000x64xf32> -> vector<4000x128xf32>
    %swap3A = arith.constant 0 : index
    %swap3A_71 = arith.constant 0 : index
    %swap3A_72 = vector.load %arg10[%swap3A, %swap3A_71] : memref<4000x128xf32, #tpu.memory_space<vmem>>, vector<4000x128xf32>
    tpu.vector_store %arg10[%swap3A, %swap3A_71], %concatenate3A {strides = array<i32>} : memref<4000x128xf32, #tpu.memory_space<vmem>>, vector<4000x128xf32>,
    return
  }
  func.func @transform_0(%arg0: i32) -> (i32, i32) {
    %c0_i32 = arith.constant 0 : i32
    %c0_i32_0 = arith.constant 0 : i32
    return %arg0, %c0_i32 : i32, i32
  }
  func.func @transform_1(%arg0: i32) -> (i32, i32) {
    %c0_i32 = arith.constant 0 : i32
    %c0_i32_0 = arith.constant 0 : i32
    return %arg0, %c0_i32 : i32, i32
  }
  func.func @transform_2(%arg0: i32) -> (i32, i32) {
    %c0_i32 = arith.constant 0 : i32
    %c0_i32_0 = arith.constant 0 : i32
    %c0_i32_1 = arith.constant 0 : i32
    return %c0_i32, %c0_i32_0 : i32, i32
  }
  func.func @transform_3(%arg0: i32) -> (i32, i32) {
    %c0_i32 = arith.constant 0 : i32
    %c0_i32_0 = arith.constant 0 : i32
    %c0_i32_1 = arith.constant 0 : i32
    return %c0_i32, %c0_i32_0 : i32, i32
  }
  func.func @transform_4(%arg0: i32) -> (i32, i32) {
    %c0_i32 = arith.constant 0 : i32
    %c0_i32_0 = arith.constant 0 : i32
    %c0_i32_1 = arith.constant 0 : i32
    return %c0_i32, %c0_i32_0 : i32, i32
  }
  func.func @transform_5(%arg0: i32) -> (i32, i32) {
    %c0_i32 = arith.constant 0 : i32
    %c0_i32_0 = arith.constant 0 : i32
    %c0_i32_1 = arith.constant 0 : i32
    return %c0_i32, %c0_i32_0 : i32, i32
  }
  func.func @transform_6(%arg0: i32) -> (i32, i32) {
    %c0_i32 = arith.constant 0 : i32
    %c0_i32_0 = arith.constant 0 : i32
    %c0_i32_1 = arith.constant 0 : i32
    return %c0_i32, %c0_i32_0 : i32, i32
  }
  func.func @transform_7(%arg0: i32) -> (i32, i32) {
    %c0_i32 = arith.constant 0 : i32
    %c0_i32_0 = arith.constant 0 : i32
    %c0_i32_1 = arith.constant 0 : i32
    return %c0_i32, %c0_i32_0 : i32, i32
  }
  func.func @transform_8(%arg0: i32) -> (i32, i32) {
    %c0_i32 = arith.constant 0 : i32
    %c0_i32_0 = arith.constant 0 : i32
    %c0_i32_1 = arith.constant 0 : i32
    return %c0_i32, %c0_i32_0 : i32, i32
  }
  func.func @transform_9(%arg0: i32) -> (i32, i32) {
    %c0_i32 = arith.constant 0 : i32
    %c0_i32_0 = arith.constant 0 : i32
    return %arg0, %c0_i32 : i32, i32
  }
}

module attributes {stable_mosaic.version = 14 : i64} {
  func.func @body(%arg0: i32, %arg1: memref<2048x64xf32, #tpu.memory_space<vmem>>, %arg2: memref<2x2048x128xf32, #tpu.memory_space<vmem>>, %arg3: memref<64x64xf32, #tpu.memory_space<vmem>>, %arg4: memref<64x64xf32, #tpu.memory_space<vmem>>, %arg5: memref<1x64xf32, #tpu.memory_space<vmem>>, %arg6: memref<64x64xf32, #tpu.memory_space<vmem>>, %arg7: memref<1x64xf32, #tpu.memory_space<vmem>>, %arg8: memref<64x64xf32, #tpu.memory_space<vmem>>, %arg9: memref<1x64xf32, #tpu.memory_space<vmem>>, %arg10: memref<1x64xf32, #tpu.memory_space<vmem>>, %arg11: memref<1x64xf32, #tpu.memory_space<vmem>>, %arg12: memref<64x64xf32, #tpu.memory_space<vmem>>, %arg13: memref<1x64xf32, #tpu.memory_space<vmem>>, %arg14: memref<64x64xf32, #tpu.memory_space<vmem>>, %arg15: memref<2048x64xf32, #tpu.memory_space<vmem>>, %arg16: memref<2048x128xf32, #tpu.memory_space<vmem>>) attributes {dimension_semantics = [#tpu.dimension_semantics<arbitrary>], iteration_bounds = array<i64: 5>, scalar_prefetch = 0 : i64, scratch_operands = 0 : i64, tpu.core_type = #tpu.core_type<tc>, window_params = [{transform_indices = @transform_0, window_bounds = array<i64: 2048, 64>}, {transform_indices = @transform_1, window_bounds = array<i64: 2, 2048, 128>}, {pipeline_mode = #tpu.pipeline_mode<synchronous>, transform_indices = @transform_2, window_bounds = array<i64: 64, 64>}, {pipeline_mode = #tpu.pipeline_mode<synchronous>, transform_indices = @transform_3, window_bounds = array<i64: 64, 64>}, {pipeline_mode = #tpu.pipeline_mode<synchronous>, transform_indices = @transform_4, window_bounds = array<i64: 1, 64>}, {pipeline_mode = #tpu.pipeline_mode<synchronous>, transform_indices = @transform_5, window_bounds = array<i64: 64, 64>}, {pipeline_mode = #tpu.pipeline_mode<synchronous>, transform_indices = @transform_6, window_bounds = array<i64: 1, 64>}, {pipeline_mode = #tpu.pipeline_mode<synchronous>, transform_indices = @transform_7, window_bounds = array<i64: 64, 64>}, {pipeline_mode = #tpu.pipeline_mode<synchronous>, transform_indices = @transform_8, window_bounds = array<i64: 1, 64>}, {pipeline_mode = #tpu.pipeline_mode<synchronous>, transform_indices = @transform_9, window_bounds = array<i64: 1, 64>}, {pipeline_mode = #tpu.pipeline_mode<synchronous>, transform_indices = @transform_10, window_bounds = array<i64: 1, 64>}, {pipeline_mode = #tpu.pipeline_mode<synchronous>, transform_indices = @transform_11, window_bounds = array<i64: 64, 64>}, {pipeline_mode = #tpu.pipeline_mode<synchronous>, transform_indices = @transform_12, window_bounds = array<i64: 1, 64>}, {pipeline_mode = #tpu.pipeline_mode<synchronous>, transform_indices = @transform_13, window_bounds = array<i64: 64, 64>}, {transform_indices = @transform_14, window_bounds = array<i64: 2048, 64>}, {transform_indices = @transform_15, window_bounds = array<i64: 2048, 128>}]} {
    %get3A = arith.constant 0 : index
    %get3A_0 = arith.constant 0 : index
    %get3A_1 = vector.load %arg1[%get3A, %get3A_0] : memref<2048x64xf32, #tpu.memory_space<vmem>>, vector<2048x64xf32>
    %get3A_2 = arith.constant 0 : index
    %get3A_3 = arith.constant 0 : index
    %get3A_4 = arith.constant 0 : index
    %get3A_5 = vector.load %arg2[%get3A_2, %get3A_3, %get3A_4] : memref<2x2048x128xf32, #tpu.memory_space<vmem>>, vector<2x2048x128xf32>
    %slice3A = vector.extract_strided_slice %get3A_5 {offsets = [0, 0, 0], sizes = [1, 2048, 64], strides = [1, 1, 1]} : vector<2x2048x128xf32> to vector<1x2048x64xf32>
    %squeeze3A = vector.shape_cast %slice3A : vector<1x2048x64xf32> to vector<2048x64xf32>
    %slice3A_6 = vector.extract_strided_slice %get3A_5 {offsets = [1, 0, 0], sizes = [1, 2048, 64], strides = [1, 1, 1]} : vector<2x2048x128xf32> to vector<1x2048x64xf32>
    %squeeze3A_7 = vector.shape_cast %slice3A_6 : vector<1x2048x64xf32> to vector<2048x64xf32>
    %add3A = arith.addf %squeeze3A, %squeeze3A_7 : vector<2048x64xf32>
    %get3A_8 = arith.constant 0 : index
    %get3A_9 = arith.constant 0 : index
    %get3A_10 = vector.load %arg3[%get3A_8, %get3A_9] : memref<64x64xf32, #tpu.memory_space<vmem>>, vector<64x64xf32>
    %dot_general3A = arith.constant dense<0.000000e+00> : vector<2048x64xf32>
    %dot_general3A_11 = tpu.matmul %get3A_1, %get3A_10, %dot_general3A {dimension_numbers = #tpu.dot_dimension_numbers<[1], [0], [0], [1], [0, 0, 1, 1], [], []>, transpose_lhs_hint = false} : vector<2048x64xf32>, vector<64x64xf32>, vector<2048x64xf32> -> vector<2048x64xf32>
    %get3A_12 = arith.constant 0 : index
    %get3A_13 = arith.constant 0 : index
    %get3A_14 = vector.load %arg4[%get3A_12, %get3A_13] : memref<64x64xf32, #tpu.memory_space<vmem>>, vector<64x64xf32>
    %dot_general3A_15 = arith.constant dense<0.000000e+00> : vector<2048x64xf32>
    %dot_general3A_16 = tpu.matmul %add3A, %get3A_14, %dot_general3A_15 {dimension_numbers = #tpu.dot_dimension_numbers<[1], [0], [0], [1], [0, 0, 1, 1], [], []>, transpose_lhs_hint = false} : vector<2048x64xf32>, vector<64x64xf32>, vector<2048x64xf32> -> vector<2048x64xf32>
    %add3A_17 = arith.addf %dot_general3A_11, %dot_general3A_16 : vector<2048x64xf32>
    %get3A_18 = arith.constant 0 : index
    %get3A_19 = arith.constant 0 : index
    %get3A_20 = vector.load %arg5[%get3A_18, %get3A_19] : memref<1x64xf32, #tpu.memory_space<vmem>>, vector<1x64xf32>
    %add3A_21 = vector.broadcast %get3A_20 : vector<1x64xf32> to vector<2048x64xf32>
    %add3A_22 = arith.addf %add3A_17, %add3A_21 : vector<2048x64xf32>
    %max3A = arith.constant 0.000000e+00 : f32
    %max3A_23 = vector.broadcast %max3A : f32 to vector<2048x64xf32>
    %max3A_24 = arith.maximumf %add3A_22, %max3A_23 : vector<2048x64xf32>
    %get3A_25 = arith.constant 0 : index
    %get3A_26 = arith.constant 0 : index
    %get3A_27 = vector.load %arg6[%get3A_25, %get3A_26] : memref<64x64xf32, #tpu.memory_space<vmem>>, vector<64x64xf32>
    %dot_general3A_28 = arith.constant dense<0.000000e+00> : vector<2048x64xf32>
    %dot_general3A_29 = tpu.matmul %max3A_24, %get3A_27, %dot_general3A_28 {dimension_numbers = #tpu.dot_dimension_numbers<[1], [0], [0], [1], [0, 0, 1, 1], [], []>, transpose_lhs_hint = false} : vector<2048x64xf32>, vector<64x64xf32>, vector<2048x64xf32> -> vector<2048x64xf32>
    %get3A_30 = arith.constant 0 : index
    %get3A_31 = arith.constant 0 : index
    %get3A_32 = vector.load %arg7[%get3A_30, %get3A_31] : memref<1x64xf32, #tpu.memory_space<vmem>>, vector<1x64xf32>
    %add3A_33 = vector.broadcast %get3A_32 : vector<1x64xf32> to vector<2048x64xf32>
    %add3A_34 = arith.addf %dot_general3A_29, %add3A_33 : vector<2048x64xf32>
    %max3A_35 = arith.constant 0.000000e+00 : f32
    %max3A_36 = vector.broadcast %max3A_35 : f32 to vector<2048x64xf32>
    %max3A_37 = arith.maximumf %add3A_34, %max3A_36 : vector<2048x64xf32>
    %get3A_38 = arith.constant 0 : index
    %get3A_39 = arith.constant 0 : index
    %get3A_40 = vector.load %arg8[%get3A_38, %get3A_39] : memref<64x64xf32, #tpu.memory_space<vmem>>, vector<64x64xf32>
    %dot_general3A_41 = arith.constant dense<0.000000e+00> : vector<2048x64xf32>
    %dot_general3A_42 = tpu.matmul %max3A_37, %get3A_40, %dot_general3A_41 {dimension_numbers = #tpu.dot_dimension_numbers<[1], [0], [0], [1], [0, 0, 1, 1], [], []>, transpose_lhs_hint = false} : vector<2048x64xf32>, vector<64x64xf32>, vector<2048x64xf32> -> vector<2048x64xf32>
    %get3A_43 = arith.constant 0 : index
    %get3A_44 = arith.constant 0 : index
    %get3A_45 = vector.load %arg9[%get3A_43, %get3A_44] : memref<1x64xf32, #tpu.memory_space<vmem>>, vector<1x64xf32>
    %add3A_46 = vector.broadcast %get3A_45 : vector<1x64xf32> to vector<2048x64xf32>
    %add3A_47 = arith.addf %dot_general3A_42, %add3A_46 : vector<2048x64xf32>
    %get3A_48 = arith.constant 0 : index
    %get3A_49 = arith.constant 0 : index
    %get3A_50 = vector.load %arg10[%get3A_48, %get3A_49] : memref<1x64xf32, #tpu.memory_space<vmem>>, vector<1x64xf32>
    %get3A_51 = arith.constant 0 : index
    %get3A_52 = arith.constant 0 : index
    %get3A_53 = vector.load %arg11[%get3A_51, %get3A_52] : memref<1x64xf32, #tpu.memory_space<vmem>>, vector<1x64xf32>
    %reduce_sum3A = arith.constant dense<0.000000e+00> : vector<2048xf32>
    %reduce_sum3A_54 = vector.multi_reduction <add>, %add3A_47, %reduce_sum3A [1] : vector<2048x64xf32> to vector<2048xf32>
    %broadcast_in_dim3A = vector.shape_cast %reduce_sum3A_54 : vector<2048xf32> to vector<2048x1xf32>
    %div3A = arith.constant 6.400000e+01 : f32
    %div3A_55 = vector.broadcast %div3A : f32 to vector<2048x1xf32>
    %div3A_56 = arith.divf %broadcast_in_dim3A, %div3A_55 : vector<2048x1xf32>
    %jit3A = arith.constant 0 : i32
    %reduce_sum3A_57 = arith.constant dense<0.000000e+00> : vector<2048xf32>
    %reduce_sum3A_58 = vector.multi_reduction <add>, %add3A_47, %reduce_sum3A_57 [1] : vector<2048x64xf32> to vector<2048xf32>
    %broadcast_in_dim3A_59 = vector.shape_cast %reduce_sum3A_58 : vector<2048xf32> to vector<2048x1xf32>
    %div3A_60 = arith.constant 6.400000e+01 : f32
    %div3A_61 = vector.broadcast %div3A_60 : f32 to vector<2048x1xf32>
    %div3A_62 = arith.divf %broadcast_in_dim3A_59, %div3A_61 : vector<2048x1xf32>
    %sub3A = vector.broadcast %div3A_62 : vector<2048x1xf32> to vector<2048x64xf32>
    %sub3A_63 = arith.subf %add3A_47, %sub3A : vector<2048x64xf32>
    %square3A = arith.mulf %sub3A_63, %sub3A_63 : vector<2048x64xf32>
    %convert_element_type3A = arith.sitofp %jit3A : i32 to f32
    %sub3A_64 = arith.constant 6.400000e+01 : f32
    %sub3A_65 = arith.subf %sub3A_64, %convert_element_type3A : f32
    %reduce_sum3A_66 = arith.constant dense<0.000000e+00> : vector<2048xf32>
    %reduce_sum3A_67 = vector.multi_reduction <add>, %square3A, %reduce_sum3A_66 [1] : vector<2048x64xf32> to vector<2048xf32>
    %broadcast_in_dim3A_68 = vector.shape_cast %reduce_sum3A_67 : vector<2048xf32> to vector<2048x1xf32>
    %div3A_69 = vector.broadcast %sub3A_65 : f32 to vector<2048x1xf32>
    %div3A_70 = arith.divf %broadcast_in_dim3A_68, %div3A_69 : vector<2048x1xf32>
    %gt3A = arith.constant 0.000000e+00 : f32
    %gt3A_71 = arith.cmpf ogt, %sub3A_65, %gt3A : f32
    %jit3A_72 = arith.constant 0x7FC00000 : f32
    %broadcast_in_dim3A_73 = vector.broadcast %jit3A_72 : f32 to vector<2048x1xf32>
    %select_n3A = arith.select %gt3A_71, %div3A_70, %broadcast_in_dim3A_73 : vector<2048x1xf32>
    %sub3A_74 = vector.broadcast %div3A_56 : vector<2048x1xf32> to vector<2048x64xf32>
    %sub3A_75 = arith.subf %add3A_47, %sub3A_74 : vector<2048x64xf32>
    %add3A_76 = arith.constant 9.99999974E-6 : f32
    %add3A_77 = vector.broadcast %add3A_76 : f32 to vector<2048x1xf32>
    %add3A_78 = arith.addf %select_n3A, %add3A_77 : vector<2048x1xf32>
    %sqrt3A = math.sqrt %add3A_78 : vector<2048x1xf32>
    %div3A_79 = vector.broadcast %sqrt3A : vector<2048x1xf32> to vector<2048x64xf32>
    %div3A_80 = arith.divf %sub3A_75, %div3A_79 : vector<2048x64xf32>
    %mul3A = vector.broadcast %get3A_50 : vector<1x64xf32> to vector<2048x64xf32>
    %mul3A_81 = arith.mulf %div3A_80, %mul3A : vector<2048x64xf32>
    %add3A_82 = vector.broadcast %get3A_53 : vector<1x64xf32> to vector<2048x64xf32>
    %add3A_83 = arith.addf %mul3A_81, %add3A_82 : vector<2048x64xf32>
    %add3A_84 = arith.addf %get3A_1, %add3A_83 : vector<2048x64xf32>
    %swap3A = arith.constant 0 : index
    %swap3A_85 = arith.constant 0 : index
    %swap3A_86 = vector.load %arg15[%swap3A, %swap3A_85] : memref<2048x64xf32, #tpu.memory_space<vmem>>, vector<2048x64xf32>
    tpu.vector_store %arg15[%swap3A, %swap3A_85], %add3A_84 {strides = array<i32>} : memref<2048x64xf32, #tpu.memory_space<vmem>>, vector<2048x64xf32>,
    %get3A_87 = arith.constant 0 : index
    %get3A_88 = arith.constant 0 : index
    %get3A_89 = vector.load %arg12[%get3A_87, %get3A_88] : memref<64x64xf32, #tpu.memory_space<vmem>>, vector<64x64xf32>
    %dot_general3A_90 = arith.constant dense<0.000000e+00> : vector<2048x64xf32>
    %dot_general3A_91 = tpu.matmul %add3A_84, %get3A_89, %dot_general3A_90 {dimension_numbers = #tpu.dot_dimension_numbers<[1], [0], [0], [1], [0, 0, 1, 1], [], []>, transpose_lhs_hint = false} : vector<2048x64xf32>, vector<64x64xf32>, vector<2048x64xf32> -> vector<2048x64xf32>
    %get3A_92 = arith.constant 0 : index
    %get3A_93 = arith.constant 0 : index
    %get3A_94 = vector.load %arg13[%get3A_92, %get3A_93] : memref<1x64xf32, #tpu.memory_space<vmem>>, vector<1x64xf32>
    %add3A_95 = vector.broadcast %get3A_94 : vector<1x64xf32> to vector<2048x64xf32>
    %add3A_96 = arith.addf %dot_general3A_91, %add3A_95 : vector<2048x64xf32>
    %get3A_97 = arith.constant 0 : index
    %get3A_98 = arith.constant 0 : index
    %get3A_99 = vector.load %arg14[%get3A_97, %get3A_98] : memref<64x64xf32, #tpu.memory_space<vmem>>, vector<64x64xf32>
    %dot_general3A_100 = arith.constant dense<0.000000e+00> : vector<2048x64xf32>
    %dot_general3A_101 = tpu.matmul %add3A_84, %get3A_99, %dot_general3A_100 {dimension_numbers = #tpu.dot_dimension_numbers<[1], [0], [0], [1], [0, 0, 1, 1], [], []>, transpose_lhs_hint = false} : vector<2048x64xf32>, vector<64x64xf32>, vector<2048x64xf32> -> vector<2048x64xf32>
    %concatenate3A = tpu.concatenate %add3A_96, %dot_general3A_101 in 1 : vector<2048x64xf32>, vector<2048x64xf32> -> vector<2048x128xf32>
    %swap3A_102 = arith.constant 0 : index
    %swap3A_103 = arith.constant 0 : index
    %swap3A_104 = vector.load %arg16[%swap3A_102, %swap3A_103] : memref<2048x128xf32, #tpu.memory_space<vmem>>, vector<2048x128xf32>
    tpu.vector_store %arg16[%swap3A_102, %swap3A_103], %concatenate3A {strides = array<i32>} : memref<2048x128xf32, #tpu.memory_space<vmem>>, vector<2048x128xf32>,
    return
  }
  func.func @transform_0(%arg0: i32) -> (i32, i32) {
    %c0_i32 = arith.constant 0 : i32
    %c0_i32_0 = arith.constant 0 : i32
    return %arg0, %c0_i32 : i32, i32
  }
  func.func @transform_1(%arg0: i32) -> (i32, i32, i32) {
    %c0_i32 = arith.constant 0 : i32
    %c0_i32_0 = arith.constant 0 : i32
    %c0_i32_1 = arith.constant 0 : i32
    return %c0_i32, %arg0, %c0_i32_0 : i32, i32, i32
  }
  func.func @transform_2(%arg0: i32) -> (i32, i32) {
    %c0_i32 = arith.constant 0 : i32
    %c0_i32_0 = arith.constant 0 : i32
    %c0_i32_1 = arith.constant 0 : i32
    return %c0_i32, %c0_i32_0 : i32, i32
  }
  func.func @transform_3(%arg0: i32) -> (i32, i32) {
    %c0_i32 = arith.constant 0 : i32
    %c0_i32_0 = arith.constant 0 : i32
    %c0_i32_1 = arith.constant 0 : i32
    return %c0_i32, %c0_i32_0 : i32, i32
  }
  func.func @transform_4(%arg0: i32) -> (i32, i32) {
    %c0_i32 = arith.constant 0 : i32
    %c0_i32_0 = arith.constant 0 : i32
    %c0_i32_1 = arith.constant 0 : i32
    return %c0_i32, %c0_i32_0 : i32, i32
  }
  func.func @transform_5(%arg0: i32) -> (i32, i32) {
    %c0_i32 = arith.constant 0 : i32
    %c0_i32_0 = arith.constant 0 : i32
    %c0_i32_1 = arith.constant 0 : i32
    return %c0_i32, %c0_i32_0 : i32, i32
  }
  func.func @transform_6(%arg0: i32) -> (i32, i32) {
    %c0_i32 = arith.constant 0 : i32
    %c0_i32_0 = arith.constant 0 : i32
    %c0_i32_1 = arith.constant 0 : i32
    return %c0_i32, %c0_i32_0 : i32, i32
  }
  func.func @transform_7(%arg0: i32) -> (i32, i32) {
    %c0_i32 = arith.constant 0 : i32
    %c0_i32_0 = arith.constant 0 : i32
    %c0_i32_1 = arith.constant 0 : i32
    return %c0_i32, %c0_i32_0 : i32, i32
  }
  func.func @transform_8(%arg0: i32) -> (i32, i32) {
    %c0_i32 = arith.constant 0 : i32
    %c0_i32_0 = arith.constant 0 : i32
    %c0_i32_1 = arith.constant 0 : i32
    return %c0_i32, %c0_i32_0 : i32, i32
  }
  func.func @transform_9(%arg0: i32) -> (i32, i32) {
    %c0_i32 = arith.constant 0 : i32
    %c0_i32_0 = arith.constant 0 : i32
    %c0_i32_1 = arith.constant 0 : i32
    return %c0_i32, %c0_i32_0 : i32, i32
  }
  func.func @transform_10(%arg0: i32) -> (i32, i32) {
    %c0_i32 = arith.constant 0 : i32
    %c0_i32_0 = arith.constant 0 : i32
    %c0_i32_1 = arith.constant 0 : i32
    return %c0_i32, %c0_i32_0 : i32, i32
  }
  func.func @transform_11(%arg0: i32) -> (i32, i32) {
    %c0_i32 = arith.constant 0 : i32
    %c0_i32_0 = arith.constant 0 : i32
    %c0_i32_1 = arith.constant 0 : i32
    return %c0_i32, %c0_i32_0 : i32, i32
  }
  func.func @transform_12(%arg0: i32) -> (i32, i32) {
    %c0_i32 = arith.constant 0 : i32
    %c0_i32_0 = arith.constant 0 : i32
    %c0_i32_1 = arith.constant 0 : i32
    return %c0_i32, %c0_i32_0 : i32, i32
  }
  func.func @transform_13(%arg0: i32) -> (i32, i32) {
    %c0_i32 = arith.constant 0 : i32
    %c0_i32_0 = arith.constant 0 : i32
    %c0_i32_1 = arith.constant 0 : i32
    return %c0_i32, %c0_i32_0 : i32, i32
  }
  func.func @transform_14(%arg0: i32) -> (i32, i32) {
    %c0_i32 = arith.constant 0 : i32
    %c0_i32_0 = arith.constant 0 : i32
    return %arg0, %c0_i32 : i32, i32
  }
  func.func @transform_15(%arg0: i32) -> (i32, i32) {
    %c0_i32 = arith.constant 0 : i32
    %c0_i32_0 = arith.constant 0 : i32
    return %arg0, %c0_i32 : i32, i32
  }
}

module attributes {stable_mosaic.version = 14 : i64} {
  func.func @body(%arg0: i32, %arg1: memref<2048x64xf32, #tpu.memory_space<vmem>>, %arg2: memref<64x64xf32, #tpu.memory_space<vmem>>, %arg3: memref<1x64xf32, #tpu.memory_space<vmem>>, %arg4: memref<64x64xf32, #tpu.memory_space<vmem>>, %arg5: memref<1x64xf32, #tpu.memory_space<vmem>>, %arg6: memref<64x64xf32, #tpu.memory_space<vmem>>, %arg7: memref<1x64xf32, #tpu.memory_space<vmem>>, %arg8: memref<64x64xf32, #tpu.memory_space<vmem>>, %arg9: memref<1x64xf32, #tpu.memory_space<vmem>>, %arg10: memref<64x64xf32, #tpu.memory_space<vmem>>, %arg11: memref<1x64xf32, #tpu.memory_space<vmem>>, %arg12: memref<64x3xf32, #tpu.memory_space<vmem>>, %arg13: memref<1x3xf32, #tpu.memory_space<vmem>>, %arg14: memref<2048x3xf32, #tpu.memory_space<vmem>>) attributes {dimension_semantics = [#tpu.dimension_semantics<arbitrary>], iteration_bounds = array<i64: 5>, scalar_prefetch = 0 : i64, scratch_operands = 0 : i64, tpu.core_type = #tpu.core_type<tc>, window_params = [{transform_indices = @transform_0, window_bounds = array<i64: 2048, 64>}, {pipeline_mode = #tpu.pipeline_mode<synchronous>, transform_indices = @transform_1, window_bounds = array<i64: 64, 64>}, {pipeline_mode = #tpu.pipeline_mode<synchronous>, transform_indices = @transform_2, window_bounds = array<i64: 1, 64>}, {pipeline_mode = #tpu.pipeline_mode<synchronous>, transform_indices = @transform_3, window_bounds = array<i64: 64, 64>}, {pipeline_mode = #tpu.pipeline_mode<synchronous>, transform_indices = @transform_4, window_bounds = array<i64: 1, 64>}, {pipeline_mode = #tpu.pipeline_mode<synchronous>, transform_indices = @transform_5, window_bounds = array<i64: 64, 64>}, {pipeline_mode = #tpu.pipeline_mode<synchronous>, transform_indices = @transform_6, window_bounds = array<i64: 1, 64>}, {pipeline_mode = #tpu.pipeline_mode<synchronous>, transform_indices = @transform_7, window_bounds = array<i64: 64, 64>}, {pipeline_mode = #tpu.pipeline_mode<synchronous>, transform_indices = @transform_8, window_bounds = array<i64: 1, 64>}, {pipeline_mode = #tpu.pipeline_mode<synchronous>, transform_indices = @transform_9, window_bounds = array<i64: 64, 64>}, {pipeline_mode = #tpu.pipeline_mode<synchronous>, transform_indices = @transform_10, window_bounds = array<i64: 1, 64>}, {pipeline_mode = #tpu.pipeline_mode<synchronous>, transform_indices = @transform_11, window_bounds = array<i64: 64, 3>}, {pipeline_mode = #tpu.pipeline_mode<synchronous>, transform_indices = @transform_12, window_bounds = array<i64: 1, 3>}, {transform_indices = @transform_13, window_bounds = array<i64: 2048, 3>}]} {
    %get3A = arith.constant 0 : index
    %get3A_0 = arith.constant 0 : index
    %get3A_1 = vector.load %arg1[%get3A, %get3A_0] : memref<2048x64xf32, #tpu.memory_space<vmem>>, vector<2048x64xf32>
    %get3A_2 = arith.constant 0 : index
    %get3A_3 = arith.constant 0 : index
    %get3A_4 = vector.load %arg2[%get3A_2, %get3A_3] : memref<64x64xf32, #tpu.memory_space<vmem>>, vector<64x64xf32>
    %dot_general3A = arith.constant dense<0.000000e+00> : vector<2048x64xf32>
    %dot_general3A_5 = tpu.matmul %get3A_1, %get3A_4, %dot_general3A {dimension_numbers = #tpu.dot_dimension_numbers<[1], [0], [0], [1], [0, 0, 1, 1], [], []>, transpose_lhs_hint = false} : vector<2048x64xf32>, vector<64x64xf32>, vector<2048x64xf32> -> vector<2048x64xf32>
    %get3A_6 = arith.constant 0 : index
    %get3A_7 = arith.constant 0 : index
    %get3A_8 = vector.load %arg3[%get3A_6, %get3A_7] : memref<1x64xf32, #tpu.memory_space<vmem>>, vector<1x64xf32>
    %add3A = vector.broadcast %get3A_8 : vector<1x64xf32> to vector<2048x64xf32>
    %add3A_9 = arith.addf %dot_general3A_5, %add3A : vector<2048x64xf32>
    %max3A = arith.constant 0.000000e+00 : f32
    %max3A_10 = vector.broadcast %max3A : f32 to vector<2048x64xf32>
    %max3A_11 = arith.maximumf %add3A_9, %max3A_10 : vector<2048x64xf32>
    %get3A_12 = arith.constant 0 : index
    %get3A_13 = arith.constant 0 : index
    %get3A_14 = vector.load %arg4[%get3A_12, %get3A_13] : memref<64x64xf32, #tpu.memory_space<vmem>>, vector<64x64xf32>
    %dot_general3A_15 = arith.constant dense<0.000000e+00> : vector<2048x64xf32>
    %dot_general3A_16 = tpu.matmul %max3A_11, %get3A_14, %dot_general3A_15 {dimension_numbers = #tpu.dot_dimension_numbers<[1], [0], [0], [1], [0, 0, 1, 1], [], []>, transpose_lhs_hint = false} : vector<2048x64xf32>, vector<64x64xf32>, vector<2048x64xf32> -> vector<2048x64xf32>
    %get3A_17 = arith.constant 0 : index
    %get3A_18 = arith.constant 0 : index
    %get3A_19 = vector.load %arg5[%get3A_17, %get3A_18] : memref<1x64xf32, #tpu.memory_space<vmem>>, vector<1x64xf32>
    %add3A_20 = vector.broadcast %get3A_19 : vector<1x64xf32> to vector<2048x64xf32>
    %add3A_21 = arith.addf %dot_general3A_16, %add3A_20 : vector<2048x64xf32>
    %max3A_22 = arith.constant 0.000000e+00 : f32
    %max3A_23 = vector.broadcast %max3A_22 : f32 to vector<2048x64xf32>
    %max3A_24 = arith.maximumf %add3A_21, %max3A_23 : vector<2048x64xf32>
    %get3A_25 = arith.constant 0 : index
    %get3A_26 = arith.constant 0 : index
    %get3A_27 = vector.load %arg6[%get3A_25, %get3A_26] : memref<64x64xf32, #tpu.memory_space<vmem>>, vector<64x64xf32>
    %dot_general3A_28 = arith.constant dense<0.000000e+00> : vector<2048x64xf32>
    %dot_general3A_29 = tpu.matmul %max3A_24, %get3A_27, %dot_general3A_28 {dimension_numbers = #tpu.dot_dimension_numbers<[1], [0], [0], [1], [0, 0, 1, 1], [], []>, transpose_lhs_hint = false} : vector<2048x64xf32>, vector<64x64xf32>, vector<2048x64xf32> -> vector<2048x64xf32>
    %get3A_30 = arith.constant 0 : index
    %get3A_31 = arith.constant 0 : index
    %get3A_32 = vector.load %arg7[%get3A_30, %get3A_31] : memref<1x64xf32, #tpu.memory_space<vmem>>, vector<1x64xf32>
    %add3A_33 = vector.broadcast %get3A_32 : vector<1x64xf32> to vector<2048x64xf32>
    %add3A_34 = arith.addf %dot_general3A_29, %add3A_33 : vector<2048x64xf32>
    %get3A_35 = arith.constant 0 : index
    %get3A_36 = arith.constant 0 : index
    %get3A_37 = vector.load %arg8[%get3A_35, %get3A_36] : memref<64x64xf32, #tpu.memory_space<vmem>>, vector<64x64xf32>
    %dot_general3A_38 = arith.constant dense<0.000000e+00> : vector<2048x64xf32>
    %dot_general3A_39 = tpu.matmul %add3A_34, %get3A_37, %dot_general3A_38 {dimension_numbers = #tpu.dot_dimension_numbers<[1], [0], [0], [1], [0, 0, 1, 1], [], []>, transpose_lhs_hint = false} : vector<2048x64xf32>, vector<64x64xf32>, vector<2048x64xf32> -> vector<2048x64xf32>
    %get3A_40 = arith.constant 0 : index
    %get3A_41 = arith.constant 0 : index
    %get3A_42 = vector.load %arg9[%get3A_40, %get3A_41] : memref<1x64xf32, #tpu.memory_space<vmem>>, vector<1x64xf32>
    %add3A_43 = vector.broadcast %get3A_42 : vector<1x64xf32> to vector<2048x64xf32>
    %add3A_44 = arith.addf %dot_general3A_39, %add3A_43 : vector<2048x64xf32>
    %max3A_45 = arith.constant 0.000000e+00 : f32
    %max3A_46 = vector.broadcast %max3A_45 : f32 to vector<2048x64xf32>
    %max3A_47 = arith.maximumf %add3A_44, %max3A_46 : vector<2048x64xf32>
    %abs3A = math.absf %add3A_44 : vector<2048x64xf32>
    %neg3A = arith.constant 0.000000e+00 : f32
    %neg3A_48 = vector.broadcast %neg3A : f32 to vector<2048x64xf32>
    %neg3A_49 = arith.subf %neg3A_48, %abs3A : vector<2048x64xf32>
    %exp3A = math.exp %neg3A_49 : vector<2048x64xf32>
    %log1p3A = math.log1p %exp3A : vector<2048x64xf32>
    %add3A_50 = arith.addf %max3A_47, %log1p3A : vector<2048x64xf32>
    %get3A_51 = arith.constant 0 : index
    %get3A_52 = arith.constant 0 : index
    %get3A_53 = vector.load %arg10[%get3A_51, %get3A_52] : memref<64x64xf32, #tpu.memory_space<vmem>>, vector<64x64xf32>
    %dot_general3A_54 = arith.constant dense<0.000000e+00> : vector<2048x64xf32>
    %dot_general3A_55 = tpu.matmul %add3A_50, %get3A_53, %dot_general3A_54 {dimension_numbers = #tpu.dot_dimension_numbers<[1], [0], [0], [1], [0, 0, 1, 1], [], []>, transpose_lhs_hint = false} : vector<2048x64xf32>, vector<64x64xf32>, vector<2048x64xf32> -> vector<2048x64xf32>
    %get3A_56 = arith.constant 0 : index
    %get3A_57 = arith.constant 0 : index
    %get3A_58 = vector.load %arg11[%get3A_56, %get3A_57] : memref<1x64xf32, #tpu.memory_space<vmem>>, vector<1x64xf32>
    %add3A_59 = vector.broadcast %get3A_58 : vector<1x64xf32> to vector<2048x64xf32>
    %add3A_60 = arith.addf %dot_general3A_55, %add3A_59 : vector<2048x64xf32>
    %max3A_61 = arith.constant 0.000000e+00 : f32
    %max3A_62 = vector.broadcast %max3A_61 : f32 to vector<2048x64xf32>
    %max3A_63 = arith.maximumf %add3A_60, %max3A_62 : vector<2048x64xf32>
    %abs3A_64 = math.absf %add3A_60 : vector<2048x64xf32>
    %neg3A_65 = arith.constant 0.000000e+00 : f32
    %neg3A_66 = vector.broadcast %neg3A_65 : f32 to vector<2048x64xf32>
    %neg3A_67 = arith.subf %neg3A_66, %abs3A_64 : vector<2048x64xf32>
    %exp3A_68 = math.exp %neg3A_67 : vector<2048x64xf32>
    %log1p3A_69 = math.log1p %exp3A_68 : vector<2048x64xf32>
    %add3A_70 = arith.addf %max3A_63, %log1p3A_69 : vector<2048x64xf32>
    %get3A_71 = arith.constant 0 : index
    %get3A_72 = arith.constant 0 : index
    %get3A_73 = vector.load %arg12[%get3A_71, %get3A_72] : memref<64x3xf32, #tpu.memory_space<vmem>>, vector<64x3xf32>
    %dot_general3A_74 = arith.constant dense<0.000000e+00> : vector<2048x3xf32>
    %dot_general3A_75 = tpu.matmul %add3A_70, %get3A_73, %dot_general3A_74 {dimension_numbers = #tpu.dot_dimension_numbers<[1], [0], [0], [1], [0, 0, 1, 1], [], []>, transpose_lhs_hint = false} : vector<2048x64xf32>, vector<64x3xf32>, vector<2048x3xf32> -> vector<2048x3xf32>
    %get3A_76 = arith.constant 0 : index
    %get3A_77 = arith.constant 0 : index
    %get3A_78 = vector.load %arg13[%get3A_76, %get3A_77] : memref<1x3xf32, #tpu.memory_space<vmem>>, vector<1x3xf32>
    %add3A_79 = vector.broadcast %get3A_78 : vector<1x3xf32> to vector<2048x3xf32>
    %add3A_80 = arith.addf %dot_general3A_75, %add3A_79 : vector<2048x3xf32>
    %swap3A = arith.constant 0 : index
    %swap3A_81 = arith.constant 0 : index
    %swap3A_82 = vector.load %arg14[%swap3A, %swap3A_81] : memref<2048x3xf32, #tpu.memory_space<vmem>>, vector<2048x3xf32>
    tpu.vector_store %arg14[%swap3A, %swap3A_81], %add3A_80 {strides = array<i32>} : memref<2048x3xf32, #tpu.memory_space<vmem>>, vector<2048x3xf32>,
    return
  }
  func.func @transform_0(%arg0: i32) -> (i32, i32) {
    %c0_i32 = arith.constant 0 : i32
    %c0_i32_0 = arith.constant 0 : i32
    return %arg0, %c0_i32 : i32, i32
  }
  func.func @transform_1(%arg0: i32) -> (i32, i32) {
    %c0_i32 = arith.constant 0 : i32
    %c0_i32_0 = arith.constant 0 : i32
    %c0_i32_1 = arith.constant 0 : i32
    return %c0_i32, %c0_i32_0 : i32, i32
  }
  func.func @transform_2(%arg0: i32) -> (i32, i32) {
    %c0_i32 = arith.constant 0 : i32
    %c0_i32_0 = arith.constant 0 : i32
    %c0_i32_1 = arith.constant 0 : i32
    return %c0_i32, %c0_i32_0 : i32, i32
  }
  func.func @transform_3(%arg0: i32) -> (i32, i32) {
    %c0_i32 = arith.constant 0 : i32
    %c0_i32_0 = arith.constant 0 : i32
    %c0_i32_1 = arith.constant 0 : i32
    return %c0_i32, %c0_i32_0 : i32, i32
  }
  func.func @transform_4(%arg0: i32) -> (i32, i32) {
    %c0_i32 = arith.constant 0 : i32
    %c0_i32_0 = arith.constant 0 : i32
    %c0_i32_1 = arith.constant 0 : i32
    return %c0_i32, %c0_i32_0 : i32, i32
  }
  func.func @transform_5(%arg0: i32) -> (i32, i32) {
    %c0_i32 = arith.constant 0 : i32
    %c0_i32_0 = arith.constant 0 : i32
    %c0_i32_1 = arith.constant 0 : i32
    return %c0_i32, %c0_i32_0 : i32, i32
  }
  func.func @transform_6(%arg0: i32) -> (i32, i32) {
    %c0_i32 = arith.constant 0 : i32
    %c0_i32_0 = arith.constant 0 : i32
    %c0_i32_1 = arith.constant 0 : i32
    return %c0_i32, %c0_i32_0 : i32, i32
  }
  func.func @transform_7(%arg0: i32) -> (i32, i32) {
    %c0_i32 = arith.constant 0 : i32
    %c0_i32_0 = arith.constant 0 : i32
    %c0_i32_1 = arith.constant 0 : i32
    return %c0_i32, %c0_i32_0 : i32, i32
  }
  func.func @transform_8(%arg0: i32) -> (i32, i32) {
    %c0_i32 = arith.constant 0 : i32
    %c0_i32_0 = arith.constant 0 : i32
    %c0_i32_1 = arith.constant 0 : i32
    return %c0_i32, %c0_i32_0 : i32, i32
  }
  func.func @transform_9(%arg0: i32) -> (i32, i32) {
    %c0_i32 = arith.constant 0 : i32
    %c0_i32_0 = arith.constant 0 : i32
    %c0_i32_1 = arith.constant 0 : i32
    return %c0_i32, %c0_i32_0 : i32, i32
  }
  func.func @transform_10(%arg0: i32) -> (i32, i32) {
    %c0_i32 = arith.constant 0 : i32
    %c0_i32_0 = arith.constant 0 : i32
    %c0_i32_1 = arith.constant 0 : i32
    return %c0_i32, %c0_i32_0 : i32, i32
  }
  func.func @transform_11(%arg0: i32) -> (i32, i32) {
    %c0_i32 = arith.constant 0 : i32
    %c0_i32_0 = arith.constant 0 : i32
    %c0_i32_1 = arith.constant 0 : i32
    return %c0_i32, %c0_i32_0 : i32, i32
  }
  func.func @transform_12(%arg0: i32) -> (i32, i32) {
    %c0_i32 = arith.constant 0 : i32
    %c0_i32_0 = arith.constant 0 : i32
    %c0_i32_1 = arith.constant 0 : i32
    return %c0_i32, %c0_i32_0 : i32, i32
  }
  func.func @transform_13(%arg0: i32) -> (i32, i32) {
    %c0_i32 = arith.constant 0 : i32
    %c0_i32_0 = arith.constant 0 : i32
    return %arg0, %c0_i32 : i32, i32
  }
}

</mosaic_0001>

<sc_bundles>
// kernel: closed_call.20.cloned.1.call-start
scs
__scs_entry_jumppad:
0x0: {  	(pc) =	sbr.rel $0x88, $3  }
0x1: {  	(tag) =	ssettag $0x0;
	lr =	simm.s32 $0x1  }
0x2: {  	[smem:$0x3F2B] =	sst lr;
	_ =	strace $0xD0000000  }
0x3: {  	_ = 	snop  }
0x4: {  	_ = 	snop  }
0x5: {  	_ = 	snop  }
0x6: {  	_ = 	snop  }
0x7: {  	_ = 	snop  }
__scs_overlays_trampoline_lowered:
0x8: {  	[smem:$0x3F3A] =	sst s0  }
0x9: {  	[smem:$0x3F3B] =	sst s1  }
0xa: {  	[smem:$0x3F3C] =	sst s2  }
0xb: {  	[smem:$0x3F3D] =	sst s3  }
0xc: {  	[smem:$0x3F3E] =	sst s4  }
0xd: {  	[smem:$0x3F3F] =	sst s5  }
0xe: {  	[smem:$0x3F40] =	sst s6  }
0xf: {  	[smem:$0x3F41] =	sst s7  }
0x10: {  	[smem:$0x3F42] =	sst s8  }
0x11: {  	[smem:$0x3F43] =	sst s9;
	s0 =	simm.s32 @!p0 $0x0  }
0x12: {  	s1 =	sld [smem:$0x3F29];
	s0 =	simm.s32 @p0 $0x1  }
0x13: {  	[smem:$0x3F44] =	sst s0;
	s0 =	simm.s32 @!p1 $0x0  }
0x14: {  	s2 =	sld [smem:$0x3F28];
	s0 =	simm.s32 @p1 $0x1  }
0x15: {  	[smem:$0x3F45] =	sst s0;
	s0 =	simm.s32 @!p2 $0x0  }
0x16: {  	s3 =	sld [smem:$0x3FDB];
	s0 =	simm.s32 @p2 $0x1  }
0x17: {  	s4 =	simm.s32 $0x1BF5;
	[smem:$0x3F47] =	sst s0  }
0x18: {  	s0 =	sld [smem:$0x3F2A];
	_ =	swait.ge [sflag:s4], $0x0  }
0x19: {  	s7 =	sld [smem:$0x3F2B]  }
0x1a: {  	s8 =	sadd.s32 $0xFFFFE003, lr  }
0x1b: {  	s9 =	sadd.s32 $0xFFFFFEF7, lr;
	s5 =	simm.s32 $0xFFFFFFFF;
	p2 =	slt.u32 s8, $0xFFFFF086  }
0x1c: {  	p1 =	slt.u32 s9, $0xF7A;
	s5 =	simm.s32 @!p2 $0x0  }
0x1d: {  	s5 =	simm.s32 @p1 $0x1;
	p0 =	seq.s32 s7, s2  }
0x1e: {  	s7 =	smul.u32 @!p0 $0xF7A, s2;
	p2 =	seq.s32 @!p0 s5, $0x0  }
0x1f: {  	s9 =	smul.u32 $0xF7A, s1;
	s8 =	simm.s32 @!p0 $0x1BF5;
	p2 =	por !p2, p0  }
0x20: {  	[sflag:s8] =	ssyncset.s32 @!p0 $0xFFFFF086;
	s6 =	sadd.s32 @!p0 s3, s7;
	s7 =	simm.s32 @!p0 $0x108  }
0x21: {  	s3 =	sadd.s32 s3, s9;
	s6 =	sadd.s32 @!p0 $0x88, s6;
	s7 =	simm.s32 @p2 $0x1082  }
0x22: {  	[simem:s7], [sflag:s8] =	dma.local @!p0 [hbm:s6], $0xF7A  }
0x23: {  	s9 =	sor.u32 $0xD0000000, s2;
	s6 =	simm.s32 $0x108;
	_ =	swait.ge @!p0 [sflag:s8], $0x0  }
0x24: {  	s3 =	sadd.s32 $0x88, s3;
	s6 =	simm.s32 @!p1 $0x1082;
	[sflag:s4] =	ssyncset.s32 $0xFFFFF086  }
0x25: {  	[simem:s6], [sflag:s4] =	dma.local [hbm:s3], $0xF7A  }
0x26: {  	[smem:$0x3F2B] =	sst s1;
	(tag) =	ssettag s2;
	_ =	strace s9  }
0x27: {  	s1 =	sld [smem:$0x3F3B]  }
0x28: {  	s2 =	sld [smem:$0x3F3C]  }
0x29: {  	s4 =	sld [smem:$0x3F3E]  }
0x2a: {  	p0 =	seq.s32 s5, $0x0;
	s5 =	sld [smem:$0x3F3F]  }
0x2b: {  	s6 =	sld [smem:$0x3F40]  }
0x2c: {  	s7 =	sld [smem:$0x3F41]  }
0x2d: {  	s3 =	simm.s32 $0x108;
	s8 =	sld [smem:$0x3F42]  }
0x2e: {  	s3 =	simm.s32 @!p0 $0x1082;
	s9 =	sld [smem:$0x3F43]  }
0x2f: {  	lr =	sadd.s32 s0, s3;
	s0 =	sld [smem:$0x3F3A]  }
0x30: {  	s3 =	sld [smem:$0x3F3D]  }
0x31: {  	[smem:$0x3F46] =	sst s10  }
0x32: {  	s10 =	sld [smem:$0x3F44];
	_ =	sdelay $0x3  }
0x33: {  	p0 =	seq.s32 s10, $0x1;
	s10 =	sld [smem:$0x3F46];
	_ =	sdelay $0x3  }
0x34: {  	[smem:$0x3F46] =	sst s10  }
0x35: {  	s10 =	sld [smem:$0x3F45];
	_ =	sdelay $0x3  }
0x36: {  	p1 =	seq.s32 s10, $0x1;
	s10 =	sld [smem:$0x3F46];
	_ =	sdelay $0x3  }
0x37: {  	[smem:$0x3F46] =	sst s10  }
0x38: {  	s10 =	sld [smem:$0x3F47]  }
0x39: {  	_ = 	snop;
	(pc) =	sbr.ind lr, $3  }
0x3a: {  	_ = 	snop  }
0x3b: {  	_ = 	snop  }
0x3c: {  	p2 =	seq.s32 s10, $0x1;
	s10 =	sld [smem:$0x3F46]  }
0x3d: {  	_ =	shalt  }
0x3e: {  	_ =	shalt  }
0x3f: {  	_ =	shalt  }
0x40: {  	_ =	shalt  }
0x41: {  	_ =	shalt  }
0x42: {  	_ =	shalt  }
0x43: {  	_ =	shalt  }
0x44: {  	_ =	shalt  }
0x45: {  	_ =	shalt  }
0x46: {  	_ =	shalt  }
0x47: {  	_ =	shalt  }
0x48: {  	_ =	shalt  }
0x49: {  	_ =	shalt  }
0x4a: {  	_ =	shalt  }
0x4b: {  	_ =	shalt  }
0x4c: {  	_ =	shalt  }
0x4d: {  	_ =	shalt  }
0x4e: {  	_ =	shalt  }
0x4f: {  	_ =	shalt  }
0x50: {  	_ =	shalt  }
0x51: {  	_ =	shalt  }
0x52: {  	_ =	shalt  }
0x53: {  	_ =	shalt  }
0x54: {  	_ =	shalt  }
0x55: {  	_ =	shalt  }
0x56: {  	_ =	shalt  }
0x57: {  	_ =	shalt  }
0x58: {  	_ =	shalt  }
0x59: {  	_ =	shalt  }
0x5a: {  	_ =	shalt  }
0x5b: {  	_ =	shalt  }
0x5c: {  	_ =	shalt  }
0x5d: {  	_ =	shalt  }
0x5e: {  	_ =	shalt  }
0x5f: {  	_ =	shalt  }
0x60: {  	_ =	shalt  }
0x61: {  	_ =	shalt  }
0x62: {  	_ =	shalt  }
0x63: {  	_ =	shalt  }
0x64: {  	_ =	shalt  }
0x65: {  	_ =	shalt  }
0x66: {  	_ =	shalt  }
0x67: {  	_ =	shalt  }
0x68: {  	_ =	shalt  }
0x69: {  	_ =	shalt  }
0x6a: {  	_ =	shalt  }
0x6b: {  	_ =	shalt  }
0x6c: {  	_ =	shalt  }
0x6d: {  	_ =	shalt  }
0x6e: {  	_ =	shalt  }
0x6f: {  	_ =	shalt  }
0x70: {  	_ =	shalt  }
0x71: {  	_ =	shalt  }
0x72: {  	_ =	shalt  }
0x73: {  	_ =	shalt  }
0x74: {  	_ =	shalt  }
0x75: {  	_ =	shalt  }
0x76: {  	_ =	shalt  }
0x77: {  	_ =	shalt  }
0x78: {  	_ =	shalt  }
0x79: {  	_ =	shalt  }
0x7a: {  	_ =	shalt  }
0x7b: {  	_ =	shalt  }
0x7c: {  	_ =	shalt  }
0x7d: {  	_ =	shalt  }
0x7e: {  	_ =	shalt  }
0x7f: {  	_ =	shalt  }
0x80: {  	_ =	shalt  }
0x81: {  	_ =	shalt  }
0x82: {  	_ =	shalt  }
0x83: {  	_ =	shalt  }
0x84: {  	_ =	shalt  }
0x85: {  	_ =	shalt  }
0x86: {  	_ =	shalt  }
0x87: {  	_ =	shalt  }
.Lfunc_end0:
.L_simem_size_0:
called_computation_lowered:
.L_overlay_start_0:
0x88: {  	s2 =	sld [smem:$0x3FD9]  }
0x89: {  	s3 =	sld [smem:$0x3FFE];
	_ =	sdelay $0x1  }
0x8a: {  	s1 =	srdreg.scid  }
0x8b: {  	s0 =	sand.u32 $0x1, s1  }
0x8c: {  	s16 =	sshll.u32 s0, $0xA;
	s2 =	sadd.s32 s3, s2  }
0x8d: {  	s2 =	sadd.s32 s2, s16  }
0x8e: {  	[smem:$0x3F52] =	sst s2  }
0x8f: {  	_ = 	snop  }
0x90: {  	(tm) =	ssettm $0x1  }
0x91: {  	s17 =	sld [smem:$0x3FFB];
	_ =	sdelay $0x3  }
0x92: {  	_ =	strace s17  }
0x93: {  	s2 =	sld [smem:$0x3FFC];
	_ =	sdelay $0x3  }
0x94: {  	_ =	strace s2  }
0x95: {  	s2 =	sld [smem:$0x3FFD];
	_ =	sdelay $0x3  }
0x96: {  	_ =	strace s2  }
0x97: {  	_ =	strace $0x8FFFFFFF  }
0x98: {  	s18 =	sld [smem:$0x3FDB];
	_ =	sdelay $0x1  }
0x99: {  	s19 =	simm.s32 $_scs_section_size  }
0x9a: {  	s4 =	simm.s32 $_size__tile_overlayer_lowered;
	s5 =	simm.s32 $_tile_overlayer_lowered  }
0x9b: {  	s22 =	simm.s32 $0x1BFF;
	s21 =	sshll.u32 s5, $0x1;
	s2 =	sadd.s32 s19, s18  }
0x9c: {  	s6 =	simm.s32 $0x0;
	s20 =	sshll.u32 s4, $0x1;
	s4 =	sadd.s32 s21, s2  }
0x9d: {  	[timem:s6], [sflag:s22] =	dma.local [hbm:s4], s20  }
0x9e: {  	_ =	swait.ge [sflag:s22], s20  }
0x9f: {  	s3 =	ssub.s32 $0x0, s20;
	[sflag:s22] =	ssyncset.done $0x0  }
0xa0: {  	[sflag:s22] =	ssyncadd.s32 s3;
	_ =	sdelay $0x1  }
0xa1: {  	s23 =	simm.s32 $0x1B8B  }
0xa2: {  	_ =	swait.ge [sflag:s23], $0x1  }
0xa3: {  	[sflag:s23] =	ssyncset.done $0x0  }
0xa4: {  	s25 =	simm.s32 $0x1B8E;
	s24 =	sld [smem:$0x3FFE];
	[sflag:s23] =	ssyncadd.s32 $0xFFFFFFFF  }
0xa5: {  	s26 =	simm.s32 $execute0_lowered;
	[smem:$0x3FD2] =	sst s25  }
0xa6: {  	s4 =	sshll.u32 s26, $0x1;
	_ =	strace $0x80000046;
	[dreg:$0x1] =	wrdreg $0xFFFFFFFF  }
0xa7: {  	s28 =	simm.s32 $_size_execute0_lowered;
	s2 =	sadd.s32 s2, s4;
	[dreg:$0x0] =	wrdreg $0x0  }
0xa8: {  	s4 =	sshll.u32 s28, $0x1;
	[dreg:$0x2] =	wrdreg s2  }
0xa9: {  	[dreg:$0x3] =	wrdreg s4  }
0xaa: {  	[dreg:$0x4] =	wrdreg $0xC0  }
0xab: {  	_ =	task [dreg:s6], $0x5FFFF  }
0xac: {  	[dreg:$0x1] =	wrdreg $0xFFFFFFFF  }
0xad: {  	[dreg:$0x0] =	wrdreg $0x60  }
0xae: {  	[dreg:$0x2] =	wrdreg s24  }
0xaf: {  	[dreg:$0x3] =	wrdreg $0x9  }
0xb0: {  	_ =	task.clear_ibuf [dreg:s6], $0x4FFFF;
	_ =	strace $0x90000046  }
0xb1: {  	s29 =	simm.s32 $0x9;
	_ =	strace $0x80000048  }
0xb2: {  	_ =	swait.ge [sflag:s29], $0x1  }
0xb3: {  	[sflag:s29] =	ssyncadd.s32 $0xFFFFFFFF  }
0xb4: {  	_ =	strace $0x90000048  }
0xb5: {  	_ =	sfence  }
0xb6: {  	s30 =	sld [smem:$0x0];
	_ =	sdelay $0x2  }
0xb7: {  	s31 =	sshll.u32 s1, $0xD;
	s1 =	sshrl.u32 s1, $0x2  }
0xb8: {  	s3 =	sand.u32 $0x4000, s31;
	s1 =	sadd.s32 s1, s30  }
0xb9: {  	s0 =	sor.u32 s3, s0;
	s1 =	sshll.u32 s1, $0x11  }
0xba: {  	s0 =	sor.u32 s1, s0  }
0xbb: {  	s0 =	sadd.s32 $0x8F2B, s0  }
0xbc: {  	[sflag:s0] =	ssyncadd.remote.s32 $0x1  }
0xbd: {  	_ =	sfence.sel $0xFFFF  }
0xbe: {  	[dreg:$0x0] =	wrdreg $0xFFFFFFFF;
	(pc) =	sbr.abs _section_cstart, $3  }
0xbf: {  	[dreg:$0x1] =	wrdreg $0xFFFFFFFF  }
0xc0: {  	_ =	task.clear_ibuf [dreg:s6], $0x2FFFF;
	_ =	strace $0x9FFFFFFF  }
0xc1: {  	(tm) =	ssettm $0x7FFFFFFF  }
tec
execute0_lowered:
.L_overlay_start_1:
0x0: {  	(tag) =	ssettag $0x1  }
0x1: {  	s0 =	rddreg [dreg:$0x0];
	s2 =	simm.s32 $0x0  }
0x2: {  	s1 =	srdreg.scid;
	s3 =	stileid.u32;
	s10 =	simm.s32 $0x6  }
0x3: {  	s11 =	simm.s32 $0x4000;
	s12 =	simm.s32 $0x50;
	s13 =	simm.s32 $0x8000  }
0x4: {  	s14 =	simm.s32 $0xA800;
	s15 =	simm.s32 $0xD000;
	s16 =	simm.s32 $0xF800  }
0x5: {  	s17 =	simm.s32 $0x1;
	s18 =	simm.s32 $0x2;
	s19 =	simm.s32 $0x12000  }
0x6: {  	s20 =	simm.s32 $0x3;
	s21 =	simm.s32 $0x4;
	s22 =	simm.s32 $0x14800  }
0x7: {  	s23 =	simm.s32 $0x5;
	s24 =	simm.s32 $0x3E00;
	s25 =	simm.s32 $0x7E00  }
0x8: {  	[smem:$0x7FF] =	sst s2;
	s1 =	sand.u32 $0x1, s1;
	s3 =	sshll.u32 s3, $0x1  }
0x9: {  	s26 =	simm.s32 $0x0;
	_ =	strace $0x80000047;
	s7 =	sor.u32 s1, s3  }
0xa: {  	s3 =	sadd.s32 $0x3FC00, s0;
	s1 =	ssub.s32 $0x2, s1;
	s5 =	smul.u32 $0x138800, s7  }
0xb: {  	s4 =	sshll.u32 s7, $0xB;
	s30 =	sshrl.u32 s1, $0x1;
	s7 =	smul.u32 $0x2710, s7  }
0xc: {  	s6 =	sadd.s32 s4, s0;
	s4 =	sadd.s32 $0xA68E00, s0;
	s8 =	sshrl.u32 s5, $0x3  }
0xd: {  	s0 =	ssub.s32 s1, s30;
	s5 =	sadd.s32 $0xA5000, s6;
	s31 =	sadd.s32 s4, s8  }
0xe: {  	s6 =	sadd.s32 $0x93E00, s6;
	s9 =	smax.u32 s0, $0x1;
	s8 =	sadd.s32 $0x26C00, s31  }
.LBB2_1:
0xf: {  	[tilespmem:s2], [sflag:$0x6] =	stream.linear.gather [hbm4b:s5+s2], $0x3E80, $0x38;
	[tilespmem:$0x17000] =	vst v63  }
0x10: {  	_ =	swait.ge [sflag:s10], $0x3E80  }
0x11: {  	[sflag:s10] =	ssyncset.done $0x0  }
0x12: {  	[sflag:s10] =	ssyncadd.s32 $0xFFFFC180  }
0x13: {  	[tilespmem:s11], [sflag:$0x6] =	stream.linear.gather [hbm4b:s6+s2], $0x3E80, $0x38;
	[tilespmem:$0x17000] =	vst v63  }
0x14: {  	_ =	swait.ge [sflag:s10], $0x3E80  }
0x15: {  	[sflag:s10] =	ssyncset.done $0x0  }
0x16: {  	s28 =	simm.s32 $0x0;
	[sflag:s10] =	ssyncadd.s32 $0xFFFFC180  }
.LBB2_2:
0x17: {  	s0 =	sshll.u32 s28, $0x8  }
0x18: {  	[tilespmem:s13], [sflag:$0x1] =	stream.indirect.gather [hbm4b:s3+s12], $0x80, s0, s12, $0xb8;
	[tilespmem:$0x17000] =	vst v63  }
0x19: {  	s29 =	sshllo.u32 s28, $0x1;
	s0 =	sadd.s32 $0x4000, s0  }
0x1a: {  	[tilespmem:s14], [sflag:$0x2] =	stream.indirect.gather [hbm4b:s3+s12], $0x80, s0, s12, $0xb8;
	[tilespmem:$0x17000] =	vst v63  }
0x1b: {  	s1 =	sshll.u32 s29, $0x7  }
0x1c: {  	[tilespmem:s15], [sflag:$0x3] =	stream.indirect.gather [hbm4b:s3+s12], $0x80, s1, s12, $0xb8;
	[tilespmem:$0x17000] =	vst v63  }
0x1d: {  	s0 =	sadd.s32 $0x4000, s1  }
0x1e: {  	[tilespmem:s16], [sflag:$0x4] =	stream.indirect.gather [hbm4b:s3+s12], $0x80, s0, s12, $0xb8;
	[tilespmem:$0x17000] =	vst v63  }
0x1f: {  	_ =	swait.ge [sflag:s17], $0x2800  }
0x20: {  	[sflag:s17] =	ssyncset.done $0x0  }
0x21: {  	[sflag:s17] =	ssyncadd.s32 $0xFFFFD800  }
0x22: {  	_ =	swait.ge [sflag:s18], $0x2800  }
0x23: {  	[sflag:s18] =	ssyncset.done $0x0  }
0x24: {  	s1 =	simm.s32 $0x8200;
	[sflag:s18] =	ssyncadd.s32 $0xFFFFD800  }
0x25: {  	s31 =	simm.s32 $0xAA40;
	v0 =	vld [tilespmem:s1+$0x180]  }
0x26: {  	v1 =	vld [tilespmem:s31+$0x180]  }
0x27: {  	v2 =	vld [tilespmem:s31+$0xFFFFFE00]  }
0x28: {  	v3 =	vld [tilespmem:s1+$0xFFFFFE80]  }
0x29: {  	v4 =	vld [tilespmem:s31+$0xFFFFFE80]  }
0x2a: {  	v5 =	vld [tilespmem:s1+$0xFFFFFF00]  }
0x2b: {  	v6 =	vld [tilespmem:s31+$0xFFFFFF00]  }
0x2c: {  	v7 =	vld [tilespmem:s31+$0xFFFFFF80]  }
0x2d: {  	v9 =	vld [tilespmem:s1+$0x0]  }
0x2e: {  	v10 =	vld [tilespmem:s31+$0x0]  }
0x2f: {  	v11 =	vld [tilespmem:s1+$0x80]  }
0x30: {  	v12 =	vld [tilespmem:s31+$0x80];
	v0 =	vadd.f32 v1, v0  }
0x31: {  	s30 =	simm.s32 $0x12200;
	v1 =	vld [tilespmem:s1+$0xFFFFFF80]  }
0x32: {  	v3 =	vadd.f32 v4, v3;
	v4 =	vld [tilespmem:s1+$0xFFFFFE00];
	[tilespmem:s30+$0x180] =	vst v0  }
0x33: {  	v0 =	vld [tilespmem:s1+$0x190]  }
0x34: {  	v8 =	vld [tilespmem:s31+$0x190]  }
0x35: {  	v13 =	vld [tilespmem:s1+$0x100];
	[tilespmem:s30+$0xFFFFFE80] =	vst v3;
	v3 =	vadd.f32 v6, v5  }
0x36: {  	v6 =	vld [tilespmem:s1+$0xFFFFFE90]  }
0x37: {  	[tilespmem:s30+$0xFFFFFF00] =	vst v3;
	v3 =	vld [tilespmem:s31+$0xFFFFFE90];
	v1 =	vadd.f32 v7, v1  }
0x38: {  	v2 =	vadd.f32 v2, v4;
	v4 =	vld [tilespmem:s1+$0xFFFFFF10]  }
0x39: {  	[tilespmem:s30+$0xFFFFFF80] =	vst v1;
	v1 =	vld [tilespmem:s31+$0xFFFFFF10];
	v0 =	vadd.f32 v8, v0  }
0x3a: {  	[tilespmem:s30+$0xFFFFFE00] =	vst v2;
	v2 =	vld [tilespmem:s1+$0xFFFFFF90]  }
0x3b: {  	v55 =	vld [tilespmem:s31+$0xFFFFFF90];
	[tilespmem:s30+$0x190] =	vst v0  }
0x3c: {  	v3 =	vadd.f32 v3, v6;
	v0 =	vld [tilespmem:s1+$0x1A0]  }
0x3d: {  	v5 =	vld [tilespmem:s31+$0x1A0]  }
0x3e: {  	v8 =	vld [tilespmem:s31+$0x100];
	[tilespmem:s30+$0xFFFFFE90] =	vst v3;
	v1 =	vadd.f32 v1, v4  }
0x3f: {  	v4 =	vld [tilespmem:s1+$0xFFFFFEA0]  }
0x40: {  	[tilespmem:s30+$0xFFFFFF10] =	vst v1;
	v1 =	vadd.f32 v55, v2;
	v2 =	vld [tilespmem:s31+$0xFFFFFEA0]  }
0x41: {  	v7 =	vld [tilespmem:s31+$0xFFFFFE10]  }
0x42: {  	v58 =	vld [tilespmem:s1+$0xFFFFFF20];
	v0 =	vadd.f32 v5, v0  }
0x43: {  	v5 =	vld [tilespmem:s1+$0xFFFFFE10];
	[tilespmem:s30+$0xFFFFFF90] =	vst v1  }
0x44: {  	v59 =	vld [tilespmem:s1+$0xFFFFFFA0];
	[tilespmem:s30+$0x1A0] =	vst v0;
	v0 =	vadd.f32 v10, v9  }
0x45: {  	v53 =	vld [tilespmem:s1+$0x1B0];
	v2 =	vadd.f32 v2, v4  }
0x46: {  	v54 =	vld [tilespmem:s31+$0x1B0];
	[tilespmem:s30+$0x0] =	vst v0;
	v0 =	vadd.f32 v12, v11  }
0x47: {  	v56 =	vld [tilespmem:s1+$0x10];
	[tilespmem:s30+$0xFFFFFEA0] =	vst v2  }
0x48: {  	[tilespmem:s30+$0x80] =	vst v0;
	v0 =	vadd.f32 v8, v13;
	v8 =	vld [tilespmem:s31+$0x10]  }
0x49: {  	v61 =	vld [tilespmem:s1+$0xFFFFFEB0]  }
0x4a: {  	v57 =	vld [tilespmem:s1+$0x90]  }
0x4b: {  	[tilespmem:s30+$0x100] =	vst v0;
	v0 =	vadd.f32 v7, v5;
	v5 =	vld [tilespmem:s31+$0x90]  }
0x4c: {  	v7 =	vld [tilespmem:s1+$0x110]  }
0x4d: {  	[tilespmem:s30+$0xFFFFFE10] =	vst v0;
	v0 =	vld [tilespmem:s31+$0x110]  }
0x4e: {  	v6 =	vld [tilespmem:s1+$0xFFFFFE20]  }
0x4f: {  	v3 =	vld [tilespmem:s31+$0xFFFFFE20];
	v1 =	vadd.f32 v8, v56  }
0x50: {  	v8 =	vld [tilespmem:s31+$0xFFFFFF20]  }
0x51: {  	[tilespmem:s30+$0x10] =	vst v1;
	v1 =	vadd.f32 v5, v57;
	v5 =	vld [tilespmem:s31+$0xFFFFFFA0]  }
0x52: {  	v60 =	vld [tilespmem:s1+$0x20]  }
0x53: {  	[tilespmem:s30+$0x90] =	vst v1;
	v0 =	vadd.f32 v0, v7;
	v1 =	vld [tilespmem:s31+$0x20]  }
0x54: {  	v7 =	vld [tilespmem:s1+$0xA0]  }
0x55: {  	v3 =	vadd.f32 v3, v6;
	[tilespmem:s30+$0x110] =	vst v0;
	v0 =	vld [tilespmem:s31+$0xA0]  }
0x56: {  	v2 =	vadd.f32 v8, v58;
	v6 =	vld [tilespmem:s1+$0x120]  }
0x57: {  	[tilespmem:s30+$0xFFFFFE20] =	vst v3;
	v3 =	vld [tilespmem:s31+$0x120]  }
0x58: {  	[tilespmem:s30+$0xFFFFFF20] =	vst v2;
	v2 =	vadd.f32 v5, v59;
	v5 =	vld [tilespmem:s31+$0xFFFFFEB0]  }
0x59: {  	v4 =	vld [tilespmem:s1+$0xFFFFFE30]  }
0x5a: {  	v8 =	vld [tilespmem:s31+$0xFFFFFE30]  }
0x5b: {  	v62 =	vld [tilespmem:s1+$0xFFFFFF30]  }
0x5c: {  	[tilespmem:s30+$0xFFFFFFA0] =	vst v2;
	v1 =	vadd.f32 v1, v60;
	v2 =	vld [tilespmem:s31+$0xFFFFFF30]  }
0x5d: {  	v9 =	vadd.f32 v54, v53;
	v63 =	vld [tilespmem:s1+$0xFFFFFFB0]  }
0x5e: {  	[tilespmem:s30+$0x20] =	vst v1;
	v1 =	vadd.f32 v0, v7;
	v7 =	vld [tilespmem:s31+$0xFFFFFFB0]  }
0x5f: {  	[tilespmem:s30+$0x1B0] =	vst v9;
	v6 =	vadd.f32 v3, v6;
	v0 =	vld [tilespmem:s1+$0x30]  }
0x60: {  	v3 =	vld [tilespmem:s31+$0x30];
	[tilespmem:s30+$0xA0] =	vst v1;
	v4 =	vadd.f32 v8, v4  }
0x61: {  	[tilespmem:s30+$0x120] =	vst v6;
	v1 =	vld [tilespmem:s1+$0xB0];
	v6 =	vadd.f32 v2, v62  }
0x62: {  	v5 =	vadd.f32 v5, v61;
	[tilespmem:s30+$0xFFFFFE30] =	vst v4;
	v4 =	vld [tilespmem:s31+$0xB0]  }
0x63: {  	v2 =	vld [tilespmem:s1+$0x130];
	[tilespmem:s30+$0xFFFFFF30] =	vst v6;
	v6 =	vadd.f32 v7, v63  }
0x64: {  	s0 =	simm.s32 $0x0;
	[tilespmem:s30+$0xFFFFFEB0] =	vst v5;
	v5 =	vld [tilespmem:s31+$0x130];
	s1 =	simm.s32 $0x8600  }
.LBB2_3:
0x65: {  	v7 =	vld [tilespmem:s1+$0x180];
	[tilespmem:s30+$0xFFFFFFB0] =	vst v6;
	v0 =	vadd.f32 v3, v0;
	s31 =	sadd.s32 $0x400, s31  }
0x66: {  	v3 =	vld [tilespmem:s31+$0x180]  }
0x67: {  	v6 =	vld [tilespmem:s31+$0xFFFFFE00];
	[tilespmem:s30+$0x30] =	vst v0;
	v0 =	vadd.f32 v4, v1  }
0x68: {  	v1 =	vld [tilespmem:s1+$0xFFFFFE80]  }
0x69: {  	s0 =	sadd.s32 $0x8, s0;
	v4 =	vld [tilespmem:s31+$0xFFFFFE80];
	[tilespmem:s30+$0xB0] =	vst v0;
	v0 =	vadd.f32 v5, v2  }
0x6a: {  	p0 =	slt.u32 s0, $0x48;
	v2 =	vld [tilespmem:s1+$0xFFFFFF00]  }
0x6b: {  	v5 =	vld [tilespmem:s31+$0xFFFFFF00];
	v3 =	vadd.f32 v3, v7;
	[tilespmem:s30+$0x130] =	vst v0  }
0x6c: {  	s30 =	sadd.s32 $0x400, s30;
	v0 =	vld [tilespmem:s1+$0xFFFFFF80]  }
0x6d: {  	v7 =	vld [tilespmem:s31+$0xFFFFFF80];
	[tilespmem:s30+$0x180] =	vst v3  }
0x6e: {  	v1 =	vadd.f32 v4, v1;
	v3 =	vld [tilespmem:s1+$0x190]  }
0x6f: {  	v4 =	vld [tilespmem:s31+$0x190]  }
0x70: {  	[tilespmem:s30+$0xFFFFFE80] =	vst v1;
	v1 =	vadd.f32 v5, v2;
	v2 =	vld [tilespmem:s1+$0x0]  }
0x71: {  	v5 =	vld [tilespmem:s31+$0x0]  }
0x72: {  	[tilespmem:s30+$0xFFFFFF00] =	vst v1;
	v0 =	vadd.f32 v7, v0;
	v1 =	vld [tilespmem:s1+$0x80]  }
0x73: {  	v7 =	vld [tilespmem:s31+$0x80]  }
0x74: {  	[tilespmem:s30+$0xFFFFFF80] =	vst v0;
	v0 =	vld [tilespmem:s1+$0x100];
	v3 =	vadd.f32 v4, v3  }
0x75: {  	v4 =	vld [tilespmem:s31+$0x100]  }
0x76: {  	v8 =	vld [tilespmem:s1+$0xFFFFFE00];
	v2 =	vadd.f32 v5, v2;
	[tilespmem:s30+$0x190] =	vst v3  }
0x77: {  	v3 =	vld [tilespmem:s1+$0x1A0]  }
0x78: {  	[tilespmem:s30+$0x0] =	vst v2;
	v1 =	vadd.f32 v7, v1;
	v2 =	vld [tilespmem:s31+$0x1A0]  }
0x79: {  	v5 =	vld [tilespmem:s1+$0xFFFFFE90]  }
0x7a: {  	v7 =	vld [tilespmem:s31+$0xFFFFFE90];
	[tilespmem:s30+$0x80] =	vst v1;
	v0 =	vadd.f32 v4, v0  }
0x7b: {  	v1 =	vadd.f32 v6, v8;
	v4 =	vld [tilespmem:s1+$0xFFFFFF10]  }
0x7c: {  	v6 =	vld [tilespmem:s31+$0xFFFFFF10];
	[tilespmem:s30+$0x100] =	vst v0  }
0x7d: {  	[tilespmem:s30+$0xFFFFFE00] =	vst v1;
	v0 =	vld [tilespmem:s1+$0xFFFFFF90];
	v1 =	vadd.f32 v2, v3  }
0x7e: {  	v2 =	vld [tilespmem:s1+$0xFFFFFE10]  }
0x7f: {  	v3 =	vld [tilespmem:s31+$0xFFFFFE10];
	v5 =	vadd.f32 v7, v5;
	[tilespmem:s30+$0x1A0] =	vst v1  }
0x80: {  	v1 =	vld [tilespmem:s1+$0x1B0]  }
0x81: {  	[tilespmem:s30+$0xFFFFFE90] =	vst v5;
	v4 =	vadd.f32 v6, v4;
	v5 =	vld [tilespmem:s31+$0x1B0]  }
0x82: {  	v6 =	vld [tilespmem:s31+$0xFFFFFF90]  }
0x83: {  	[tilespmem:s30+$0xFFFFFF10] =	vst v4;
	v4 =	vld [tilespmem:s1+$0x10]  }
0x84: {  	v2 =	vadd.f32 v3, v2;
	v3 =	vld [tilespmem:s31+$0x10]  }
0x85: {  	v7 =	vld [tilespmem:s1+$0x90]  }
0x86: {  	[tilespmem:s30+$0xFFFFFE10] =	vst v2;
	v2 =	vld [tilespmem:s31+$0x90];
	v1 =	vadd.f32 v5, v1  }
0x87: {  	v0 =	vadd.f32 v6, v0;
	v5 =	vld [tilespmem:s1+$0x110]  }
0x88: {  	v6 =	vld [tilespmem:s31+$0x110];
	[tilespmem:s30+$0x1B0] =	vst v1  }
0x89: {  	v1 =	vld [tilespmem:s1+$0xFFFFFE20];
	[tilespmem:s30+$0xFFFFFF90] =	vst v0;
	v0 =	vadd.f32 v3, v4  }
0x8a: {  	v3 =	vld [tilespmem:s31+$0xFFFFFE20]  }
0x8b: {  	v4 =	vld [tilespmem:s1+$0xFFFFFEA0];
	[tilespmem:s30+$0x10] =	vst v0;
	v0 =	vadd.f32 v2, v7  }
0x8c: {  	v2 =	vld [tilespmem:s31+$0xFFFFFEA0]  }
0x8d: {  	v7 =	vld [tilespmem:s1+$0xFFFFFF20];
	[tilespmem:s30+$0x90] =	vst v0;
	v0 =	vadd.f32 v6, v5  }
0x8e: {  	v5 =	vld [tilespmem:s31+$0xFFFFFF20]  }
0x8f: {  	v1 =	vadd.f32 v3, v1;
	v3 =	vld [tilespmem:s1+$0xFFFFFFA0];
	[tilespmem:s30+$0x110] =	vst v0  }
0x90: {  	v0 =	vld [tilespmem:s31+$0xFFFFFFA0]  }
0x91: {  	[tilespmem:s30+$0xFFFFFE20] =	vst v1;
	v1 =	vadd.f32 v2, v4;
	v2 =	vld [tilespmem:s1+$0x20]  }
0x92: {  	v4 =	vld [tilespmem:s31+$0x20]  }
0x93: {  	[tilespmem:s30+$0xFFFFFEA0] =	vst v1;
	v1 =	vadd.f32 v5, v7;
	v5 =	vld [tilespmem:s1+$0xA0]  }
0x94: {  	v6 =	vld [tilespmem:s31+$0xA0]  }
0x95: {  	[tilespmem:s30+$0xFFFFFF20] =	vst v1;
	v0 =	vadd.f32 v0, v3;
	v1 =	vld [tilespmem:s1+$0x120]  }
0x96: {  	v3 =	vld [tilespmem:s31+$0x120]  }
0x97: {  	v7 =	vld [tilespmem:s1+$0xFFFFFE30];
	[tilespmem:s30+$0xFFFFFFA0] =	vst v0;
	v0 =	vadd.f32 v4, v2  }
0x98: {  	v2 =	vld [tilespmem:s31+$0xFFFFFE30]  }
0x99: {  	v4 =	vld [tilespmem:s1+$0xFFFFFEB0];
	[tilespmem:s30+$0x20] =	vst v0;
	v0 =	vadd.f32 v6, v5  }
0x9a: {  	v5 =	vld [tilespmem:s31+$0xFFFFFEB0]  }
0x9b: {  	v6 =	vld [tilespmem:s1+$0xFFFFFF30];
	[tilespmem:s30+$0xA0] =	vst v0;
	v0 =	vadd.f32 v3, v1  }
0x9c: {  	v1 =	vld [tilespmem:s31+$0xFFFFFF30]  }
0x9d: {  	v2 =	vadd.f32 v2, v7;
	v7 =	vld [tilespmem:s1+$0xFFFFFFB0];
	[tilespmem:s30+$0x120] =	vst v0  }
0x9e: {  	v8 =	vld [tilespmem:s31+$0xFFFFFFB0]  }
0x9f: {  	[tilespmem:s30+$0xFFFFFE30] =	vst v2;
	v2 =	vadd.f32 v5, v4;
	v0 =	vld [tilespmem:s1+$0x30]  }
.Ltmp0:
0xa0: {  	v3 =	vld [tilespmem:s31+$0x30];
	(pc) =	sbr.rel @p0 .LBB2_3-.Ltmp0, $4  }
0xa1: {  	[tilespmem:s30+$0xFFFFFEB0] =	vst v2;
	v2 =	vadd.f32 v1, v6;
	v1 =	vld [tilespmem:s1+$0xB0]  }
0xa2: {  	v4 =	vld [tilespmem:s31+$0xB0]  }
0xa3: {  	[tilespmem:s30+$0xFFFFFF30] =	vst v2;
	v6 =	vadd.f32 v8, v7;
	v2 =	vld [tilespmem:s1+$0x130]  }
0xa4: {  	s1 =	sadd.s32 $0x400, s1;
	v5 =	vld [tilespmem:s31+$0x130]  }
0xa5: {  	_ =	sdelay $0x1  }
0xa6: {  	v0 =	vadd.f32 v3, v0;
	s0 =	smul.u32 $0xA0, s28  }
0xa7: {  	[tilespmem:s30+$0xFFFFFFB0] =	vst v6;
	v1 =	vadd.f32 v4, v1  }
0xa8: {  	[tilespmem:s30+$0x30] =	vst v0;
	s0 =	sadd.s32 s7, s0;
	v0 =	vadd.f32 v5, v2  }
0xa9: {  	s0 =	sshll.u32 s0, $0x4;
	[tilespmem:s30+$0xB0] =	vst v1  }
0xaa: {  	s0 =	sadd.s32 s4, s0;
	[tilespmem:s30+$0x130] =	vst v0  }
0xab: {  	[hbm4b:s0+s2] =	stream.linear.scatter [tilespmem:s19], [sflag:$0x5], $0x2800, $0x38;
	[tilespmem:$0x17000] =	vst v63  }
0xac: {  	_ =	swait.ge [sflag:s20], $0x2800  }
0xad: {  	[sflag:s20] =	ssyncset.done $0x0  }
0xae: {  	[sflag:s20] =	ssyncadd.s32 $0xFFFFD800  }
0xaf: {  	_ =	swait.ge [sflag:s21], $0x2800  }
0xb0: {  	[sflag:s21] =	ssyncset.done $0x0  }
0xb1: {  	s1 =	simm.s32 $0xD200;
	[sflag:s21] =	ssyncadd.s32 $0xFFFFD800  }
0xb2: {  	s31 =	simm.s32 $0xFA40;
	v0 =	vld [tilespmem:s1+$0x180]  }
0xb3: {  	v1 =	vld [tilespmem:s31+$0x180]  }
0xb4: {  	v2 =	vld [tilespmem:s31+$0xFFFFFE00]  }
0xb5: {  	v3 =	vld [tilespmem:s1+$0xFFFFFE80]  }
0xb6: {  	v4 =	vld [tilespmem:s31+$0xFFFFFE80]  }
0xb7: {  	v5 =	vld [tilespmem:s1+$0xFFFFFF00]  }
0xb8: {  	v6 =	vld [tilespmem:s31+$0xFFFFFF00]  }
0xb9: {  	v7 =	vld [tilespmem:s31+$0xFFFFFF80]  }
0xba: {  	v9 =	vld [tilespmem:s1+$0x0]  }
0xbb: {  	v10 =	vld [tilespmem:s31+$0x0]  }
0xbc: {  	v11 =	vld [tilespmem:s1+$0x80]  }
0xbd: {  	v12 =	vld [tilespmem:s31+$0x80];
	v0 =	vadd.f32 v1, v0  }
0xbe: {  	s30 =	simm.s32 $0x14A00;
	v1 =	vld [tilespmem:s1+$0xFFFFFF80]  }
0xbf: {  	v3 =	vadd.f32 v4, v3;
	v4 =	vld [tilespmem:s1+$0xFFFFFE00];
	[tilespmem:s30+$0x180] =	vst v0  }
0xc0: {  	v0 =	vld [tilespmem:s1+$0x190]  }
0xc1: {  	v8 =	vld [tilespmem:s31+$0x190]  }
0xc2: {  	v13 =	vld [tilespmem:s1+$0x100];
	[tilespmem:s30+$0xFFFFFE80] =	vst v3;
	v3 =	vadd.f32 v6, v5  }
0xc3: {  	v6 =	vld [tilespmem:s1+$0xFFFFFE90]  }
0xc4: {  	[tilespmem:s30+$0xFFFFFF00] =	vst v3;
	v3 =	vld [tilespmem:s31+$0xFFFFFE90];
	v1 =	vadd.f32 v7, v1  }
0xc5: {  	v2 =	vadd.f32 v2, v4;
	v4 =	vld [tilespmem:s1+$0xFFFFFF10]  }
0xc6: {  	[tilespmem:s30+$0xFFFFFF80] =	vst v1;
	v1 =	vld [tilespmem:s31+$0xFFFFFF10];
	v0 =	vadd.f32 v8, v0  }
0xc7: {  	[tilespmem:s30+$0xFFFFFE00] =	vst v2;
	v2 =	vld [tilespmem:s1+$0xFFFFFF90]  }
0xc8: {  	v55 =	vld [tilespmem:s31+$0xFFFFFF90];
	[tilespmem:s30+$0x190] =	vst v0  }
0xc9: {  	v3 =	vadd.f32 v3, v6;
	v0 =	vld [tilespmem:s1+$0x1A0]  }
0xca: {  	v5 =	vld [tilespmem:s31+$0x1A0]  }
0xcb: {  	v8 =	vld [tilespmem:s31+$0x100];
	[tilespmem:s30+$0xFFFFFE90] =	vst v3;
	v1 =	vadd.f32 v1, v4  }
0xcc: {  	v4 =	vld [tilespmem:s1+$0xFFFFFEA0]  }
0xcd: {  	[tilespmem:s30+$0xFFFFFF10] =	vst v1;
	v1 =	vadd.f32 v55, v2;
	v2 =	vld [tilespmem:s31+$0xFFFFFEA0]  }
0xce: {  	v7 =	vld [tilespmem:s31+$0xFFFFFE10]  }
0xcf: {  	v58 =	vld [tilespmem:s1+$0xFFFFFF20];
	v0 =	vadd.f32 v5, v0  }
0xd0: {  	v5 =	vld [tilespmem:s1+$0xFFFFFE10];
	[tilespmem:s30+$0xFFFFFF90] =	vst v1  }
0xd1: {  	v59 =	vld [tilespmem:s1+$0xFFFFFFA0];
	[tilespmem:s30+$0x1A0] =	vst v0;
	v0 =	vadd.f32 v10, v9  }
0xd2: {  	v53 =	vld [tilespmem:s1+$0x1B0];
	v2 =	vadd.f32 v2, v4  }
0xd3: {  	v54 =	vld [tilespmem:s31+$0x1B0];
	[tilespmem:s30+$0x0] =	vst v0;
	v0 =	vadd.f32 v12, v11  }
0xd4: {  	v56 =	vld [tilespmem:s1+$0x10];
	[tilespmem:s30+$0xFFFFFEA0] =	vst v2  }
0xd5: {  	[tilespmem:s30+$0x80] =	vst v0;
	v0 =	vadd.f32 v8, v13;
	v8 =	vld [tilespmem:s31+$0x10]  }
0xd6: {  	v61 =	vld [tilespmem:s1+$0xFFFFFEB0]  }
0xd7: {  	v57 =	vld [tilespmem:s1+$0x90]  }
0xd8: {  	[tilespmem:s30+$0x100] =	vst v0;
	v0 =	vadd.f32 v7, v5;
	v5 =	vld [tilespmem:s31+$0x90]  }
0xd9: {  	v7 =	vld [tilespmem:s1+$0x110]  }
0xda: {  	[tilespmem:s30+$0xFFFFFE10] =	vst v0;
	v0 =	vld [tilespmem:s31+$0x110]  }
0xdb: {  	v6 =	vld [tilespmem:s1+$0xFFFFFE20]  }
0xdc: {  	v3 =	vld [tilespmem:s31+$0xFFFFFE20];
	v1 =	vadd.f32 v8, v56  }
0xdd: {  	v8 =	vld [tilespmem:s31+$0xFFFFFF20]  }
0xde: {  	[tilespmem:s30+$0x10] =	vst v1;
	v1 =	vadd.f32 v5, v57;
	v5 =	vld [tilespmem:s31+$0xFFFFFFA0]  }
0xdf: {  	v60 =	vld [tilespmem:s1+$0x20]  }
0xe0: {  	[tilespmem:s30+$0x90] =	vst v1;
	v0 =	vadd.f32 v0, v7;
	v1 =	vld [tilespmem:s31+$0x20]  }
0xe1: {  	v7 =	vld [tilespmem:s1+$0xA0]  }
0xe2: {  	v3 =	vadd.f32 v3, v6;
	[tilespmem:s30+$0x110] =	vst v0;
	v0 =	vld [tilespmem:s31+$0xA0]  }
0xe3: {  	v2 =	vadd.f32 v8, v58;
	v6 =	vld [tilespmem:s1+$0x120]  }
0xe4: {  	[tilespmem:s30+$0xFFFFFE20] =	vst v3;
	v3 =	vld [tilespmem:s31+$0x120]  }
0xe5: {  	[tilespmem:s30+$0xFFFFFF20] =	vst v2;
	v2 =	vadd.f32 v5, v59;
	v5 =	vld [tilespmem:s31+$0xFFFFFEB0]  }
0xe6: {  	v4 =	vld [tilespmem:s1+$0xFFFFFE30]  }
0xe7: {  	v8 =	vld [tilespmem:s31+$0xFFFFFE30]  }
0xe8: {  	v62 =	vld [tilespmem:s1+$0xFFFFFF30]  }
0xe9: {  	[tilespmem:s30+$0xFFFFFFA0] =	vst v2;
	v1 =	vadd.f32 v1, v60;
	v2 =	vld [tilespmem:s31+$0xFFFFFF30]  }
0xea: {  	v9 =	vadd.f32 v54, v53;
	v63 =	vld [tilespmem:s1+$0xFFFFFFB0]  }
0xeb: {  	[tilespmem:s30+$0x20] =	vst v1;
	v1 =	vadd.f32 v0, v7;
	v7 =	vld [tilespmem:s31+$0xFFFFFFB0]  }
0xec: {  	[tilespmem:s30+$0x1B0] =	vst v9;
	v6 =	vadd.f32 v3, v6;
	v0 =	vld [tilespmem:s1+$0x30]  }
0xed: {  	v3 =	vld [tilespmem:s31+$0x30];
	[tilespmem:s30+$0xA0] =	vst v1;
	v4 =	vadd.f32 v8, v4  }
0xee: {  	[tilespmem:s30+$0x120] =	vst v6;
	v1 =	vld [tilespmem:s1+$0xB0];
	v6 =	vadd.f32 v2, v62  }
0xef: {  	v5 =	vadd.f32 v5, v61;
	[tilespmem:s30+$0xFFFFFE30] =	vst v4;
	v4 =	vld [tilespmem:s31+$0xB0]  }
0xf0: {  	v2 =	vld [tilespmem:s1+$0x130];
	[tilespmem:s30+$0xFFFFFF30] =	vst v6;
	v6 =	vadd.f32 v7, v63  }
0xf1: {  	s0 =	simm.s32 $0x0;
	[tilespmem:s30+$0xFFFFFEB0] =	vst v5;
	v5 =	vld [tilespmem:s31+$0x130];
	s1 =	simm.s32 $0xD600  }
.LBB2_5:
0xf2: {  	v7 =	vld [tilespmem:s1+$0x180];
	[tilespmem:s30+$0xFFFFFFB0] =	vst v6;
	v0 =	vadd.f32 v3, v0;
	s31 =	sadd.s32 $0x400, s31  }
0xf3: {  	v3 =	vld [tilespmem:s31+$0x180]  }
0xf4: {  	v6 =	vld [tilespmem:s31+$0xFFFFFE00];
	[tilespmem:s30+$0x30] =	vst v0;
	v0 =	vadd.f32 v4, v1  }
0xf5: {  	v1 =	vld [tilespmem:s1+$0xFFFFFE80]  }
0xf6: {  	s0 =	sadd.s32 $0x8, s0;
	v4 =	vld [tilespmem:s31+$0xFFFFFE80];
	[tilespmem:s30+$0xB0] =	vst v0;
	v0 =	vadd.f32 v5, v2  }
0xf7: {  	p0 =	slt.u32 s0, $0x48;
	v2 =	vld [tilespmem:s1+$0xFFFFFF00]  }
0xf8: {  	v5 =	vld [tilespmem:s31+$0xFFFFFF00];
	v3 =	vadd.f32 v3, v7;
	[tilespmem:s30+$0x130] =	vst v0  }
0xf9: {  	s30 =	sadd.s32 $0x400, s30;
	v0 =	vld [tilespmem:s1+$0xFFFFFF80]  }
0xfa: {  	v7 =	vld [tilespmem:s31+$0xFFFFFF80];
	[tilespmem:s30+$0x180] =	vst v3  }
0xfb: {  	v1 =	vadd.f32 v4, v1;
	v3 =	vld [tilespmem:s1+$0x190]  }
0xfc: {  	v4 =	vld [tilespmem:s31+$0x190]  }
0xfd: {  	[tilespmem:s30+$0xFFFFFE80] =	vst v1;
	v1 =	vadd.f32 v5, v2;
	v2 =	vld [tilespmem:s1+$0x0]  }
0xfe: {  	v5 =	vld [tilespmem:s31+$0x0]  }
0xff: {  	[tilespmem:s30+$0xFFFFFF00] =	vst v1;
	v0 =	vadd.f32 v7, v0;
	v1 =	vld [tilespmem:s1+$0x80]  }
0x100: {  	v7 =	vld [tilespmem:s31+$0x80]  }
0x101: {  	[tilespmem:s30+$0xFFFFFF80] =	vst v0;
	v0 =	vld [tilespmem:s1+$0x100];
	v3 =	vadd.f32 v4, v3  }
0x102: {  	v4 =	vld [tilespmem:s31+$0x100]  }
0x103: {  	v8 =	vld [tilespmem:s1+$0xFFFFFE00];
	v2 =	vadd.f32 v5, v2;
	[tilespmem:s30+$0x190] =	vst v3  }
0x104: {  	v3 =	vld [tilespmem:s1+$0x1A0]  }
0x105: {  	[tilespmem:s30+$0x0] =	vst v2;
	v1 =	vadd.f32 v7, v1;
	v2 =	vld [tilespmem:s31+$0x1A0]  }
0x106: {  	v5 =	vld [tilespmem:s1+$0xFFFFFE90]  }
0x107: {  	v7 =	vld [tilespmem:s31+$0xFFFFFE90];
	[tilespmem:s30+$0x80] =	vst v1;
	v0 =	vadd.f32 v4, v0  }
0x108: {  	v1 =	vadd.f32 v6, v8;
	v4 =	vld [tilespmem:s1+$0xFFFFFF10]  }
0x109: {  	v6 =	vld [tilespmem:s31+$0xFFFFFF10];
	[tilespmem:s30+$0x100] =	vst v0  }
0x10a: {  	[tilespmem:s30+$0xFFFFFE00] =	vst v1;
	v0 =	vld [tilespmem:s1+$0xFFFFFF90];
	v1 =	vadd.f32 v2, v3  }
0x10b: {  	v2 =	vld [tilespmem:s1+$0xFFFFFE10]  }
0x10c: {  	v3 =	vld [tilespmem:s31+$0xFFFFFE10];
	v5 =	vadd.f32 v7, v5;
	[tilespmem:s30+$0x1A0] =	vst v1  }
0x10d: {  	v1 =	vld [tilespmem:s1+$0x1B0]  }
0x10e: {  	[tilespmem:s30+$0xFFFFFE90] =	vst v5;
	v4 =	vadd.f32 v6, v4;
	v5 =	vld [tilespmem:s31+$0x1B0]  }
0x10f: {  	v6 =	vld [tilespmem:s31+$0xFFFFFF90]  }
0x110: {  	[tilespmem:s30+$0xFFFFFF10] =	vst v4;
	v4 =	vld [tilespmem:s1+$0x10]  }
0x111: {  	v2 =	vadd.f32 v3, v2;
	v3 =	vld [tilespmem:s31+$0x10]  }
0x112: {  	v7 =	vld [tilespmem:s1+$0x90]  }
0x113: {  	[tilespmem:s30+$0xFFFFFE10] =	vst v2;
	v2 =	vld [tilespmem:s31+$0x90];
	v1 =	vadd.f32 v5, v1  }
0x114: {  	v0 =	vadd.f32 v6, v0;
	v5 =	vld [tilespmem:s1+$0x110]  }
0x115: {  	v6 =	vld [tilespmem:s31+$0x110];
	[tilespmem:s30+$0x1B0] =	vst v1  }
0x116: {  	v1 =	vld [tilespmem:s1+$0xFFFFFE20];
	[tilespmem:s30+$0xFFFFFF90] =	vst v0;
	v0 =	vadd.f32 v3, v4  }
0x117: {  	v3 =	vld [tilespmem:s31+$0xFFFFFE20]  }
0x118: {  	v4 =	vld [tilespmem:s1+$0xFFFFFEA0];
	[tilespmem:s30+$0x10] =	vst v0;
	v0 =	vadd.f32 v2, v7  }
0x119: {  	v2 =	vld [tilespmem:s31+$0xFFFFFEA0]  }
0x11a: {  	v7 =	vld [tilespmem:s1+$0xFFFFFF20];
	[tilespmem:s30+$0x90] =	vst v0;
	v0 =	vadd.f32 v6, v5  }
0x11b: {  	v5 =	vld [tilespmem:s31+$0xFFFFFF20]  }
0x11c: {  	v1 =	vadd.f32 v3, v1;
	v3 =	vld [tilespmem:s1+$0xFFFFFFA0];
	[tilespmem:s30+$0x110] =	vst v0  }
0x11d: {  	v0 =	vld [tilespmem:s31+$0xFFFFFFA0]  }
0x11e: {  	[tilespmem:s30+$0xFFFFFE20] =	vst v1;
	v1 =	vadd.f32 v2, v4;
	v2 =	vld [tilespmem:s1+$0x20]  }
0x11f: {  	v4 =	vld [tilespmem:s31+$0x20]  }
0x120: {  	[tilespmem:s30+$0xFFFFFEA0] =	vst v1;
	v1 =	vadd.f32 v5, v7;
	v5 =	vld [tilespmem:s1+$0xA0]  }
0x121: {  	v6 =	vld [tilespmem:s31+$0xA0]  }
0x122: {  	[tilespmem:s30+$0xFFFFFF20] =	vst v1;
	v0 =	vadd.f32 v0, v3;
	v1 =	vld [tilespmem:s1+$0x120]  }
0x123: {  	v3 =	vld [tilespmem:s31+$0x120]  }
0x124: {  	v7 =	vld [tilespmem:s1+$0xFFFFFE30];
	[tilespmem:s30+$0xFFFFFFA0] =	vst v0;
	v0 =	vadd.f32 v4, v2  }
0x125: {  	v2 =	vld [tilespmem:s31+$0xFFFFFE30]  }
0x126: {  	v4 =	vld [tilespmem:s1+$0xFFFFFEB0];
	[tilespmem:s30+$0x20] =	vst v0;
	v0 =	vadd.f32 v6, v5  }
0x127: {  	v5 =	vld [tilespmem:s31+$0xFFFFFEB0]  }
0x128: {  	v6 =	vld [tilespmem:s1+$0xFFFFFF30];
	[tilespmem:s30+$0xA0] =	vst v0;
	v0 =	vadd.f32 v3, v1  }
0x129: {  	v1 =	vld [tilespmem:s31+$0xFFFFFF30]  }
0x12a: {  	v2 =	vadd.f32 v2, v7;
	v7 =	vld [tilespmem:s1+$0xFFFFFFB0];
	[tilespmem:s30+$0x120] =	vst v0  }
0x12b: {  	v8 =	vld [tilespmem:s31+$0xFFFFFFB0]  }
0x12c: {  	[tilespmem:s30+$0xFFFFFE30] =	vst v2;
	v2 =	vadd.f32 v5, v4;
	v0 =	vld [tilespmem:s1+$0x30]  }
.Ltmp1:
0x12d: {  	v3 =	vld [tilespmem:s31+$0x30];
	(pc) =	sbr.rel @p0 .LBB2_5-.Ltmp1, $4  }
0x12e: {  	[tilespmem:s30+$0xFFFFFEB0] =	vst v2;
	v2 =	vadd.f32 v1, v6;
	v1 =	vld [tilespmem:s1+$0xB0]  }
0x12f: {  	v4 =	vld [tilespmem:s31+$0xB0]  }
0x130: {  	[tilespmem:s30+$0xFFFFFF30] =	vst v2;
	v6 =	vadd.f32 v8, v7;
	v2 =	vld [tilespmem:s1+$0x130]  }
0x131: {  	s1 =	sadd.s32 $0x400, s1;
	v5 =	vld [tilespmem:s31+$0x130]  }
0x132: {  	_ =	sdelay $0x1  }
0x133: {  	v0 =	vadd.f32 v3, v0;
	s0 =	smul.u32 $0x50, s29  }
0x134: {  	[tilespmem:s30+$0xFFFFFFB0] =	vst v6;
	v1 =	vadd.f32 v4, v1  }
0x135: {  	[tilespmem:s30+$0x30] =	vst v0;
	s0 =	sadd.s32 s7, s0;
	v63 =	vadd.f32 v5, v2  }
0x136: {  	s0 =	sshll.u32 s0, $0x4;
	[tilespmem:s30+$0xB0] =	vst v1  }
0x137: {  	s28 =	sadd.s32 $0x1, s28;
	s0 =	sadd.s32 s4, s0;
	[tilespmem:s30+$0x130] =	vst v63  }
0x138: {  	[hbm4b:s0+s2] =	stream.linear.scatter [tilespmem:s22], [sflag:$0x5], $0x2800, $0x38;
	[tilespmem:$0x17000] =	vst v63  }
0x139: {  	p0 =	sne.s32 s28, $0x3E;
	_ =	swait.ge [sflag:s23], $0x2800  }
.Ltmp2:
0x13a: {  	[sflag:s23] =	ssyncset.done $0x0;
	(pc) =	sbr.rel @p0 .LBB2_2-.Ltmp2, $4  }
0x13b: {  	[sflag:s23] =	ssyncadd.s32 $0xFFFFD800  }
0x13c: {  	_ =	swait.ge [sflag:s23], $0x2800  }
0x13d: {  	[sflag:s23] =	ssyncset.done $0x0  }
0x13e: {  	[sflag:s23] =	ssyncadd.s32 $0xFFFFD800  }
0x13f: {  	[tilespmem:s13], [sflag:$0x1] =	stream.indirect.gather [hbm4b:s3+s12], $0x80, s24, s12, $0xb8;
	[tilespmem:$0x17000] =	vst v63  }
0x140: {  	_ = 	snop  }
0x141: {  	[tilespmem:s14], [sflag:$0x2] =	stream.indirect.gather [hbm4b:s3+s12], $0x80, s25, s12, $0xb8;
	[tilespmem:$0x17000] =	vst v63  }
0x142: {  	_ =	swait.ge [sflag:s17], $0x2800  }
0x143: {  	[sflag:s17] =	ssyncset.done $0x0  }
0x144: {  	[sflag:s17] =	ssyncadd.s32 $0xFFFFD800  }
0x145: {  	_ =	swait.ge [sflag:s18], $0x2800  }
0x146: {  	[sflag:s18] =	ssyncset.done $0x0  }
0x147: {  	s0 =	simm.s32 $0x8200;
	[sflag:s18] =	ssyncadd.s32 $0xFFFFD800  }
0x148: {  	s28 =	simm.s32 $0xAA40;
	v0 =	vld [tilespmem:s0+$0x180]  }
0x149: {  	v1 =	vld [tilespmem:s28+$0x180]  }
0x14a: {  	v2 =	vld [tilespmem:s28+$0xFFFFFE00]  }
0x14b: {  	v3 =	vld [tilespmem:s0+$0xFFFFFE80]  }
0x14c: {  	v4 =	vld [tilespmem:s28+$0xFFFFFE80]  }
0x14d: {  	v5 =	vld [tilespmem:s0+$0xFFFFFF00]  }
0x14e: {  	v6 =	vld [tilespmem:s28+$0xFFFFFF00]  }
0x14f: {  	v7 =	vld [tilespmem:s28+$0xFFFFFF80]  }
0x150: {  	v9 =	vld [tilespmem:s0+$0x0]  }
0x151: {  	v10 =	vld [tilespmem:s28+$0x0]  }
0x152: {  	v11 =	vld [tilespmem:s0+$0x80]  }
0x153: {  	v12 =	vld [tilespmem:s28+$0x80];
	v0 =	vadd.f32 v1, v0  }
0x154: {  	s29 =	simm.s32 $0x12200;
	v1 =	vld [tilespmem:s0+$0xFFFFFF80]  }
0x155: {  	v3 =	vadd.f32 v4, v3;
	v4 =	vld [tilespmem:s0+$0xFFFFFE00];
	[tilespmem:s29+$0x180] =	vst v0  }
0x156: {  	v0 =	vld [tilespmem:s0+$0x190]  }
0x157: {  	v8 =	vld [tilespmem:s28+$0x190]  }
0x158: {  	v13 =	vld [tilespmem:s0+$0x100];
	[tilespmem:s29+$0xFFFFFE80] =	vst v3;
	v3 =	vadd.f32 v6, v5  }
0x159: {  	v6 =	vld [tilespmem:s0+$0xFFFFFE90]  }
0x15a: {  	[tilespmem:s29+$0xFFFFFF00] =	vst v3;
	v3 =	vld [tilespmem:s28+$0xFFFFFE90];
	v1 =	vadd.f32 v7, v1  }
0x15b: {  	v2 =	vadd.f32 v2, v4;
	v4 =	vld [tilespmem:s0+$0xFFFFFF10]  }
0x15c: {  	[tilespmem:s29+$0xFFFFFF80] =	vst v1;
	v1 =	vld [tilespmem:s28+$0xFFFFFF10];
	v0 =	vadd.f32 v8, v0  }
0x15d: {  	[tilespmem:s29+$0xFFFFFE00] =	vst v2;
	v2 =	vld [tilespmem:s0+$0xFFFFFF90]  }
0x15e: {  	v54 =	vld [tilespmem:s28+$0xFFFFFF90];
	[tilespmem:s29+$0x190] =	vst v0  }
0x15f: {  	v3 =	vadd.f32 v3, v6;
	v0 =	vld [tilespmem:s0+$0x1A0]  }
0x160: {  	v5 =	vld [tilespmem:s28+$0x1A0]  }
0x161: {  	v8 =	vld [tilespmem:s28+$0x100];
	[tilespmem:s29+$0xFFFFFE90] =	vst v3;
	v1 =	vadd.f32 v1, v4  }
0x162: {  	v4 =	vld [tilespmem:s0+$0xFFFFFEA0]  }
0x163: {  	[tilespmem:s29+$0xFFFFFF10] =	vst v1;
	v1 =	vadd.f32 v54, v2;
	v2 =	vld [tilespmem:s28+$0xFFFFFEA0]  }
0x164: {  	v7 =	vld [tilespmem:s28+$0xFFFFFE10]  }
0x165: {  	v57 =	vld [tilespmem:s0+$0xFFFFFF20];
	v0 =	vadd.f32 v5, v0  }
0x166: {  	v5 =	vld [tilespmem:s0+$0xFFFFFE10];
	[tilespmem:s29+$0xFFFFFF90] =	vst v1  }
0x167: {  	v58 =	vld [tilespmem:s0+$0xFFFFFFA0];
	[tilespmem:s29+$0x1A0] =	vst v0;
	v0 =	vadd.f32 v10, v9  }
0x168: {  	v52 =	vld [tilespmem:s0+$0x1B0];
	v2 =	vadd.f32 v2, v4  }
0x169: {  	v53 =	vld [tilespmem:s28+$0x1B0];
	[tilespmem:s29+$0x0] =	vst v0;
	v0 =	vadd.f32 v12, v11  }
0x16a: {  	v55 =	vld [tilespmem:s0+$0x10];
	[tilespmem:s29+$0xFFFFFEA0] =	vst v2  }
0x16b: {  	[tilespmem:s29+$0x80] =	vst v0;
	v0 =	vadd.f32 v8, v13;
	v8 =	vld [tilespmem:s28+$0x10]  }
0x16c: {  	v60 =	vld [tilespmem:s0+$0xFFFFFEB0]  }
0x16d: {  	v56 =	vld [tilespmem:s0+$0x90]  }
0x16e: {  	[tilespmem:s29+$0x100] =	vst v0;
	v0 =	vadd.f32 v7, v5;
	v5 =	vld [tilespmem:s28+$0x90]  }
0x16f: {  	v7 =	vld [tilespmem:s0+$0x110]  }
0x170: {  	[tilespmem:s29+$0xFFFFFE10] =	vst v0;
	v0 =	vld [tilespmem:s28+$0x110]  }
0x171: {  	v6 =	vld [tilespmem:s0+$0xFFFFFE20]  }
0x172: {  	v3 =	vld [tilespmem:s28+$0xFFFFFE20];
	v1 =	vadd.f32 v8, v55  }
0x173: {  	v8 =	vld [tilespmem:s28+$0xFFFFFF20]  }
0x174: {  	[tilespmem:s29+$0x10] =	vst v1;
	v1 =	vadd.f32 v5, v56;
	v5 =	vld [tilespmem:s28+$0xFFFFFFA0]  }
0x175: {  	v59 =	vld [tilespmem:s0+$0x20]  }
0x176: {  	[tilespmem:s29+$0x90] =	vst v1;
	v0 =	vadd.f32 v0, v7;
	v1 =	vld [tilespmem:s28+$0x20]  }
0x177: {  	v7 =	vld [tilespmem:s0+$0xA0]  }
0x178: {  	v3 =	vadd.f32 v3, v6;
	[tilespmem:s29+$0x110] =	vst v0;
	v0 =	vld [tilespmem:s28+$0xA0]  }
0x179: {  	v2 =	vadd.f32 v8, v57;
	v6 =	vld [tilespmem:s0+$0x120]  }
0x17a: {  	[tilespmem:s29+$0xFFFFFE20] =	vst v3;
	v3 =	vld [tilespmem:s28+$0x120]  }
0x17b: {  	[tilespmem:s29+$0xFFFFFF20] =	vst v2;
	v2 =	vadd.f32 v5, v58;
	v5 =	vld [tilespmem:s28+$0xFFFFFEB0]  }
0x17c: {  	v4 =	vld [tilespmem:s0+$0xFFFFFE30]  }
0x17d: {  	v8 =	vld [tilespmem:s28+$0xFFFFFE30]  }
0x17e: {  	v61 =	vld [tilespmem:s0+$0xFFFFFF30]  }
0x17f: {  	v62 =	vld [tilespmem:s28+$0xFFFFFF30];
	[tilespmem:s29+$0xFFFFFFA0] =	vst v2;
	v1 =	vadd.f32 v1, v59  }
0x180: {  	v2 =	vadd.f32 v53, v52;
	v63 =	vld [tilespmem:s0+$0xFFFFFFB0]  }
0x181: {  	[tilespmem:s29+$0x20] =	vst v1;
	v1 =	vadd.f32 v0, v7;
	v7 =	vld [tilespmem:s28+$0xFFFFFFB0]  }
0x182: {  	[tilespmem:s29+$0x1B0] =	vst v2;
	v3 =	vadd.f32 v3, v6;
	v0 =	vld [tilespmem:s0+$0x30]  }
0x183: {  	v2 =	vld [tilespmem:s28+$0x30];
	[tilespmem:s29+$0xA0] =	vst v1;
	v4 =	vadd.f32 v8, v4  }
0x184: {  	[tilespmem:s29+$0x120] =	vst v3;
	v3 =	vadd.f32 v5, v60;
	v1 =	vld [tilespmem:s0+$0xB0]  }
0x185: {  	v5 =	vadd.f32 v62, v61;
	[tilespmem:s29+$0xFFFFFE30] =	vst v4;
	v4 =	vld [tilespmem:s28+$0xB0]  }
0x186: {  	[tilespmem:s29+$0xFFFFFEB0] =	vst v3;
	v3 =	vld [tilespmem:s0+$0x130];
	v6 =	vadd.f32 v7, v63  }
0x187: {  	s1 =	simm.s32 $0x8600;
	s0 =	simm.s32 $0x0;
	[tilespmem:s29+$0xFFFFFF30] =	vst v5;
	v5 =	vld [tilespmem:s28+$0x130]  }
.LBB2_8:
0x188: {  	v7 =	vld [tilespmem:s1+$0x180];
	[tilespmem:s29+$0xFFFFFFB0] =	vst v6;
	v0 =	vadd.f32 v2, v0;
	s28 =	sadd.s32 $0x400, s28  }
0x189: {  	v2 =	vld [tilespmem:s28+$0x180]  }
0x18a: {  	v6 =	vld [tilespmem:s28+$0xFFFFFE00];
	[tilespmem:s29+$0x30] =	vst v0;
	v0 =	vadd.f32 v4, v1  }
0x18b: {  	v1 =	vld [tilespmem:s1+$0xFFFFFE80]  }
0x18c: {  	s0 =	sadd.s32 $0x8, s0;
	v4 =	vld [tilespmem:s28+$0xFFFFFE80];
	[tilespmem:s29+$0xB0] =	vst v0;
	v0 =	vadd.f32 v5, v3  }
0x18d: {  	p0 =	slt.u32 s0, $0x48;
	v3 =	vld [tilespmem:s1+$0xFFFFFF00]  }
0x18e: {  	v5 =	vld [tilespmem:s28+$0xFFFFFF00];
	v2 =	vadd.f32 v2, v7;
	[tilespmem:s29+$0x130] =	vst v0  }
0x18f: {  	s29 =	sadd.s32 $0x400, s29;
	v0 =	vld [tilespmem:s1+$0xFFFFFF80]  }
0x190: {  	v7 =	vld [tilespmem:s28+$0xFFFFFF80];
	[tilespmem:s29+$0x180] =	vst v2  }
0x191: {  	v1 =	vadd.f32 v4, v1;
	v2 =	vld [tilespmem:s1+$0x190]  }
0x192: {  	v4 =	vld [tilespmem:s28+$0x190]  }
0x193: {  	[tilespmem:s29+$0xFFFFFE80] =	vst v1;
	v1 =	vadd.f32 v5, v3;
	v3 =	vld [tilespmem:s1+$0x0]  }
0x194: {  	v5 =	vld [tilespmem:s28+$0x0]  }
0x195: {  	[tilespmem:s29+$0xFFFFFF00] =	vst v1;
	v0 =	vadd.f32 v7, v0;
	v1 =	vld [tilespmem:s1+$0x80]  }
0x196: {  	v7 =	vld [tilespmem:s28+$0x80]  }
0x197: {  	[tilespmem:s29+$0xFFFFFF80] =	vst v0;
	v0 =	vld [tilespmem:s1+$0x100];
	v2 =	vadd.f32 v4, v2  }
0x198: {  	v4 =	vld [tilespmem:s28+$0x100]  }
0x199: {  	v8 =	vld [tilespmem:s1+$0xFFFFFE00];
	v3 =	vadd.f32 v5, v3;
	[tilespmem:s29+$0x190] =	vst v2  }
0x19a: {  	v2 =	vld [tilespmem:s1+$0x1A0]  }
0x19b: {  	[tilespmem:s29+$0x0] =	vst v3;
	v1 =	vadd.f32 v7, v1;
	v3 =	vld [tilespmem:s28+$0x1A0]  }
0x19c: {  	v5 =	vld [tilespmem:s1+$0xFFFFFE90]  }
0x19d: {  	v7 =	vld [tilespmem:s28+$0xFFFFFE90];
	[tilespmem:s29+$0x80] =	vst v1;
	v0 =	vadd.f32 v4, v0  }
0x19e: {  	v1 =	vadd.f32 v6, v8;
	v4 =	vld [tilespmem:s1+$0xFFFFFF10]  }
0x19f: {  	v6 =	vld [tilespmem:s28+$0xFFFFFF10];
	[tilespmem:s29+$0x100] =	vst v0  }
0x1a0: {  	[tilespmem:s29+$0xFFFFFE00] =	vst v1;
	v0 =	vld [tilespmem:s1+$0xFFFFFF90];
	v1 =	vadd.f32 v3, v2  }
0x1a1: {  	v2 =	vld [tilespmem:s1+$0xFFFFFE10]  }
0x1a2: {  	v3 =	vld [tilespmem:s28+$0xFFFFFE10];
	v5 =	vadd.f32 v7, v5;
	[tilespmem:s29+$0x1A0] =	vst v1  }
0x1a3: {  	v1 =	vld [tilespmem:s1+$0x1B0]  }
0x1a4: {  	[tilespmem:s29+$0xFFFFFE90] =	vst v5;
	v4 =	vadd.f32 v6, v4;
	v5 =	vld [tilespmem:s28+$0x1B0]  }
0x1a5: {  	v6 =	vld [tilespmem:s28+$0xFFFFFF90]  }
0x1a6: {  	[tilespmem:s29+$0xFFFFFF10] =	vst v4;
	v4 =	vld [tilespmem:s1+$0x10]  }
0x1a7: {  	v2 =	vadd.f32 v3, v2;
	v3 =	vld [tilespmem:s28+$0x10]  }
0x1a8: {  	v7 =	vld [tilespmem:s1+$0x90]  }
0x1a9: {  	[tilespmem:s29+$0xFFFFFE10] =	vst v2;
	v2 =	vld [tilespmem:s28+$0x90];
	v1 =	vadd.f32 v5, v1  }
0x1aa: {  	v0 =	vadd.f32 v6, v0;
	v5 =	vld [tilespmem:s1+$0x110]  }
0x1ab: {  	v6 =	vld [tilespmem:s28+$0x110];
	[tilespmem:s29+$0x1B0] =	vst v1  }
0x1ac: {  	v1 =	vld [tilespmem:s1+$0xFFFFFE20];
	[tilespmem:s29+$0xFFFFFF90] =	vst v0;
	v0 =	vadd.f32 v3, v4  }
0x1ad: {  	v3 =	vld [tilespmem:s28+$0xFFFFFE20]  }
0x1ae: {  	v4 =	vld [tilespmem:s1+$0xFFFFFEA0];
	[tilespmem:s29+$0x10] =	vst v0;
	v0 =	vadd.f32 v2, v7  }
0x1af: {  	v2 =	vld [tilespmem:s28+$0xFFFFFEA0]  }
0x1b0: {  	v7 =	vld [tilespmem:s1+$0xFFFFFF20];
	[tilespmem:s29+$0x90] =	vst v0;
	v0 =	vadd.f32 v6, v5  }
0x1b1: {  	v5 =	vld [tilespmem:s28+$0xFFFFFF20]  }
0x1b2: {  	v1 =	vadd.f32 v3, v1;
	v3 =	vld [tilespmem:s1+$0xFFFFFFA0];
	[tilespmem:s29+$0x110] =	vst v0  }
0x1b3: {  	v0 =	vld [tilespmem:s28+$0xFFFFFFA0]  }
0x1b4: {  	[tilespmem:s29+$0xFFFFFE20] =	vst v1;
	v1 =	vadd.f32 v2, v4;
	v2 =	vld [tilespmem:s1+$0x20]  }
0x1b5: {  	v4 =	vld [tilespmem:s28+$0x20]  }
0x1b6: {  	[tilespmem:s29+$0xFFFFFEA0] =	vst v1;
	v1 =	vadd.f32 v5, v7;
	v5 =	vld [tilespmem:s1+$0xA0]  }
0x1b7: {  	v6 =	vld [tilespmem:s28+$0xA0]  }
0x1b8: {  	[tilespmem:s29+$0xFFFFFF20] =	vst v1;
	v0 =	vadd.f32 v0, v3;
	v1 =	vld [tilespmem:s1+$0x120]  }
0x1b9: {  	v3 =	vld [tilespmem:s28+$0x120]  }
0x1ba: {  	v7 =	vld [tilespmem:s1+$0xFFFFFE30];
	[tilespmem:s29+$0xFFFFFFA0] =	vst v0;
	v0 =	vadd.f32 v4, v2  }
0x1bb: {  	v2 =	vld [tilespmem:s28+$0xFFFFFE30]  }
0x1bc: {  	v4 =	vld [tilespmem:s1+$0xFFFFFEB0];
	[tilespmem:s29+$0x20] =	vst v0;
	v0 =	vadd.f32 v6, v5  }
0x1bd: {  	v5 =	vld [tilespmem:s28+$0xFFFFFEB0]  }
0x1be: {  	v6 =	vld [tilespmem:s1+$0xFFFFFF30];
	[tilespmem:s29+$0xA0] =	vst v0;
	v0 =	vadd.f32 v3, v1  }
0x1bf: {  	v1 =	vld [tilespmem:s28+$0xFFFFFF30]  }
0x1c0: {  	v2 =	vadd.f32 v2, v7;
	v3 =	vld [tilespmem:s1+$0xFFFFFFB0];
	[tilespmem:s29+$0x120] =	vst v0  }
0x1c1: {  	v7 =	vld [tilespmem:s28+$0xFFFFFFB0]  }
0x1c2: {  	[tilespmem:s29+$0xFFFFFE30] =	vst v2;
	v4 =	vadd.f32 v5, v4;
	v0 =	vld [tilespmem:s1+$0x30]  }
.Ltmp3:
0x1c3: {  	v2 =	vld [tilespmem:s28+$0x30];
	(pc) =	sbr.rel @p0 .LBB2_8-.Ltmp3, $4  }
0x1c4: {  	[tilespmem:s29+$0xFFFFFEB0] =	vst v4;
	v5 =	vadd.f32 v1, v6;
	v1 =	vld [tilespmem:s1+$0xB0]  }
0x1c5: {  	v4 =	vld [tilespmem:s28+$0xB0]  }
0x1c6: {  	[tilespmem:s29+$0xFFFFFF30] =	vst v5;
	v6 =	vadd.f32 v7, v3;
	v3 =	vld [tilespmem:s1+$0x130]  }
0x1c7: {  	s1 =	sadd.s32 $0x400, s1;
	v5 =	vld [tilespmem:s28+$0x130]  }
0x1c8: {  	_ =	sdelay $0x1  }
0x1c9: {  	v0 =	vadd.f32 v2, v0  }
0x1ca: {  	[tilespmem:s29+$0xFFFFFFB0] =	vst v6;
	v1 =	vadd.f32 v4, v1  }
0x1cb: {  	s26 =	sadd.s32 $0x1, s26;
	[tilespmem:s29+$0x30] =	vst v0;
	v63 =	vadd.f32 v5, v3  }
0x1cc: {  	p0 =	sne.s32 s26, s9;
	[tilespmem:s29+$0xB0] =	vst v1  }
.Ltmp4:
0x1cd: {  	[tilespmem:s29+$0x130] =	vst v63;
	(pc) =	sbr.rel @p0 .LBB2_1-.Ltmp4, $4  }
0x1ce: {  	[hbm4b:s8+s2] =	stream.linear.scatter [tilespmem:s19], [sflag:$0x5], $0x2800, $0x38;
	[tilespmem:$0x17000] =	vst v63  }
0x1cf: {  	_ =	swait.ge [sflag:s23], $0x2800  }
0x1d0: {  	[sflag:s23] =	ssyncset.done $0x0  }
0x1d1: {  	[sflag:s23] =	ssyncadd.s32 $0xFFFFD800  }
0x1d2: {  	_ =	sfence.sel $0x180000  }
0x1d3: {  	[bflag:$0x0] =	sbarrier.arrive $0xFFFF  }
0x1d4: {  	_ =	strace $0x90000047  }
0x1d5: {  	s0 =	stileid.u32;
	[bflag:$0x2] =	sbarrier.arrive $0xFFFF  }
0x1d6: {  	p0 =	sne.s32 s0, $0x0;
	s0 =	rddreg [dreg:$0x1]  }
0x1d7: {  	s0 =	sadd.s32 @!p0 $0x100000, s0  }
0x1d8: {  	[sflag:s0] =	ssyncadd.tile.s32 @!p0 $0x1;
	_ =	shalt  }
.Lfunc_end2:
_tile_overlayer_lowered:
.L_overlay_start_2:
0x1d9: {  	(tag) =	ssettag $0x2  }
0x1da: {  	s0 =	rddreg [dreg:$0x0];
	s2 =	stileid.u32  }
0x1db: {  	s1 =	rddreg [dreg:$0x1];
	p0 =	sne.s32 s2, $0x0  }
0x1dc: {  	s3 =	rddreg [dreg:$0x2];
	[bflag:$0x3] =	sbarrier.arrive $0xFFFF;
	s2 =	simm.s32 @!p0 $0x1C06  }
0x1dd: {  	[timem:s3], [sflag:s2] =	dma.local @!p0 [hbm:s0], s1  }
0x1de: {  	s0 =	simm.s32 @!p0 $0x6  }
0x1df: {  	_ =	swait.ge @!p0 [sflag:s0], s1  }
0x1e0: {  	s1 =	ssub.s32 @!p0 $0x0, s1;
	[sflag:s0] =	ssyncset.done @!p0 $0x0  }
0x1e1: {  	[sflag:s0] =	ssyncadd.s32 @!p0 s1  }
0x1e2: {  	[bflag:$0x3] =	sbarrier.arrive $0xFFFF  }
0x1e3: {  	_ =	shalt  }

// kernel: closed_call.23.cloned.1.call-start
scs
__scs_entry_jumppad:
0x0: {  	(pc) =	sbr.rel $0x88, $3  }
0x1: {  	(tag) =	ssettag $0x0;
	lr =	simm.s32 $0x1  }
0x2: {  	[smem:$0x3F2B] =	sst lr;
	_ =	strace $0xD0000000  }
0x3: {  	_ = 	snop  }
0x4: {  	_ = 	snop  }
0x5: {  	_ = 	snop  }
0x6: {  	_ = 	snop  }
0x7: {  	_ = 	snop  }
__scs_overlays_trampoline_lowered:
0x8: {  	[smem:$0x3F3A] =	sst s0  }
0x9: {  	[smem:$0x3F3B] =	sst s1  }
0xa: {  	[smem:$0x3F3C] =	sst s2  }
0xb: {  	[smem:$0x3F3D] =	sst s3  }
0xc: {  	[smem:$0x3F3E] =	sst s4  }
0xd: {  	[smem:$0x3F3F] =	sst s5  }
0xe: {  	[smem:$0x3F40] =	sst s6  }
0xf: {  	[smem:$0x3F41] =	sst s7  }
0x10: {  	[smem:$0x3F42] =	sst s8  }
0x11: {  	[smem:$0x3F43] =	sst s9;
	s0 =	simm.s32 @!p0 $0x0  }
0x12: {  	s1 =	sld [smem:$0x3F29];
	s0 =	simm.s32 @p0 $0x1  }
0x13: {  	[smem:$0x3F44] =	sst s0;
	s0 =	simm.s32 @!p1 $0x0  }
0x14: {  	s2 =	sld [smem:$0x3F28];
	s0 =	simm.s32 @p1 $0x1  }
0x15: {  	[smem:$0x3F45] =	sst s0;
	s0 =	simm.s32 @!p2 $0x0  }
0x16: {  	s3 =	sld [smem:$0x3FDB];
	s0 =	simm.s32 @p2 $0x1  }
0x17: {  	s4 =	simm.s32 $0x1BF5;
	[smem:$0x3F47] =	sst s0  }
0x18: {  	s0 =	sld [smem:$0x3F2A];
	_ =	swait.ge [sflag:s4], $0x0  }
0x19: {  	s7 =	sld [smem:$0x3F2B]  }
0x1a: {  	s8 =	sadd.s32 $0xFFFFE003, lr  }
0x1b: {  	s9 =	sadd.s32 $0xFFFFFEF7, lr;
	s5 =	simm.s32 $0xFFFFFFFF;
	p2 =	slt.u32 s8, $0xFFFFF086  }
0x1c: {  	p1 =	slt.u32 s9, $0xF7A;
	s5 =	simm.s32 @!p2 $0x0  }
0x1d: {  	s5 =	simm.s32 @p1 $0x1;
	p0 =	seq.s32 s7, s2  }
0x1e: {  	s7 =	smul.u32 @!p0 $0xF7A, s2;
	p2 =	seq.s32 @!p0 s5, $0x0  }
0x1f: {  	s9 =	smul.u32 $0xF7A, s1;
	s8 =	simm.s32 @!p0 $0x1BF5;
	p2 =	por !p2, p0  }
0x20: {  	[sflag:s8] =	ssyncset.s32 @!p0 $0xFFFFF086;
	s6 =	sadd.s32 @!p0 s3, s7;
	s7 =	simm.s32 @!p0 $0x108  }
0x21: {  	s3 =	sadd.s32 s3, s9;
	s6 =	sadd.s32 @!p0 $0x88, s6;
	s7 =	simm.s32 @p2 $0x1082  }
0x22: {  	[simem:s7], [sflag:s8] =	dma.local @!p0 [hbm:s6], $0xF7A  }
0x23: {  	s9 =	sor.u32 $0xD0000000, s2;
	s6 =	simm.s32 $0x108;
	_ =	swait.ge @!p0 [sflag:s8], $0x0  }
0x24: {  	s3 =	sadd.s32 $0x88, s3;
	s6 =	simm.s32 @!p1 $0x1082;
	[sflag:s4] =	ssyncset.s32 $0xFFFFF086  }
0x25: {  	[simem:s6], [sflag:s4] =	dma.local [hbm:s3], $0xF7A  }
0x26: {  	[smem:$0x3F2B] =	sst s1;
	(tag) =	ssettag s2;
	_ =	strace s9  }
0x27: {  	s1 =	sld [smem:$0x3F3B]  }
0x28: {  	s2 =	sld [smem:$0x3F3C]  }
0x29: {  	s4 =	sld [smem:$0x3F3E]  }
0x2a: {  	p0 =	seq.s32 s5, $0x0;
	s5 =	sld [smem:$0x3F3F]  }
0x2b: {  	s6 =	sld [smem:$0x3F40]  }
0x2c: {  	s7 =	sld [smem:$0x3F41]  }
0x2d: {  	s3 =	simm.s32 $0x108;
	s8 =	sld [smem:$0x3F42]  }
0x2e: {  	s3 =	simm.s32 @!p0 $0x1082;
	s9 =	sld [smem:$0x3F43]  }
0x2f: {  	lr =	sadd.s32 s0, s3;
	s0 =	sld [smem:$0x3F3A]  }
0x30: {  	s3 =	sld [smem:$0x3F3D]  }
0x31: {  	[smem:$0x3F46] =	sst s10  }
0x32: {  	s10 =	sld [smem:$0x3F44];
	_ =	sdelay $0x3  }
0x33: {  	p0 =	seq.s32 s10, $0x1;
	s10 =	sld [smem:$0x3F46];
	_ =	sdelay $0x3  }
0x34: {  	[smem:$0x3F46] =	sst s10  }
0x35: {  	s10 =	sld [smem:$0x3F45];
	_ =	sdelay $0x3  }
0x36: {  	p1 =	seq.s32 s10, $0x1;
	s10 =	sld [smem:$0x3F46];
	_ =	sdelay $0x3  }
0x37: {  	[smem:$0x3F46] =	sst s10  }
0x38: {  	s10 =	sld [smem:$0x3F47]  }
0x39: {  	_ = 	snop;
	(pc) =	sbr.ind lr, $3  }
0x3a: {  	_ = 	snop  }
0x3b: {  	_ = 	snop  }
0x3c: {  	p2 =	seq.s32 s10, $0x1;
	s10 =	sld [smem:$0x3F46]  }
0x3d: {  	_ =	shalt  }
0x3e: {  	_ =	shalt  }
0x3f: {  	_ =	shalt  }
0x40: {  	_ =	shalt  }
0x41: {  	_ =	shalt  }
0x42: {  	_ =	shalt  }
0x43: {  	_ =	shalt  }
0x44: {  	_ =	shalt  }
0x45: {  	_ =	shalt  }
0x46: {  	_ =	shalt  }
0x47: {  	_ =	shalt  }
0x48: {  	_ =	shalt  }
0x49: {  	_ =	shalt  }
0x4a: {  	_ =	shalt  }
0x4b: {  	_ =	shalt  }
0x4c: {  	_ =	shalt  }
0x4d: {  	_ =	shalt  }
0x4e: {  	_ =	shalt  }
0x4f: {  	_ =	shalt  }
0x50: {  	_ =	shalt  }
0x51: {  	_ =	shalt  }
0x52: {  	_ =	shalt  }
0x53: {  	_ =	shalt  }
0x54: {  	_ =	shalt  }
0x55: {  	_ =	shalt  }
0x56: {  	_ =	shalt  }
0x57: {  	_ =	shalt  }
0x58: {  	_ =	shalt  }
0x59: {  	_ =	shalt  }
0x5a: {  	_ =	shalt  }
0x5b: {  	_ =	shalt  }
0x5c: {  	_ =	shalt  }
0x5d: {  	_ =	shalt  }
0x5e: {  	_ =	shalt  }
0x5f: {  	_ =	shalt  }
0x60: {  	_ =	shalt  }
0x61: {  	_ =	shalt  }
0x62: {  	_ =	shalt  }
0x63: {  	_ =	shalt  }
0x64: {  	_ =	shalt  }
0x65: {  	_ =	shalt  }
0x66: {  	_ =	shalt  }
0x67: {  	_ =	shalt  }
0x68: {  	_ =	shalt  }
0x69: {  	_ =	shalt  }
0x6a: {  	_ =	shalt  }
0x6b: {  	_ =	shalt  }
0x6c: {  	_ =	shalt  }
0x6d: {  	_ =	shalt  }
0x6e: {  	_ =	shalt  }
0x6f: {  	_ =	shalt  }
0x70: {  	_ =	shalt  }
0x71: {  	_ =	shalt  }
0x72: {  	_ =	shalt  }
0x73: {  	_ =	shalt  }
0x74: {  	_ =	shalt  }
0x75: {  	_ =	shalt  }
0x76: {  	_ =	shalt  }
0x77: {  	_ =	shalt  }
0x78: {  	_ =	shalt  }
0x79: {  	_ =	shalt  }
0x7a: {  	_ =	shalt  }
0x7b: {  	_ =	shalt  }
0x7c: {  	_ =	shalt  }
0x7d: {  	_ =	shalt  }
0x7e: {  	_ =	shalt  }
0x7f: {  	_ =	shalt  }
0x80: {  	_ =	shalt  }
0x81: {  	_ =	shalt  }
0x82: {  	_ =	shalt  }
0x83: {  	_ =	shalt  }
0x84: {  	_ =	shalt  }
0x85: {  	_ =	shalt  }
0x86: {  	_ =	shalt  }
0x87: {  	_ =	shalt  }
.Lfunc_end0:
.L_simem_size_0:
called_computation.1_lowered:
.L_overlay_start_0:
0x88: {  	s2 =	sld [smem:$0x3FD9]  }
0x89: {  	s3 =	sld [smem:$0x3FFE];
	_ =	sdelay $0x1  }
0x8a: {  	s1 =	srdreg.scid  }
0x8b: {  	s0 =	sand.u32 $0x1, s1  }
0x8c: {  	s16 =	sshll.u32 s0, $0xA;
	s2 =	sadd.s32 s3, s2  }
0x8d: {  	s2 =	sadd.s32 s2, s16  }
0x8e: {  	[smem:$0x3F52] =	sst s2  }
0x8f: {  	_ = 	snop  }
0x90: {  	(tm) =	ssettm $0x1  }
0x91: {  	s17 =	sld [smem:$0x3FFB];
	_ =	sdelay $0x3  }
0x92: {  	_ =	strace s17  }
0x93: {  	s2 =	sld [smem:$0x3FFC];
	_ =	sdelay $0x3  }
0x94: {  	_ =	strace s2  }
0x95: {  	s2 =	sld [smem:$0x3FFD];
	_ =	sdelay $0x3  }
0x96: {  	_ =	strace s2  }
0x97: {  	_ =	strace $0x8FFFFFFF  }
0x98: {  	s18 =	sld [smem:$0x3FDB];
	_ =	sdelay $0x1  }
0x99: {  	s19 =	simm.s32 $_scs_section_size  }
0x9a: {  	s4 =	simm.s32 $_size__tile_overlayer_lowered;
	s5 =	simm.s32 $_tile_overlayer_lowered  }
0x9b: {  	s22 =	simm.s32 $0x1BFF;
	s21 =	sshll.u32 s5, $0x1;
	s2 =	sadd.s32 s19, s18  }
0x9c: {  	s6 =	simm.s32 $0x0;
	s20 =	sshll.u32 s4, $0x1;
	s4 =	sadd.s32 s21, s2  }
0x9d: {  	[timem:s6], [sflag:s22] =	dma.local [hbm:s4], s20  }
0x9e: {  	_ =	swait.ge [sflag:s22], s20  }
0x9f: {  	s3 =	ssub.s32 $0x0, s20;
	[sflag:s22] =	ssyncset.done $0x0  }
0xa0: {  	[sflag:s22] =	ssyncadd.s32 s3;
	_ =	sdelay $0x1  }
0xa1: {  	s23 =	simm.s32 $0x1B8B  }
0xa2: {  	_ =	swait.ge [sflag:s23], $0x1  }
0xa3: {  	[sflag:s23] =	ssyncset.done $0x0  }
0xa4: {  	s25 =	simm.s32 $0x1B8E;
	s24 =	sld [smem:$0x3FFE];
	[sflag:s23] =	ssyncadd.s32 $0xFFFFFFFF  }
0xa5: {  	s26 =	simm.s32 $execute0_lowered;
	[smem:$0x3FD2] =	sst s25  }
0xa6: {  	s4 =	sshll.u32 s26, $0x1;
	_ =	strace $0x80000049;
	[dreg:$0x1] =	wrdreg $0xFFFFFFFF  }
0xa7: {  	s28 =	simm.s32 $_size_execute0_lowered;
	s2 =	sadd.s32 s2, s4;
	[dreg:$0x0] =	wrdreg $0x0  }
0xa8: {  	s4 =	sshll.u32 s28, $0x1;
	[dreg:$0x2] =	wrdreg s2  }
0xa9: {  	[dreg:$0x3] =	wrdreg s4  }
0xaa: {  	[dreg:$0x4] =	wrdreg $0xC0  }
0xab: {  	_ =	task [dreg:s6], $0x5FFFF  }
0xac: {  	[dreg:$0x1] =	wrdreg $0xFFFFFFFF  }
0xad: {  	[dreg:$0x0] =	wrdreg $0x60  }
0xae: {  	[dreg:$0x2] =	wrdreg s24  }
0xaf: {  	[dreg:$0x3] =	wrdreg $0xB8000  }
0xb0: {  	[dreg:$0x4] =	wrdreg $0x9  }
0xb1: {  	_ =	task.clear_ibuf [dreg:s6], $0x5FFFF;
	_ =	strace $0x90000049  }
0xb2: {  	s29 =	simm.s32 $0x9;
	_ =	strace $0x8000004B  }
0xb3: {  	_ =	swait.ge [sflag:s29], $0x1  }
0xb4: {  	[sflag:s29] =	ssyncadd.s32 $0xFFFFFFFF  }
0xb5: {  	_ =	strace $0x9000004B  }
0xb6: {  	_ =	sfence  }
0xb7: {  	s30 =	sld [smem:$0x0];
	_ =	sdelay $0x2  }
0xb8: {  	s31 =	sshll.u32 s1, $0xD;
	s1 =	sshrl.u32 s1, $0x2  }
0xb9: {  	s3 =	sand.u32 $0x4000, s31;
	s1 =	sadd.s32 s1, s30  }
0xba: {  	s0 =	sor.u32 s3, s0;
	s1 =	sshll.u32 s1, $0x11  }
0xbb: {  	s0 =	sor.u32 s1, s0  }
0xbc: {  	s0 =	sadd.s32 $0x8F2B, s0  }
0xbd: {  	[sflag:s0] =	ssyncadd.remote.s32 $0x1  }
0xbe: {  	_ =	sfence.sel $0xFFFF  }
0xbf: {  	[dreg:$0x0] =	wrdreg $0xFFFFFFFF;
	(pc) =	sbr.abs _section_cstart, $3  }
0xc0: {  	[dreg:$0x1] =	wrdreg $0xFFFFFFFF  }
0xc1: {  	_ =	task.clear_ibuf [dreg:s6], $0x2FFFF;
	_ =	strace $0x9FFFFFFF  }
0xc2: {  	(tm) =	ssettm $0x7FFFFFFF  }
0xc3: {  	_ =	shalt  }
tec
execute0_lowered:
.L_overlay_start_1:
0x0: {  	(tag) =	ssettag $0x1  }
0x1: {  	s0 =	srdreg.scid  }
0x2: {  	s18 =	stileid.u32;
	s3 =	rddreg [dreg:$0x0]  }
0x3: {  	s1 =	sand.u32 $0x1, s0;
	s21 =	sshll.u32 s18, $0x1;
	s8 =	smul.u32 $0x14000, s18  }
0x4: {  	s9 =	sadd.s32 $0xB5000, s3;
	s10 =	smul.u32 $0x280, s18;
	s11 =	sadd.s32 $0xDD000, s3  }
0x5: {  	s4 =	sor.u32 s1, s21;
	s22 =	ssub.s32 $0x2, s1;
	s14 =	smul.u32 $0x140000, s1  }
0x6: {  	s1 =	smul.u32 $0x27100, s1;
	s2 =	sshrl.u32 s22, $0x1;
	s5 =	sshrl.u32 s8, $0x3  }
0x7: {  	s24 =	sor.u32 $0x50, s10;
	s6 =	sadd.s32 $0xA0, s10;
	s12 =	sadd.s32 $0xF0, s10  }
0x8: {  	s30 =	sadd.s32 $0x140, s10;
	s13 =	sadd.s32 $0x190, s10;
	s31 =	sadd.s32 $0x1E0, s10  }
0x9: {  	s10 =	sadd.s32 $0x230, s10;
	s0 =	ssub.s32 s22, s2;
	s23 =	sadd.s32 s9, s5  }
0xa: {  	s2 =	sshll.u32 s24, $0x7;
	s5 =	sshll.u32 s24, $0x4;
	s7 =	sshll.u32 s6, $0x4  }
0xb: {  	s26 =	sshll.u32 s12, $0x4;
	s15 =	sshll.u32 s31, $0x7;
	s8 =	sadd.s32 s8, s14  }
0xc: {  	[dreg:$0x3] =	wrdreg s23;
	s5 =	sadd.s32 s9, s5;
	s25 =	sadd.s32 s9, s7  }
0xd: {  	s7 =	sadd.s32 s9, s26;
	s8 =	sshrl.u32 s8, $0x3;
	s16 =	sadd.s32 s14, s2  }
0xe: {  	s22 =	sadd.s32 s14, s15;
	s26 =	sshll.u32 s4, $0xB;
	[dreg:$0x4] =	wrdreg s5  }
0xf: {  	s0 =	smax.u32 s0, $0x1;
	s5 =	sshll.u32 s6, $0x7;
	[dreg:$0x5] =	wrdreg s25  }
0x10: {  	s6 =	sshll.u32 s12, $0x7;
	[dreg:$0x6] =	wrdreg s7;
	s7 =	sshll.u32 s30, $0x7  }
0x11: {  	s12 =	sshll.u32 s30, $0x4;
	s8 =	sadd.s32 s11, s8;
	s30 =	smul.u32 $0x138800, s4  }
0x12: {  	s4 =	smul.u32 $0x27100, s4;
	s12 =	sadd.s32 s9, s12;
	s17 =	sadd.s32 s14, s7  }
0x13: {  	[dreg:$0x7] =	wrdreg s12;
	s12 =	sshll.u32 s13, $0x7;
	s13 =	sshll.u32 s13, $0x4  }
0x14: {  	[dreg:$0xb] =	wrdreg s8;
	s20 =	sshrl.u32 s17, $0x3;
	s13 =	sadd.s32 s9, s13  }
0x15: {  	s17 =	simm.s32 $0x0;
	[dreg:$0x8] =	wrdreg s13;
	s13 =	sshll.u32 s31, $0x4  }
0x16: {  	s21 =	sadd.s32 s14, s12;
	[smem:$0x7FF] =	sst s17;
	s13 =	sadd.s32 s9, s13  }
0x17: {  	[dreg:$0x9] =	wrdreg s13;
	s13 =	sshll.u32 s10, $0x7;
	s10 =	sshll.u32 s10, $0x4  }
0x18: {  	s31 =	smul.u32 $0x50000, s18;
	s9 =	sadd.s32 s9, s10;
	s10 =	sadd.s32 s14, s5  }
0x19: {  	[dreg:$0xa] =	wrdreg s9;
	s9 =	sshrl.u32 s16, $0x3;
	s16 =	sadd.s32 s14, s6  }
0x1a: {  	s23 =	sadd.s32 s14, s13;
	s8 =	sadd.s32 s11, s9;
	s9 =	sshrl.u32 s16, $0x3  }
0x1b: {  	[dreg:$0xc] =	wrdreg s8;
	s8 =	sshrl.u32 s10, $0x3;
	s19 =	sadd.s32 s11, s9  }
0x1c: {  	s9 =	sshrl.u32 s22, $0x3;
	s8 =	sadd.s32 s11, s8;
	[dreg:$0xe] =	wrdreg s19  }
0x1d: {  	s25 =	sshrl.u32 s23, $0x3;
	s24 =	sadd.s32 s11, s9;
	[dreg:$0xd] =	wrdreg s8  }
0x1e: {  	s14 =	smul.u32 $0x4E200, s18;
	s16 =	sshrl.u32 s31, $0x2;
	[dreg:$0x11] =	wrdreg s24  }
0x1f: {  	s10 =	simm.s32 $0x9000;
	s8 =	sadd.s32 s11, s20;
	s20 =	rddreg [dreg:$0x1]  }
0x20: {  	s9 =	sshrl.u32 s30, $0x3;
	[dreg:$0xf] =	wrdreg s8;
	s8 =	sshrl.u32 s21, $0x3  }
0x21: {  	s21 =	sadd.s32 s16, s20;
	s22 =	sadd.s32 s2, s20;
	s23 =	sadd.s32 s5, s20  }
0x22: {  	s24 =	sadd.s32 s6, s20;
	s28 =	sadd.s32 s15, s20;
	s29 =	sadd.s32 s13, s20  }
0x23: {  	s5 =	simm.s32 $0x7;
	s6 =	simm.s32 $0x1;
	s8 =	sadd.s32 s11, s8  }
0x24: {  	s13 =	simm.s32 $0x5;
	s15 =	simm.s32 $0x0;
	[dreg:$0x10] =	wrdreg s8  }
0x25: {  	s8 =	sadd.s32 s11, s25;
	s25 =	sadd.s32 s7, s20;
	s7 =	simm.s32 $0x50  }
0x26: {  	s11 =	simm.s32 $0x3;
	[dreg:$0x12] =	wrdreg s8;
	s8 =	sadd.s32 s26, s3  }
0x27: {  	s3 =	sadd.s32 $0x586E00, s3;
	s26 =	sadd.s32 s12, s20;
	s12 =	simm.s32 $0x4  }
0x28: {  	s9 =	sadd.s32 s3, s9;
	s19 =	sadd.s32 s3, s4;
	s3 =	sadd.s32 s14, s3  }
0x29: {  	_ =	strace $0x8000004A;
	s18 =	sadd.s32 $0xA5000, s8;
	s4 =	simm.s32 $0x4000  }
0x2a: {  	s8 =	simm.s32 $0x6800;
	s14 =	simm.s32 $0x6;
	s1 =	sadd.s32 s1, s3  }
0x2b: {  	[dreg:$0x13] =	wrdreg s18;
	s30 =	sadd.s32 $0x26700, s9;
	s31 =	sadd.s32 $0x26C00, s9  }
0x2c: {  	s2 =	sadd.s32 $0x500, s19;
	s3 =	sadd.s32 $0xA00, s19;
	[dreg:$0x14] =	wrdreg s30  }
0x2d: {  	s9 =	simm.s32 $0x2;
	[dreg:$0x15] =	wrdreg s31;
	s1 =	sadd.s32 $0xF00, s1  }
.LBB2_1:
0x2e: {  	s16 =	rddreg [dreg:$0x3]  }
0x2f: {  	[tilespmem:s4], [sflag:$0x7] =	stream.linear.gather [hbm4b:s16+s17], $0x2800, $0x38;
	[tilespmem:$0x1F800] =	vst v63  }
0x30: {  	_ =	swait.ge [sflag:s5], $0x2800  }
0x31: {  	[sflag:s5] =	ssyncset.done $0x0  }
0x32: {  	[sflag:s5] =	ssyncadd.s32 $0xFFFFD800  }
0x33: {  	[spmem:s21] =	stream.linear.scatter [tilespmem:s4], [sflag:$0x7], $0x2800, $0x38;
	[tilespmem:$0x1F800] =	vst v63  }
0x34: {  	_ =	swait.ge [sflag:s5], $0x2800  }
0x35: {  	[sflag:s5] =	ssyncset.done $0x0  }
0x36: {  	s18 =	rddreg [dreg:$0x4];
	[sflag:s5] =	ssyncadd.s32 $0xFFFFD800  }
0x37: {  	[tilespmem:s4], [sflag:$0x7] =	stream.linear.gather [hbm4b:s18+s17], $0x2800, $0x38;
	[tilespmem:$0x1F800] =	vst v63  }
0x38: {  	_ =	swait.ge [sflag:s5], $0x2800  }
0x39: {  	[sflag:s5] =	ssyncset.done $0x0  }
0x3a: {  	[sflag:s5] =	ssyncadd.s32 $0xFFFFD800  }
0x3b: {  	[spmem:s22] =	stream.linear.scatter [tilespmem:s4], [sflag:$0x7], $0x2800, $0x38;
	[tilespmem:$0x1F800] =	vst v63  }
0x3c: {  	_ =	swait.ge [sflag:s5], $0x2800  }
0x3d: {  	[sflag:s5] =	ssyncset.done $0x0  }
0x3e: {  	s18 =	rddreg [dreg:$0x5];
	[sflag:s5] =	ssyncadd.s32 $0xFFFFD800  }
0x3f: {  	[tilespmem:s4], [sflag:$0x7] =	stream.linear.gather [hbm4b:s18+s17], $0x2800, $0x38;
	[tilespmem:$0x1F800] =	vst v63  }
0x40: {  	_ =	swait.ge [sflag:s5], $0x2800  }
0x41: {  	[sflag:s5] =	ssyncset.done $0x0  }
0x42: {  	[sflag:s5] =	ssyncadd.s32 $0xFFFFD800  }
0x43: {  	[spmem:s23] =	stream.linear.scatter [tilespmem:s4], [sflag:$0x7], $0x2800, $0x38;
	[tilespmem:$0x1F800] =	vst v63  }
0x44: {  	_ =	swait.ge [sflag:s5], $0x2800  }
0x45: {  	[sflag:s5] =	ssyncset.done $0x0  }
0x46: {  	s18 =	rddreg [dreg:$0x6];
	[sflag:s5] =	ssyncadd.s32 $0xFFFFD800  }
0x47: {  	[tilespmem:s4], [sflag:$0x7] =	stream.linear.gather [hbm4b:s18+s17], $0x2800, $0x38;
	[tilespmem:$0x1F800] =	vst v63  }
0x48: {  	_ =	swait.ge [sflag:s5], $0x2800  }
0x49: {  	[sflag:s5] =	ssyncset.done $0x0  }
0x4a: {  	[sflag:s5] =	ssyncadd.s32 $0xFFFFD800  }
0x4b: {  	[spmem:s24] =	stream.linear.scatter [tilespmem:s4], [sflag:$0x7], $0x2800, $0x38;
	[tilespmem:$0x1F800] =	vst v63  }
0x4c: {  	_ =	swait.ge [sflag:s5], $0x2800  }
0x4d: {  	[sflag:s5] =	ssyncset.done $0x0  }
0x4e: {  	s18 =	rddreg [dreg:$0x7];
	[sflag:s5] =	ssyncadd.s32 $0xFFFFD800  }
0x4f: {  	[tilespmem:s4], [sflag:$0x7] =	stream.linear.gather [hbm4b:s18+s17], $0x2800, $0x38;
	[tilespmem:$0x1F800] =	vst v63  }
0x50: {  	_ =	swait.ge [sflag:s5], $0x2800  }
0x51: {  	[sflag:s5] =	ssyncset.done $0x0  }
0x52: {  	[sflag:s5] =	ssyncadd.s32 $0xFFFFD800  }
0x53: {  	[spmem:s25] =	stream.linear.scatter [tilespmem:s4], [sflag:$0x7], $0x2800, $0x38;
	[tilespmem:$0x1F800] =	vst v63  }
0x54: {  	_ =	swait.ge [sflag:s5], $0x2800  }
0x55: {  	[sflag:s5] =	ssyncset.done $0x0  }
0x56: {  	s18 =	rddreg [dreg:$0x8];
	[sflag:s5] =	ssyncadd.s32 $0xFFFFD800  }
0x57: {  	[tilespmem:s4], [sflag:$0x7] =	stream.linear.gather [hbm4b:s18+s17], $0x2800, $0x38;
	[tilespmem:$0x1F800] =	vst v63  }
0x58: {  	_ =	swait.ge [sflag:s5], $0x2800  }
0x59: {  	[sflag:s5] =	ssyncset.done $0x0  }
0x5a: {  	[sflag:s5] =	ssyncadd.s32 $0xFFFFD800  }
0x5b: {  	[spmem:s26] =	stream.linear.scatter [tilespmem:s4], [sflag:$0x7], $0x2800, $0x38;
	[tilespmem:$0x1F800] =	vst v63  }
0x5c: {  	_ =	swait.ge [sflag:s5], $0x2800  }
0x5d: {  	[sflag:s5] =	ssyncset.done $0x0  }
0x5e: {  	s18 =	rddreg [dreg:$0x9];
	[sflag:s5] =	ssyncadd.s32 $0xFFFFD800  }
0x5f: {  	[tilespmem:s4], [sflag:$0x7] =	stream.linear.gather [hbm4b:s18+s17], $0x2800, $0x38;
	[tilespmem:$0x1F800] =	vst v63  }
0x60: {  	_ =	swait.ge [sflag:s5], $0x2800  }
0x61: {  	[sflag:s5] =	ssyncset.done $0x0  }
0x62: {  	[sflag:s5] =	ssyncadd.s32 $0xFFFFD800  }
0x63: {  	[spmem:s28] =	stream.linear.scatter [tilespmem:s4], [sflag:$0x7], $0x2800, $0x38;
	[tilespmem:$0x1F800] =	vst v63  }
0x64: {  	_ =	swait.ge [sflag:s5], $0x2800  }
0x65: {  	[sflag:s5] =	ssyncset.done $0x0  }
0x66: {  	s18 =	rddreg [dreg:$0xa];
	[sflag:s5] =	ssyncadd.s32 $0xFFFFD800  }
0x67: {  	[tilespmem:s4], [sflag:$0x7] =	stream.linear.gather [hbm4b:s18+s17], $0x2800, $0x38;
	[tilespmem:$0x1F800] =	vst v63  }
0x68: {  	_ =	swait.ge [sflag:s5], $0x2800  }
0x69: {  	[sflag:s5] =	ssyncset.done $0x0  }
0x6a: {  	[sflag:s5] =	ssyncadd.s32 $0xFFFFD800  }
0x6b: {  	[spmem:s29] =	stream.linear.scatter [tilespmem:s4], [sflag:$0x7], $0x2800, $0x38;
	[tilespmem:$0x1F800] =	vst v63  }
0x6c: {  	_ =	swait.ge [sflag:s5], $0x2800  }
0x6d: {  	[sflag:s5] =	ssyncset.done $0x0  }
0x6e: {  	s18 =	rddreg [dreg:$0x13];
	[sflag:s5] =	ssyncadd.s32 $0xFFFFD800  }
0x6f: {  	[tilespmem:s17], [sflag:$0x7] =	stream.linear.gather [hbm4b:s18+s17], $0x3E80, $0x38;
	[tilespmem:$0x1F800] =	vst v63  }
0x70: {  	_ =	swait.ge [sflag:s5], $0x3E80  }
0x71: {  	[sflag:s5] =	ssyncset.done $0x0  }
0x72: {  	[sflag:s5] =	ssyncadd.s32 $0xFFFFC180  }
0x73: {  	[bflag:$0x0] =	sbarrier.arrive $0xFFFF  }
0x74: {  	[tilespmem:s4], [sflag:$0x1] =	stream.linear.gather [hbm4b:s19+s17], $0x2800, $0x38;
	[tilespmem:$0x1F800] =	vst v63  }
0x75: {  	_ =	swait.ge [sflag:s6], $0x2800  }
0x76: {  	[sflag:s6] =	ssyncset.done $0x0  }
0x77: {  	[sflag:s6] =	ssyncadd.s32 $0xFFFFD800  }
0x78: {  	[spmem:s20] =	stream.indirect.scatter.add.f32 [tilespmem:s4], [sflag:$0x4], $0x80, s17, s7, $0xb8;
	[tilespmem:$0x1F800] =	vst v63  }
0x79: {  	_ = 	snop  }
0x7a: {  	[tilespmem:s8], [sflag:$0x2] =	stream.linear.gather [hbm4b:s2+s17], $0x2800, $0x38;
	[tilespmem:$0x1F800] =	vst v63  }
0x7b: {  	_ =	swait.ge [sflag:s9], $0x2800  }
0x7c: {  	[sflag:s9] =	ssyncset.done $0x0  }
0x7d: {  	s18 =	simm.s32 $0x80;
	[sflag:s9] =	ssyncadd.s32 $0xFFFFD800  }
0x7e: {  	[spmem:s20] =	stream.indirect.scatter.add.f32 [tilespmem:s8], [sflag:$0x5], $0x80, s18, s7, $0xb8;
	[tilespmem:$0x1F800] =	vst v63  }
0x7f: {  	_ = 	snop  }
0x80: {  	[tilespmem:s10], [sflag:$0x3] =	stream.linear.gather [hbm4b:s3+s17], $0x2800, $0x38;
	[tilespmem:$0x1F800] =	vst v63  }
0x81: {  	_ =	swait.ge [sflag:s11], $0x2800  }
0x82: {  	[sflag:s11] =	ssyncset.done $0x0  }
0x83: {  	s18 =	simm.s32 $0x100;
	[sflag:s11] =	ssyncadd.s32 $0xFFFFD800  }
0x84: {  	[spmem:s20] =	stream.indirect.scatter.add.f32 [tilespmem:s10], [sflag:$0x6], $0x80, s18, s7, $0xb8;
	[tilespmem:$0x1F800] =	vst v63  }
0x85: {  	_ =	swait.ge [sflag:s12], $0x2800  }
0x86: {  	[sflag:s12] =	ssyncset.done $0x0  }
0x87: {  	[sflag:s12] =	ssyncadd.s32 $0xFFFFD800  }
0x88: {  	[tilespmem:s4], [sflag:$0x1] =	stream.linear.gather [hbm4b:s1+s17], $0x2800, $0x38;
	[tilespmem:$0x1F800] =	vst v63  }
0x89: {  	_ =	swait.ge [sflag:s6], $0x2800  }
0x8a: {  	[sflag:s6] =	ssyncset.done $0x0  }
0x8b: {  	s18 =	simm.s32 $0x180;
	[sflag:s6] =	ssyncadd.s32 $0xFFFFD800  }
0x8c: {  	[spmem:s20] =	stream.indirect.scatter.add.f32 [tilespmem:s4], [sflag:$0x4], $0x80, s18, s7, $0xb8;
	[tilespmem:$0x1F800] =	vst v63  }
0x8d: {  	_ =	swait.ge [sflag:s13], $0x2800  }
0x8e: {  	[sflag:s13] =	ssyncset.done $0x0  }
0x8f: {  	s18 =	sadd.s32 $0x500, s1;
	[sflag:s13] =	ssyncadd.s32 $0xFFFFD800  }
0x90: {  	[tilespmem:s8], [sflag:$0x2] =	stream.linear.gather [hbm4b:s18+s17], $0x2800, $0x38;
	[tilespmem:$0x1F800] =	vst v63  }
0x91: {  	_ =	swait.ge [sflag:s9], $0x2800  }
0x92: {  	[sflag:s9] =	ssyncset.done $0x0  }
0x93: {  	s18 =	simm.s32 $0x200;
	[sflag:s9] =	ssyncadd.s32 $0xFFFFD800  }
0x94: {  	[spmem:s20] =	stream.indirect.scatter.add.f32 [tilespmem:s8], [sflag:$0x5], $0x80, s18, s7, $0xb8;
	[tilespmem:$0x1F800] =	vst v63  }
0x95: {  	_ =	swait.ge [sflag:s14], $0x2800  }
0x96: {  	[sflag:s14] =	ssyncset.done $0x0  }
0x97: {  	s18 =	sadd.s32 $0xA00, s1;
	[sflag:s14] =	ssyncadd.s32 $0xFFFFD800  }
0x98: {  	[tilespmem:s10], [sflag:$0x3] =	stream.linear.gather [hbm4b:s18+s17], $0x2800, $0x38;
	[tilespmem:$0x1F800] =	vst v63  }
0x99: {  	_ =	swait.ge [sflag:s11], $0x2800  }
0x9a: {  	s31 =	simm.s32 $0x280;
	[sflag:s11] =	ssyncset.done $0x0  }
0x9b: {  	s30 =	sadd.s32 $0xF00, s1;
	s16 =	simm.s32 $0x600;
	[sflag:s11] =	ssyncadd.s32 $0xFFFFD800  }
.LBB2_2:
0x9c: {  	[spmem:s20] =	stream.indirect.scatter.add.f32 [tilespmem:s10], [sflag:$0x6], $0x80, s31, s7, $0xb8;
	[tilespmem:$0x1F800] =	vst v63  }
0x9d: {  	s31 =	smov.u32 s16  }
0x9e: {  	p0 =	sne.s32 s16, $0xEA00;
	s16 =	sadd.s32 $0x600, s16;
	_ =	swait.ge [sflag:s12], $0x2800  }
0x9f: {  	[sflag:s12] =	ssyncset.done $0x0  }
0xa0: {  	[sflag:s12] =	ssyncadd.s32 $0xFFFFD800  }
0xa1: {  	[tilespmem:s4], [sflag:$0x1] =	stream.linear.gather [hbm4b:s30+s17], $0x2800, $0x38;
	[tilespmem:$0x1F800] =	vst v63  }
0xa2: {  	_ =	swait.ge [sflag:s6], $0x2800  }
0xa3: {  	s31 =	sshra.s32 s31, $0x2;
	[sflag:s6] =	ssyncset.done $0x0  }
0xa4: {  	s18 =	sadd.s32 $0x180, s31;
	[sflag:s6] =	ssyncadd.s32 $0xFFFFD800  }
0xa5: {  	[spmem:s20] =	stream.indirect.scatter.add.f32 [tilespmem:s4], [sflag:$0x4], $0x80, s18, s7, $0xb8;
	[tilespmem:$0x1F800] =	vst v63  }
0xa6: {  	_ =	swait.ge [sflag:s13], $0x2800  }
0xa7: {  	[sflag:s13] =	ssyncset.done $0x0  }
0xa8: {  	s18 =	sadd.s32 $0x500, s30;
	[sflag:s13] =	ssyncadd.s32 $0xFFFFD800  }
0xa9: {  	[tilespmem:s8], [sflag:$0x2] =	stream.linear.gather [hbm4b:s18+s17], $0x2800, $0x38;
	[tilespmem:$0x1F800] =	vst v63  }
0xaa: {  	_ =	swait.ge [sflag:s9], $0x2800  }
0xab: {  	[sflag:s9] =	ssyncset.done $0x0  }
0xac: {  	s18 =	sadd.s32 $0x200, s31;
	[sflag:s9] =	ssyncadd.s32 $0xFFFFD800  }
0xad: {  	[spmem:s20] =	stream.indirect.scatter.add.f32 [tilespmem:s8], [sflag:$0x5], $0x80, s18, s7, $0xb8;
	[tilespmem:$0x1F800] =	vst v63  }
0xae: {  	_ =	swait.ge [sflag:s14], $0x2800  }
0xaf: {  	[sflag:s14] =	ssyncset.done $0x0  }
.Ltmp0:
0xb0: {  	s18 =	sadd.s32 $0xA00, s30;
	[sflag:s14] =	ssyncadd.s32 $0xFFFFD800;
	(pc) =	sbr.rel @p0 .LBB2_2-.Ltmp0, $4  }
0xb1: {  	[tilespmem:s10], [sflag:$0x3] =	stream.linear.gather [hbm4b:s18+s17], $0x2800, $0x38;
	[tilespmem:$0x1F800] =	vst v63  }
0xb2: {  	_ =	swait.ge [sflag:s11], $0x2800  }
0xb3: {  	[sflag:s11] =	ssyncset.done $0x0  }
0xb4: {  	s31 =	sadd.s32 $0x280, s31;
	s30 =	sadd.s32 $0xF00, s30;
	[sflag:s11] =	ssyncadd.s32 $0xFFFFD800  }
0xb5: {  	[spmem:s20] =	stream.indirect.scatter.add.f32 [tilespmem:s10], [sflag:$0x6], $0x80, s31, s7, $0xb8;
	[tilespmem:$0x1F800] =	vst v63  }
0xb6: {  	_ =	swait.ge [sflag:s12], $0x2800  }
0xb7: {  	[sflag:s12] =	ssyncset.done $0x0  }
0xb8: {  	s16 =	rddreg [dreg:$0x14];
	[sflag:s12] =	ssyncadd.s32 $0xFFFFD800  }
0xb9: {  	[tilespmem:s4], [sflag:$0x1] =	stream.linear.gather [hbm4b:s16+s17], $0x2800, $0x38;
	[tilespmem:$0x1F800] =	vst v63  }
0xba: {  	_ =	swait.ge [sflag:s6], $0x2800  }
0xbb: {  	[sflag:s6] =	ssyncset.done $0x0  }
0xbc: {  	s30 =	simm.s32 $0x3D80;
	[sflag:s6] =	ssyncadd.s32 $0xFFFFD800  }
0xbd: {  	[spmem:s20] =	stream.indirect.scatter.add.f32 [tilespmem:s4], [sflag:$0x4], $0x80, s30, s7, $0xb8;
	[tilespmem:$0x1F800] =	vst v63  }
0xbe: {  	_ =	swait.ge [sflag:s13], $0x2800  }
0xbf: {  	[sflag:s13] =	ssyncset.done $0x0  }
0xc0: {  	s31 =	rddreg [dreg:$0x15];
	[sflag:s13] =	ssyncadd.s32 $0xFFFFD800  }
0xc1: {  	[tilespmem:s8], [sflag:$0x2] =	stream.linear.gather [hbm4b:s31+s17], $0x2800, $0x38;
	[tilespmem:$0x1F800] =	vst v63  }
0xc2: {  	_ =	swait.ge [sflag:s9], $0x2800  }
0xc3: {  	[sflag:s9] =	ssyncset.done $0x0  }
0xc4: {  	s18 =	simm.s32 $0x3E00;
	[sflag:s9] =	ssyncadd.s32 $0xFFFFD800  }
0xc5: {  	[spmem:s20] =	stream.indirect.scatter.add.f32 [tilespmem:s8], [sflag:$0x5], $0x80, s18, s7, $0xb8;
	[tilespmem:$0x1F800] =	vst v63  }
0xc6: {  	_ =	swait.ge [sflag:s14], $0x2800  }
0xc7: {  	[sflag:s14] =	ssyncset.done $0x0  }
0xc8: {  	[sflag:s14] =	ssyncadd.s32 $0xFFFFD800  }
0xc9: {  	_ =	swait.ge [sflag:s12], $0x2800  }
0xca: {  	[sflag:s12] =	ssyncset.done $0x0  }
0xcb: {  	[sflag:s12] =	ssyncadd.s32 $0xFFFFD800  }
0xcc: {  	_ =	swait.ge [sflag:s13], $0x2800  }
0xcd: {  	[sflag:s13] =	ssyncset.done $0x0  }
0xce: {  	[sflag:s13] =	ssyncadd.s32 $0xFFFFD800  }
0xcf: {  	[bflag:$0x0] =	sbarrier.arrive $0xFFFF  }
0xd0: {  	[tilespmem:s4], [sflag:$0x7] =	stream.linear.gather [spmem:s21], $0x2800, $0x38;
	[tilespmem:$0x1F800] =	vst v63  }
0xd1: {  	_ =	swait.ge [sflag:s5], $0x2800  }
0xd2: {  	[sflag:s5] =	ssyncset.done $0x0  }
0xd3: {  	s30 =	rddreg [dreg:$0xb];
	[sflag:s5] =	ssyncadd.s32 $0xFFFFD800  }
0xd4: {  	[hbm4b:s30+s17] =	stream.linear.scatter [tilespmem:s4], [sflag:$0x7], $0x2800, $0x38;
	[tilespmem:$0x1F800] =	vst v63  }
0xd5: {  	_ =	swait.ge [sflag:s5], $0x2800  }
0xd6: {  	[sflag:s5] =	ssyncset.done $0x0  }
0xd7: {  	[sflag:s5] =	ssyncadd.s32 $0xFFFFD800  }
0xd8: {  	[tilespmem:s4], [sflag:$0x7] =	stream.linear.gather [spmem:s22], $0x2800, $0x38;
	[tilespmem:$0x1F800] =	vst v63  }
0xd9: {  	_ =	swait.ge [sflag:s5], $0x2800  }
0xda: {  	[sflag:s5] =	ssyncset.done $0x0  }
0xdb: {  	s31 =	rddreg [dreg:$0xc];
	[sflag:s5] =	ssyncadd.s32 $0xFFFFD800  }
0xdc: {  	[hbm4b:s31+s17] =	stream.linear.scatter [tilespmem:s4], [sflag:$0x7], $0x2800, $0x38;
	[tilespmem:$0x1F800] =	vst v63  }
0xdd: {  	_ =	swait.ge [sflag:s5], $0x2800  }
0xde: {  	[sflag:s5] =	ssyncset.done $0x0  }
0xdf: {  	[sflag:s5] =	ssyncadd.s32 $0xFFFFD800  }
0xe0: {  	[tilespmem:s4], [sflag:$0x7] =	stream.linear.gather [spmem:s23], $0x2800, $0x38;
	[tilespmem:$0x1F800] =	vst v63  }
0xe1: {  	_ =	swait.ge [sflag:s5], $0x2800  }
0xe2: {  	[sflag:s5] =	ssyncset.done $0x0  }
0xe3: {  	s18 =	rddreg [dreg:$0xd];
	[sflag:s5] =	ssyncadd.s32 $0xFFFFD800  }
0xe4: {  	[hbm4b:s18+s17] =	stream.linear.scatter [tilespmem:s4], [sflag:$0x7], $0x2800, $0x38;
	[tilespmem:$0x1F800] =	vst v63  }
0xe5: {  	_ =	swait.ge [sflag:s5], $0x2800  }
0xe6: {  	[sflag:s5] =	ssyncset.done $0x0  }
0xe7: {  	[sflag:s5] =	ssyncadd.s32 $0xFFFFD800  }
0xe8: {  	[tilespmem:s4], [sflag:$0x7] =	stream.linear.gather [spmem:s24], $0x2800, $0x38;
	[tilespmem:$0x1F800] =	vst v63  }
0xe9: {  	_ =	swait.ge [sflag:s5], $0x2800  }
0xea: {  	[sflag:s5] =	ssyncset.done $0x0  }
0xeb: {  	s30 =	rddreg [dreg:$0xe];
	[sflag:s5] =	ssyncadd.s32 $0xFFFFD800  }
0xec: {  	[hbm4b:s30+s17] =	stream.linear.scatter [tilespmem:s4], [sflag:$0x7], $0x2800, $0x38;
	[tilespmem:$0x1F800] =	vst v63  }
0xed: {  	_ =	swait.ge [sflag:s5], $0x2800  }
0xee: {  	[sflag:s5] =	ssyncset.done $0x0  }
0xef: {  	[sflag:s5] =	ssyncadd.s32 $0xFFFFD800  }
0xf0: {  	[tilespmem:s4], [sflag:$0x7] =	stream.linear.gather [spmem:s25], $0x2800, $0x38;
	[tilespmem:$0x1F800] =	vst v63  }
0xf1: {  	_ =	swait.ge [sflag:s5], $0x2800  }
0xf2: {  	[sflag:s5] =	ssyncset.done $0x0  }
0xf3: {  	s31 =	rddreg [dreg:$0xf];
	[sflag:s5] =	ssyncadd.s32 $0xFFFFD800  }
0xf4: {  	[hbm4b:s31+s17] =	stream.linear.scatter [tilespmem:s4], [sflag:$0x7], $0x2800, $0x38;
	[tilespmem:$0x1F800] =	vst v63  }
0xf5: {  	_ =	swait.ge [sflag:s5], $0x2800  }
0xf6: {  	[sflag:s5] =	ssyncset.done $0x0  }
0xf7: {  	[sflag:s5] =	ssyncadd.s32 $0xFFFFD800  }
0xf8: {  	[tilespmem:s4], [sflag:$0x7] =	stream.linear.gather [spmem:s26], $0x2800, $0x38;
	[tilespmem:$0x1F800] =	vst v63  }
0xf9: {  	_ =	swait.ge [sflag:s5], $0x2800  }
0xfa: {  	[sflag:s5] =	ssyncset.done $0x0  }
0xfb: {  	s18 =	rddreg [dreg:$0x10];
	[sflag:s5] =	ssyncadd.s32 $0xFFFFD800  }
0xfc: {  	[hbm4b:s18+s17] =	stream.linear.scatter [tilespmem:s4], [sflag:$0x7], $0x2800, $0x38;
	[tilespmem:$0x1F800] =	vst v63  }
0xfd: {  	_ =	swait.ge [sflag:s5], $0x2800  }
0xfe: {  	[sflag:s5] =	ssyncset.done $0x0  }
0xff: {  	[sflag:s5] =	ssyncadd.s32 $0xFFFFD800  }
0x100: {  	[tilespmem:s4], [sflag:$0x7] =	stream.linear.gather [spmem:s28], $0x2800, $0x38;
	[tilespmem:$0x1F800] =	vst v63  }
0x101: {  	_ =	swait.ge [sflag:s5], $0x2800  }
0x102: {  	[sflag:s5] =	ssyncset.done $0x0  }
0x103: {  	s30 =	rddreg [dreg:$0x11];
	[sflag:s5] =	ssyncadd.s32 $0xFFFFD800  }
0x104: {  	[hbm4b:s30+s17] =	stream.linear.scatter [tilespmem:s4], [sflag:$0x7], $0x2800, $0x38;
	[tilespmem:$0x1F800] =	vst v63  }
0x105: {  	_ =	swait.ge [sflag:s5], $0x2800  }
0x106: {  	[sflag:s5] =	ssyncset.done $0x0  }
0x107: {  	[sflag:s5] =	ssyncadd.s32 $0xFFFFD800  }
0x108: {  	[tilespmem:s4], [sflag:$0x7] =	stream.linear.gather [spmem:s29], $0x2800, $0x38;
	[tilespmem:$0x1F800] =	vst v63  }
0x109: {  	s15 =	sadd.s32 $0x1, s15;
	_ =	swait.ge [sflag:s5], $0x2800  }
0x10a: {  	p0 =	sne.s32 s15, s0;
	[sflag:s5] =	ssyncset.done $0x0  }
.Ltmp1:
0x10b: {  	s31 =	rddreg [dreg:$0x12];
	[sflag:s5] =	ssyncadd.s32 $0xFFFFD800;
	(pc) =	sbr.rel @p0 .LBB2_1-.Ltmp1, $4  }
0x10c: {  	[hbm4b:s31+s17] =	stream.linear.scatter [tilespmem:s4], [sflag:$0x7], $0x2800, $0x38;
	[tilespmem:$0x1F800] =	vst v63  }
0x10d: {  	_ =	swait.ge [sflag:s5], $0x2800  }
0x10e: {  	[sflag:s5] =	ssyncset.done $0x0  }
0x10f: {  	[sflag:s5] =	ssyncadd.s32 $0xFFFFD800  }
0x110: {  	_ =	sfence.sel $0x180000  }
0x111: {  	[bflag:$0x0] =	sbarrier.arrive $0xFFFF  }
0x112: {  	_ =	strace $0x9000004A  }
0x113: {  	s0 =	stileid.u32;
	[bflag:$0x2] =	sbarrier.arrive $0xFFFF  }
0x114: {  	p0 =	sne.s32 s0, $0x0;
	s0 =	rddreg [dreg:$0x2]  }
0x115: {  	s0 =	sadd.s32 @!p0 $0x100000, s0  }
0x116: {  	[sflag:s0] =	ssyncadd.tile.s32 @!p0 $0x1;
	_ =	shalt  }
.Lfunc_end2:
_tile_overlayer_lowered:
.L_overlay_start_2:
0x117: {  	(tag) =	ssettag $0x2  }
0x118: {  	s0 =	rddreg [dreg:$0x0];
	s2 =	stileid.u32  }
0x119: {  	s1 =	rddreg [dreg:$0x1];
	p0 =	sne.s32 s2, $0x0  }
0x11a: {  	s3 =	rddreg [dreg:$0x2];
	[bflag:$0x3] =	sbarrier.arrive $0xFFFF;
	s2 =	simm.s32 @!p0 $0x1C07  }
0x11b: {  	[timem:s3], [sflag:s2] =	dma.local @!p0 [hbm:s0], s1  }
0x11c: {  	s0 =	simm.s32 @!p0 $0x7  }
0x11d: {  	_ =	swait.ge @!p0 [sflag:s0], s1  }
0x11e: {  	s1 =	ssub.s32 @!p0 $0x0, s1;
	[sflag:s0] =	ssyncset.done @!p0 $0x0  }
0x11f: {  	[sflag:s0] =	ssyncadd.s32 @!p0 s1  }
0x120: {  	[bflag:$0x3] =	sbarrier.arrive $0xFFFF  }
0x121: {  	_ =	shalt  }

</sc_bundles>
